<compile_context>
chip_gen: v7x
topology: tpu7x:2x2x1
jax: 0.10.2.dev20260603
libtpu: 0.0.44.dev20260713+nightly
codegen_flags: <defaults>
</compile_context>

<pallas_src>
import functools

import jax
import jax.numpy as jnp
from jax import lax
from jax.experimental import pallas as pl
from jax.experimental.pallas import tpu as pltpu
from jax.experimental.pallas import tpu_sc as plsc

N = 100000
E = 1600000
H = 128
G = 128
BLK = 1024
NBLK = 100
NP = NBLK * BLK
NP16 = NP // 16
EP = 12544
EPE = EP * 128
CPT_A = EP // 32
CPT_E = EP // 16
RANGE = NP // 10
RPAD = 10368

_mesh = plsc.VectorSubcoreMesh(core_axis_name="c", subcore_axis_name="s")


def _sc_degree(edge3):

  @functools.partial(
      pl.kernel,
      out_type=jax.ShapeDtypeStruct((2 * NP,), jnp.float32),
      mesh=_mesh,
      compiler_params=pltpu.CompilerParams(needs_layout_passes=False),
      scratch_types=[
          pltpu.VMEM((56, 128), jnp.int32),
          pltpu.VMEM((1024,), jnp.float32),
          pltpu.VMEM((128,), jnp.float32),
          pltpu.VMEM_SHARED((NP,), jnp.float32),
      ],
  )
  def k(edge_ref, out_ref, dstv, zbuf, ones, acc):
    c = lax.axis_index("c")
    s = lax.axis_index("s")
    z16 = jnp.zeros((16,), jnp.float32)
    o16 = jnp.ones((16,), jnp.float32)

    def init_z(i, _):
      zbuf[pl.ds(i * 16, 16)] = z16
      return 0

    lax.fori_loop(0, 64, init_z, 0)

    def init_o(i, _):
      ones[pl.ds(i * 16, 16)] = o16
      return 0

    lax.fori_loop(0, 8, init_o, 0)

    base = s * NP16

    def zc(j, _):
      pltpu.sync_copy(zbuf, acc.at[pl.ds(base + j * 1024, 1024)])
      return 0

    lax.fori_loop(0, 6, zc, 0)
    pltpu.sync_copy(zbuf.at[pl.ds(0, 256)], acc.at[pl.ds(base + 6144, 256)])
    plsc.subcore_barrier()

    def blk_body(bi, _):
      ch0 = (c * 16 + s) * CPT_A + bi * 56
      pltpu.sync_copy(edge_ref.at[1, pl.ds(ch0, 56)], dstv)

      def ch_body(j, _):
        pltpu.sync_copy(ones, acc.at[dstv.at[j]], add=True)
        return 0

      lax.fori_loop(0, 56, ch_body, 0)
      return 0

    lax.fori_loop(0, 7, blk_body, 0)

    plsc.subcore_barrier()
    pltpu.sync_copy(acc.at[pl.ds(base, NP16)],
                    out_ref.at[pl.ds(c * NP + base, NP16)])

  return k(edge3)


def _sc_agg2(edge3, p0, p1):

  @functools.partial(
      pl.kernel,
      out_type=jax.ShapeDtypeStruct((4 * NP,), jnp.float32),
      mesh=_mesh,
      compiler_params=pltpu.CompilerParams(needs_layout_passes=False),
      scratch_types=[
          pltpu.VMEM((56, 128), jnp.int32),
          pltpu.VMEM((56, 128), jnp.int32),
          pltpu.VMEM((1024,), jnp.float32),
          pltpu.VMEM((128,), jnp.float32),
          pltpu.VMEM((128,), jnp.float32),
          pltpu.VMEM_SHARED((NP,), jnp.float32),
          pltpu.VMEM_SHARED((NP,), jnp.float32),
      ],
  )
  def k(edge_ref, p0_ref, p1_ref, out_ref, srcv, dstv, zbuf, val0, val1,
        acc0, acc1):
    c = lax.axis_index("c")
    s = lax.axis_index("s")
    z16 = jnp.zeros((16,), jnp.float32)

    def init_z(i, _):
      zbuf[pl.ds(i * 16, 16)] = z16
      return 0

    lax.fori_loop(0, 64, init_z, 0)

    base = s * NP16

    def zc(j, _):
      pltpu.sync_copy(zbuf, acc0.at[pl.ds(base + j * 1024, 1024)])
      pltpu.sync_copy(zbuf, acc1.at[pl.ds(base + j * 1024, 1024)])
      return 0

    lax.fori_loop(0, 6, zc, 0)
    pltpu.sync_copy(zbuf.at[pl.ds(0, 256)], acc0.at[pl.ds(base + 6144, 256)])
    pltpu.sync_copy(zbuf.at[pl.ds(0, 256)], acc1.at[pl.ds(base + 6144, 256)])
    plsc.subcore_barrier()

    def blk_body(bi, _):
      ch0 = (c * 16 + s) * CPT_A + bi * 56
      pltpu.sync_copy(edge_ref.at[0, pl.ds(ch0, 56)], srcv)
      pltpu.sync_copy(edge_ref.at[1, pl.ds(ch0, 56)], dstv)

      def ch_body(j, _):
        pltpu.sync_copy(p0_ref.at[srcv.at[j]], val0)
        pltpu.sync_copy(p1_ref.at[srcv.at[j]], val1)
        pltpu.sync_copy(val0, acc0.at[dstv.at[j]], add=True)
        pltpu.sync_copy(val1, acc1.at[dstv.at[j]], add=True)
        return 0

      lax.fori_loop(0, 56, ch_body, 0)
      return 0

    lax.fori_loop(0, 7, blk_body, 0)

    plsc.subcore_barrier()
    pltpu.sync_copy(acc0.at[pl.ds(base, NP16)],
                    out_ref.at[pl.ds(2 * c * NP + base, NP16)])
    pltpu.sync_copy(acc1.at[pl.ds(base, NP16)],
                    out_ref.at[pl.ds((2 * c + 1) * NP + base, NP16)])

  return k(edge3, p0, p1)


def _sc_agg128(edge2, g2):

  @functools.partial(
      pl.kernel,
      out_type=jax.ShapeDtypeStruct((NP, H), jnp.float32),
      mesh=_mesh,
      compiler_params=pltpu.CompilerParams(needs_layout_passes=False),
      scratch_types=[
          pltpu.VMEM((7168,), jnp.int32),
          pltpu.VMEM((7168,), jnp.int32),
          pltpu.VMEM((128, 128), jnp.float32),
          pltpu.VMEM((288,), jnp.int32),
          pltpu.VMEM((288,), jnp.int32),
          pltpu.VMEM((128,), jnp.int32),
          pltpu.VMEM((1, 128), jnp.int32),
          pltpu.SMEM((1,), jnp.int32),
          pltpu.VMEM_SHARED((RPAD, H), jnp.float32),
      ],
  )
  def k(edge_ref, g2_ref, out_ref, srcv, dstv, rowbuf, stage_s, stage_d,
        gidx, didx, cnt_ref, acc):
    c = lax.axis_index("c")
    s = lax.axis_index("s")
    z16 = jnp.zeros((16,), jnp.float32)
    dump_s = jnp.arange(16, dtype=jnp.int32) * 8
    dump_d = RANGE + 12 + jnp.arange(16, dtype=jnp.int32)

    def do_flush():
      def cp(t, _):
        gidx[pl.ds(t * 16, 16)] = stage_s[pl.ds(t * 16, 16)]
        didx[0, pl.ds(t * 16, 16)] = stage_d[pl.ds(t * 16, 16)]
        return 0

      lax.fori_loop(0, 8, cp, 0)
      pltpu.sync_copy(g2_ref.at[gidx], rowbuf)
      pltpu.sync_copy(rowbuf, acc.at[didx.at[0]], add=True)

    def pass_body(r, _):
      lo = (c * 5 + r) * RANGE

      def zr(t, _):
        rowbuf[t // 8, pl.ds((t % 8) * 16, 16)] = z16
        return 0

      lax.fori_loop(0, 1024, zr, 0)
      ab = s * (RPAD // 16)

      def za(j, _):
        pltpu.sync_copy(rowbuf, acc.at[pl.ds(ab + j * 128, 128)])
        return 0

      lax.fori_loop(0, 5, za, 0)
      pltpu.sync_copy(rowbuf.at[pl.ds(0, 8)], acc.at[pl.ds(ab + 640, 8)])
      plsc.subcore_barrier()
      cnt_ref[0] = 0

      def flush_if_full():
        cnt = cnt_ref[0]

        @pl.when(cnt >= 128)
        def _():
          do_flush()

          def sh(t, _):
            stage_s[pl.ds(t * 16, 16)] = stage_s[pl.ds(128 + t * 16, 16)]
            stage_d[pl.ds(t * 16, 16)] = stage_d[pl.ds(128 + t * 16, 16)]
            return 0

          lax.fori_loop(0, 10, sh, 0)
          cnt_ref[0] = cnt - 128

      def blk_body(bi, _):
        e0 = (s * CPT_E + bi * 56) * 128
        pltpu.sync_copy(edge_ref.at[0, pl.ds(e0, 7168)], srcv)
        pltpu.sync_copy(edge_ref.at[1, pl.ds(e0, 7168)], dstv)

        def row(jr, _):
          for u in range(8):
            t = jr * 8 + u
            d = dstv[pl.ds(t * 16, 16)]
            sv = srcv[pl.ds(t * 16, 16)]
            cnt = cnt_ref[0]
            m = (d >= lo) & (d < lo + RANGE)
            mi = m.astype(jnp.int32)
            inc = plsc.cumsum(mi)
            idx = cnt + inc - mi
            plsc.store_scatter(stage_s, [idx], sv, mask=m)
            plsc.store_scatter(stage_d, [idx], d - lo, mask=m)
            cnt_ref[0] = cnt + inc[15]
          flush_if_full()
          flush_if_full()
          return 0

        lax.fori_loop(0, 56, row, 0)
        return 0

      lax.fori_loop(0, 14, blk_body, 0)

      def pad_t(t, _):
        cnt = cnt_ref[0]
        stage_s[pl.ds(cnt + t * 16, 16)] = dump_s
        stage_d[pl.ds(cnt + t * 16, 16)] = dump_d
        return 0

      lax.fori_loop(0, 8, pad_t, 0)
      do_flush()
      plsc.subcore_barrier()

      pltpu.sync_copy(acc.at[pl.ds(s * 640, 640)],
                      out_ref.at[pl.ds(lo + s * 640, 640)])
      plsc.subcore_barrier()
      return 0

    lax.fori_loop(0, 5, pass_body, 0)

  return k(edge2, g2)


def _tc_prep(degpT, x_pad):

  def body(deg_ref, x_ref, dinv_ref, p_ref):
    deg = deg_ref[:, 0:1] + deg_ref[:, 1:2] + 1.0
    dcol = lax.rsqrt(deg)
    dinv_ref[...] = dcol
    p_ref[...] = x_ref[...] * dcol

  return pl.pallas_call(
      body,
      grid=(NBLK,),
      in_specs=[
          pl.BlockSpec((BLK, 2), lambda i: (i, 0)),
          pl.BlockSpec((BLK, 2), lambda i: (i, 0)),
      ],
      out_specs=[
          pl.BlockSpec((BLK, 1), lambda i: (i, 0)),
          pl.BlockSpec((BLK, 2), lambda i: (i, 0)),
      ],
      out_shape=[
          jax.ShapeDtypeStruct((NP, 1), jnp.float32),
          jax.ShapeDtypeStruct((NP, 2), jnp.float32),
      ],
  )(degpT, x_pad)


def _tc_mid(q01, p2, dinv, W1, b1r, W2):

  def body(q, p, dv, w1, b1_, w2, o):
    u = q[...] + p[...]
    h = jnp.dot(u, w1[...], preferred_element_type=jnp.float32)
    h = h * dv[...] + b1_[...]
    h = jnp.maximum(h, 0.0)
    o[...] = jnp.dot(h, w2[...], preferred_element_type=jnp.float32) * dv[...]

  return pl.pallas_call(
      body,
      grid=(NBLK,),
      in_specs=[
          pl.BlockSpec((BLK, 2), lambda i: (i, 0)),
          pl.BlockSpec((BLK, 2), lambda i: (i, 0)),
          pl.BlockSpec((BLK, 1), lambda i: (i, 0)),
          pl.BlockSpec((2, H), lambda i: (0, 0)),
          pl.BlockSpec((1, H), lambda i: (0, 0)),
          pl.BlockSpec((H, H), lambda i: (0, 0)),
      ],
      out_specs=pl.BlockSpec((BLK, H), lambda i: (i, 0)),
      out_shape=jax.ShapeDtypeStruct((NP, H), jnp.float32),
  )(q01, p2, dinv, W1, b1r, W2)


def _tc_final(s2, g2, dinv, batch2, b2r, Wfc, bfcr):

  def body(s2r, g2r, dvr, btr, b2_, wfc, bfc_, o, sums, cnts):
    i = pl.program_id(0)

    @pl.when(i == 0)
    def _():
      sums[...] = jnp.zeros((1, G), jnp.float32)
      cnts[...] = jnp.zeros((1, G), jnp.float32)

    h2 = jnp.maximum((s2r[...] + g2r[...]) * dvr[...] + b2_[...], 0.0)
    t = jnp.dot(h2, wfc[...], preferred_element_type=jnp.float32)
    ids = i * BLK + lax.broadcasted_iota(jnp.int32, (BLK, 1), 0)
    valid = ids < N
    onef = jnp.where((btr[...] == lax.broadcasted_iota(jnp.int32, (1, G), 1))
                     & valid, 1.0, 0.0)
    tm = jnp.where(valid, t, 0.0)
    sums[...] += lax.dot_general(tm, onef, (((0,), (0,)), ((), ())),
                                 preferred_element_type=jnp.float32)
    cnts[...] += jnp.sum(onef, axis=0, keepdims=True)

    @pl.when(i == NBLK - 1)
    def _():
      o[...] = sums[...] / jnp.maximum(cnts[...], 1.0) + bfc_[...]

  return pl.pallas_call(
      body,
      grid=(NBLK,),
      in_specs=[
          pl.BlockSpec((BLK, H), lambda i: (i, 0)),
          pl.BlockSpec((BLK, H), lambda i: (i, 0)),
          pl.BlockSpec((BLK, 1), lambda i: (i, 0)),
          pl.BlockSpec((BLK, 1), lambda i: (i, 0)),
          pl.BlockSpec((1, H), lambda i: (0, 0)),
          pl.BlockSpec((H, 1), lambda i: (0, 0)),
          pl.BlockSpec((1, 1), lambda i: (0, 0)),
      ],
      out_specs=pl.BlockSpec((1, G), lambda i: (0, 0)),
      out_shape=jax.ShapeDtypeStruct((1, G), jnp.float32),
      scratch_shapes=[
          pltpu.VMEM((1, G), jnp.float32),
          pltpu.VMEM((1, G), jnp.float32),
      ],
  )(s2, g2, dinv, batch2, b2r, Wfc, bfcr)


def kernel(x, edge_index, batch, W1, b1, W2, b2, Wfc, bfc):
  x_pad = jnp.zeros((NP, 2), jnp.float32).at[:N].set(x)
  pad_src = jnp.zeros((EPE - E,), jnp.int32)
  pad_dst = jnp.full((EPE - E,), NP - 1, jnp.int32)
  edge2 = jnp.concatenate([edge_index, jnp.stack([pad_src, pad_dst])], axis=1)
  edge3 = edge2.reshape(2, EP, 128)
  batch2 = jnp.zeros((NP, 1), jnp.int32).at[:N, 0].set(batch)
  b1r = b1.reshape(1, H)
  b2r = b2.reshape(1, H)
  bfcr = bfc.reshape(1, 1)

  degp = _sc_degree(edge3).reshape(2, NP)
  dinv, p2 = _tc_prep(degp.T, x_pad)
  p0 = p2[:, 0]
  p1 = p2[:, 1]
  qparts = _sc_agg2(edge3, p0, p1).reshape(2, 2, NP)
  q01 = jnp.stack(
      [qparts[0, 0] + qparts[1, 0], qparts[0, 1] + qparts[1, 1]], axis=1)
  g2 = _tc_mid(q01, p2, dinv, W1, b1r, W2)
  s2 = _sc_agg128(edge2, g2)
  z = _tc_final(s2, g2, dinv, batch2, b2r, Wfc, bfcr)
  return z.reshape(G, 1)

# --- scband reference (transcript-rebuilt; emitter-appended) ---
"""Pipeline reference for scband-gcn-30872224923890 (READ-ONLY COPY).

The authoritative reference and input builder live on the scoring server;
editing this copy changes nothing except your own understanding.
"""

import jax, jax.numpy as jnp
import numpy as np

N = 100000
E = 1600000
HIDDEN = 128
NUM_GRAPHS = 128


def _glorot(key, shape):
    fan_in, fan_out = shape[0], shape[1]
    s = jnp.sqrt(6.0 / (fan_in + fan_out))
    return jax.random.uniform(key, shape, jnp.float32, -s, s)


def setup_inputs(seed: int = 0):
    key = jax.random.key(seed)
    ks = jax.random.split(key, 8)
    x = jax.random.normal(ks[0], (N, 2), dtype=jnp.float32)
    edge_index = jax.random.randint(ks[1], (2, E), 0, N, dtype=jnp.int32)
    batch = jnp.sort(jax.random.randint(ks[2], (N,), 0, NUM_GRAPHS, dtype=jnp.int32))
    W1 = _glorot(ks[3], (2, HIDDEN))
    b1 = jnp.zeros((HIDDEN,), jnp.float32)
    W2 = _glorot(ks[4], (HIDDEN, HIDDEN))
    b2 = jnp.zeros((HIDDEN,), jnp.float32)
    Wfc = _glorot(ks[5], (HIDDEN, 1))
    bfc = jnp.zeros((1,), jnp.float32)
    return {"x": x, "edge_index": edge_index, "batch": batch,
            "W1": W1, "b1": b1, "W2": W2, "b2": b2, "Wfc": Wfc, "bfc": bfc}


def _gcn_conv(x, edge_index, W, b):
    n = x.shape[0]
    loop = jnp.arange(n, dtype=edge_index.dtype)
    src = jnp.concatenate([edge_index[0], loop])
    dst = jnp.concatenate([edge_index[1], loop])
    deg = jnp.zeros((n,), jnp.float32).at[dst].add(1.0)
    dinv = jnp.where(deg > 0, jax.lax.rsqrt(deg), 0.0)
    norm = dinv[src] * dinv[dst]
    h = x @ W
    msg = h[src] * norm[:, None]
    out = jnp.zeros((n, W.shape[1]), jnp.float32).at[dst].add(msg)
    return out + b


def reference(x, edge_index, batch, W1, b1, W2, b2, Wfc, bfc):
    h = _gcn_conv(x, edge_index, W1, b1)
    h = jax.nn.relu(h)
    h = _gcn_conv(h, edge_index, W2, b2)
    h = jax.nn.relu(h)
    sums = jax.ops.segment_sum(h, batch, num_segments=NUM_GRAPHS)
    counts = jax.ops.segment_sum(jnp.ones((h.shape[0],), jnp.float32), batch, num_segments=NUM_GRAPHS)
    pooled = sums / jnp.maximum(counts, 1.0)[:, None]
    return pooled @ Wfc + bfc

if __name__ == "__main__":
    import jax
    _d = setup_inputs()
    print(jax.jit(kernel)(*tuple(_d.values())))

</pallas_src>

<mosaic_0001>
#map = affine_map<(d0, d1) -> (0, 0, 0)>
#map1 = affine_map<(d0, d1) -> (0)>
module attributes {stable_mosaic.version = 14 : i64} {
  func.func @k(%arg0: i32, %arg1: i32, %arg2: memref<2x12544x128xi32, #tpu.memory_space<hbm>>, %arg3: memref<102400xf32, #tpu.memory_space<hbm>>, %arg4: memref<102400xf32, #tpu.memory_space<hbm>>, %arg5: memref<409600xf32, #tpu.memory_space<hbm>>, %arg6: memref<56x128xi32, #tpu.memory_space<vmem>>, %arg7: memref<56x128xi32, #tpu.memory_space<vmem>>, %arg8: memref<1024xf32, #tpu.memory_space<vmem>>, %arg9: memref<128xf32, #tpu.memory_space<vmem>>, %arg10: memref<128xf32, #tpu.memory_space<vmem>>, %arg11: memref<102400xf32, #tpu.memory_space<vmem_shared>>, %arg12: memref<102400xf32, #tpu.memory_space<vmem_shared>>) attributes {dimension_semantics = [#tpu.dimension_semantics<core_parallel>, #tpu.dimension_semantics<subcore_parallel>], iteration_bounds = array<i64: 2, 16>, scalar_prefetch = 0 : i64, scratch_operands = 7 : i64, tpu.core_type = #tpu.core_type<sc_vector_subcore>, window_params = [{transform_indices = #map}, {transform_indices = #map1}, {transform_indices = #map1}, {transform_indices = #map1}]} {
    %broadcast_in_dim3A = arith.constant 0.000000e+00 : f32
    %broadcast_in_dim3A_0 = vector.broadcast %broadcast_in_dim3A : f32 to vector<16xf32>
    %scan3A = arith.constant 0 : i32
    %scan3A_1 = arith.constant 0 : i32
    %scan3A_2 = arith.constant 64 : i32
    %scan3A_3 = arith.addi %scan3A_1, %scan3A_2 : i32
    %scan3A_4 = arith.constant 1 : i32
    %scan3A_5 = scf.for %scan3A_38 = %scan3A_1 to %scan3A_3 step %scan3A_4 iter_args(%scan3A_39 = %scan3A) -> (i32)  : i32 {
      %mul3A_40 = arith.constant 16 : i32
      %mul3A_41 = arith.muli %scan3A_38, %mul3A_40 : i32
      %swap3A = arith.index_cast %mul3A_41 : i32 to index
      %swap3A_42 = tpu.vector_load %arg8[%swap3A] {strides = array<i32>} : memref<1024xf32, #tpu.memory_space<vmem>>, vector<16xf32>,
      tpu.vector_store %arg8[%swap3A], %broadcast_in_dim3A_0 {strides = array<i32>} : memref<1024xf32, #tpu.memory_space<vmem>>, vector<16xf32>,
      %scan3A_43 = arith.constant 0 : i32
      scf.yield %scan3A_43 : i32
    }
    %scan3A_6 = arith.constant 64 : i32
    %mul3A = arith.constant 6400 : i32
    %mul3A_7 = arith.muli %arg1, %mul3A : i32
    %scan3A_8 = arith.constant 0 : i32
    %scan3A_9 = arith.constant 0 : i32
    %scan3A_10 = arith.constant 6 : i32
    %scan3A_11 = arith.addi %scan3A_9, %scan3A_10 : i32
    %scan3A_12 = arith.constant 1 : i32
    %scan3A_13 = scf.for %scan3A_38 = %scan3A_9 to %scan3A_11 step %scan3A_12 iter_args(%scan3A_39 = %scan3A_8) -> (i32)  : i32 {
      %mul3A_40 = arith.constant 1024 : i32
      %mul3A_41 = arith.muli %scan3A_38, %mul3A_40 : i32
      %add3A_42 = arith.addi %mul3A_7, %mul3A_41 : i32
      "tpu.region"() ({
        %run_scoped3A = tpu.sem_alloc : memref<!tpu.dma_semaphore, #tpu.memory_space<semaphore_mem>>
        %dma_start3A = tpu.memref_slice %arg11[%add3A_42] : memref<102400xf32, #tpu.memory_space<vmem_shared>> -> memref<1024xf32, #tpu.memory_space<vmem_shared>>
        %dma_start3A_47 = tpu.memref_slice %arg11[%add3A_42] : memref<102400xf32, #tpu.memory_space<vmem_shared>> -> memref<1024xf32, #tpu.memory_space<vmem_shared>>
        tpu.enqueue_dma source(%arg8 : memref<1024xf32, #tpu.memory_space<vmem>>) target(%dma_start3A_47 : memref<1024xf32, #tpu.memory_space<vmem_shared>>) target_semaphore(%run_scoped3A : memref<!tpu.dma_semaphore, #tpu.memory_space<semaphore_mem>>)
        %dma_wait3A = tpu.memref_slice %arg11[%add3A_42] : memref<102400xf32, #tpu.memory_space<vmem_shared>> -> memref<1024xf32, #tpu.memory_space<vmem_shared>>
        %dma_wait3A_48 = tpu.memref_slice %arg11[%add3A_42] : memref<102400xf32, #tpu.memory_space<vmem_shared>> -> memref<1024xf32, #tpu.memory_space<vmem_shared>>
        tpu.wait_dma2 semaphore(%run_scoped3A : memref<!tpu.dma_semaphore, #tpu.memory_space<semaphore_mem>>) src(%arg8 : memref<1024xf32, #tpu.memory_space<vmem>>) dst(%dma_wait3A_48 : memref<1024xf32, #tpu.memory_space<vmem_shared>>)
        tpu.yield
      }) : () -> ()
      %mul3A_43 = arith.constant 1024 : i32
      %mul3A_44 = arith.muli %scan3A_38, %mul3A_43 : i32
      %add3A_45 = arith.addi %mul3A_7, %mul3A_44 : i32
      "tpu.region"() ({
        %run_scoped3A = tpu.sem_alloc : memref<!tpu.dma_semaphore, #tpu.memory_space<semaphore_mem>>
        %dma_start3A = tpu.memref_slice %arg12[%add3A_45] : memref<102400xf32, #tpu.memory_space<vmem_shared>> -> memref<1024xf32, #tpu.memory_space<vmem_shared>>
        %dma_start3A_47 = tpu.memref_slice %arg12[%add3A_45] : memref<102400xf32, #tpu.memory_space<vmem_shared>> -> memref<1024xf32, #tpu.memory_space<vmem_shared>>
        tpu.enqueue_dma source(%arg8 : memref<1024xf32, #tpu.memory_space<vmem>>) target(%dma_start3A_47 : memref<1024xf32, #tpu.memory_space<vmem_shared>>) target_semaphore(%run_scoped3A : memref<!tpu.dma_semaphore, #tpu.memory_space<semaphore_mem>>)
        %dma_wait3A = tpu.memref_slice %arg12[%add3A_45] : memref<102400xf32, #tpu.memory_space<vmem_shared>> -> memref<1024xf32, #tpu.memory_space<vmem_shared>>
        %dma_wait3A_48 = tpu.memref_slice %arg12[%add3A_45] : memref<102400xf32, #tpu.memory_space<vmem_shared>> -> memref<1024xf32, #tpu.memory_space<vmem_shared>>
        tpu.wait_dma2 semaphore(%run_scoped3A : memref<!tpu.dma_semaphore, #tpu.memory_space<semaphore_mem>>) src(%arg8 : memref<1024xf32, #tpu.memory_space<vmem>>) dst(%dma_wait3A_48 : memref<1024xf32, #tpu.memory_space<vmem_shared>>)
        tpu.yield
      }) : () -> ()
      %scan3A_46 = arith.constant 0 : i32
      scf.yield %scan3A_46 : i32
    }
    %scan3A_14 = arith.constant 6 : i32
    %add3A = arith.constant 6144 : i32
    %add3A_15 = arith.addi %mul3A_7, %add3A : i32
    "tpu.region"() ({
      %run_scoped3A = tpu.sem_alloc : memref<!tpu.dma_semaphore, #tpu.memory_space<semaphore_mem>>
      %dma_start3A = arith.constant 0 : i32
      %dma_start3A_38 = tpu.memref_slice %arg8[%dma_start3A] : memref<1024xf32, #tpu.memory_space<vmem>> -> memref<256xf32, #tpu.memory_space<vmem>>
      %dma_start3A_39 = tpu.memref_slice %arg11[%add3A_15] : memref<102400xf32, #tpu.memory_space<vmem_shared>> -> memref<256xf32, #tpu.memory_space<vmem_shared>>
      %dma_start3A_40 = tpu.memref_slice %arg11[%add3A_15] : memref<102400xf32, #tpu.memory_space<vmem_shared>> -> memref<256xf32, #tpu.memory_space<vmem_shared>>
      %dma_start3A_41 = arith.constant 0 : i32
      %dma_start3A_42 = tpu.memref_slice %arg8[%dma_start3A_41] : memref<1024xf32, #tpu.memory_space<vmem>> -> memref<256xf32, #tpu.memory_space<vmem>>
      tpu.enqueue_dma source(%dma_start3A_42 : memref<256xf32, #tpu.memory_space<vmem>>) target(%dma_start3A_40 : memref<256xf32, #tpu.memory_space<vmem_shared>>) target_semaphore(%run_scoped3A : memref<!tpu.dma_semaphore, #tpu.memory_space<semaphore_mem>>)
      %dma_wait3A = arith.constant 0 : i32
      %dma_wait3A_43 = tpu.memref_slice %arg8[%dma_wait3A] : memref<1024xf32, #tpu.memory_space<vmem>> -> memref<256xf32, #tpu.memory_space<vmem>>
      %dma_wait3A_44 = tpu.memref_slice %arg11[%add3A_15] : memref<102400xf32, #tpu.memory_space<vmem_shared>> -> memref<256xf32, #tpu.memory_space<vmem_shared>>
      %dma_wait3A_45 = tpu.memref_slice %arg11[%add3A_15] : memref<102400xf32, #tpu.memory_space<vmem_shared>> -> memref<256xf32, #tpu.memory_space<vmem_shared>>
      %dma_wait3A_46 = arith.constant 0 : i32
      %dma_wait3A_47 = tpu.memref_slice %arg8[%dma_wait3A_46] : memref<1024xf32, #tpu.memory_space<vmem>> -> memref<256xf32, #tpu.memory_space<vmem>>
      tpu.wait_dma2 semaphore(%run_scoped3A : memref<!tpu.dma_semaphore, #tpu.memory_space<semaphore_mem>>) src(%dma_wait3A_47 : memref<256xf32, #tpu.memory_space<vmem>>) dst(%dma_wait3A_45 : memref<256xf32, #tpu.memory_space<vmem_shared>>)
      tpu.yield
    }) : () -> ()
    %add3A_16 = arith.constant 6144 : i32
    %add3A_17 = arith.addi %mul3A_7, %add3A_16 : i32
    "tpu.region"() ({
      %run_scoped3A = tpu.sem_alloc : memref<!tpu.dma_semaphore, #tpu.memory_space<semaphore_mem>>
      %dma_start3A = arith.constant 0 : i32
      %dma_start3A_38 = tpu.memref_slice %arg8[%dma_start3A] : memref<1024xf32, #tpu.memory_space<vmem>> -> memref<256xf32, #tpu.memory_space<vmem>>
      %dma_start3A_39 = tpu.memref_slice %arg12[%add3A_17] : memref<102400xf32, #tpu.memory_space<vmem_shared>> -> memref<256xf32, #tpu.memory_space<vmem_shared>>
      %dma_start3A_40 = tpu.memref_slice %arg12[%add3A_17] : memref<102400xf32, #tpu.memory_space<vmem_shared>> -> memref<256xf32, #tpu.memory_space<vmem_shared>>
      %dma_start3A_41 = arith.constant 0 : i32
      %dma_start3A_42 = tpu.memref_slice %arg8[%dma_start3A_41] : memref<1024xf32, #tpu.memory_space<vmem>> -> memref<256xf32, #tpu.memory_space<vmem>>
      tpu.enqueue_dma source(%dma_start3A_42 : memref<256xf32, #tpu.memory_space<vmem>>) target(%dma_start3A_40 : memref<256xf32, #tpu.memory_space<vmem_shared>>) target_semaphore(%run_scoped3A : memref<!tpu.dma_semaphore, #tpu.memory_space<semaphore_mem>>)
      %dma_wait3A = arith.constant 0 : i32
      %dma_wait3A_43 = tpu.memref_slice %arg8[%dma_wait3A] : memref<1024xf32, #tpu.memory_space<vmem>> -> memref<256xf32, #tpu.memory_space<vmem>>
      %dma_wait3A_44 = tpu.memref_slice %arg12[%add3A_17] : memref<102400xf32, #tpu.memory_space<vmem_shared>> -> memref<256xf32, #tpu.memory_space<vmem_shared>>
      %dma_wait3A_45 = tpu.memref_slice %arg12[%add3A_17] : memref<102400xf32, #tpu.memory_space<vmem_shared>> -> memref<256xf32, #tpu.memory_space<vmem_shared>>
      %dma_wait3A_46 = arith.constant 0 : i32
      %dma_wait3A_47 = tpu.memref_slice %arg8[%dma_wait3A_46] : memref<1024xf32, #tpu.memory_space<vmem>> -> memref<256xf32, #tpu.memory_space<vmem>>
      tpu.wait_dma2 semaphore(%run_scoped3A : memref<!tpu.dma_semaphore, #tpu.memory_space<semaphore_mem>>) src(%dma_wait3A_47 : memref<256xf32, #tpu.memory_space<vmem>>) dst(%dma_wait3A_45 : memref<256xf32, #tpu.memory_space<vmem_shared>>)
      tpu.yield
    }) : () -> ()
    %barrier3A = arith.constant 0 : index
    tpu.barrier barrier_id(%barrier3A)
    %scan3A_18 = arith.constant 0 : i32
    %scan3A_19 = arith.constant 0 : i32
    %scan3A_20 = arith.constant 7 : i32
    %scan3A_21 = arith.addi %scan3A_19, %scan3A_20 : i32
    %scan3A_22 = arith.constant 1 : i32
    %scan3A_23 = scf.for %scan3A_38 = %scan3A_19 to %scan3A_21 step %scan3A_22 iter_args(%scan3A_39 = %scan3A_18) -> (i32)  : i32 {
      %mul3A_40 = arith.constant 16 : i32
      %mul3A_41 = arith.muli %arg0, %mul3A_40 : i32
      %add3A_42 = arith.addi %mul3A_41, %arg1 : i32
      %mul3A_43 = arith.constant 392 : i32
      %mul3A_44 = arith.muli %add3A_42, %mul3A_43 : i32
      %mul3A_45 = arith.constant 56 : i32
      %mul3A_46 = arith.muli %scan3A_38, %mul3A_45 : i32
      %add3A_47 = arith.addi %mul3A_44, %mul3A_46 : i32
      %run_scoped3A = arith.constant 0 : i32
      "tpu.region"() ({
        %run_scoped3A_57 = tpu.sem_alloc : memref<!tpu.dma_semaphore, #tpu.memory_space<semaphore_mem>>
        %dma_start3A = arith.constant 0 : i32
        %dma_start3A_58 = tpu.memref_slice %arg2[%run_scoped3A, %add3A_47, %dma_start3A] : memref<2x12544x128xi32, #tpu.memory_space<hbm>> -> memref<1x56x128xi32, #tpu.memory_space<hbm>>
        %dma_start3A_59 = tpu.memref_squeeze %dma_start3A_58 : memref<1x56x128xi32, #tpu.memory_space<hbm>> -> memref<56x128xi32, #tpu.memory_space<hbm>>
        %dma_start3A_60 = arith.constant 0 : i32
        %dma_start3A_61 = tpu.memref_slice %arg2[%run_scoped3A, %add3A_47, %dma_start3A_60] : memref<2x12544x128xi32, #tpu.memory_space<hbm>> -> memref<1x56x128xi32, #tpu.memory_space<hbm>>
        %dma_start3A_62 = tpu.memref_squeeze %dma_start3A_61 : memref<1x56x128xi32, #tpu.memory_space<hbm>> -> memref<56x128xi32, #tpu.memory_space<hbm>>
        tpu.enqueue_dma source(%dma_start3A_62 : memref<56x128xi32, #tpu.memory_space<hbm>>) target(%arg6 : memref<56x128xi32, #tpu.memory_space<vmem>>) target_semaphore(%run_scoped3A_57 : memref<!tpu.dma_semaphore, #tpu.memory_space<semaphore_mem>>)
        %dma_wait3A = arith.constant 0 : i32
        %dma_wait3A_63 = tpu.memref_slice %arg2[%run_scoped3A, %add3A_47, %dma_wait3A] : memref<2x12544x128xi32, #tpu.memory_space<hbm>> -> memref<1x56x128xi32, #tpu.memory_space<hbm>>
        %dma_wait3A_64 = tpu.memref_squeeze %dma_wait3A_63 : memref<1x56x128xi32, #tpu.memory_space<hbm>> -> memref<56x128xi32, #tpu.memory_space<hbm>>
        %dma_wait3A_65 = arith.constant 0 : i32
        %dma_wait3A_66 = tpu.memref_slice %arg2[%run_scoped3A, %add3A_47, %dma_wait3A_65] : memref<2x12544x128xi32, #tpu.memory_space<hbm>> -> memref<1x56x128xi32, #tpu.memory_space<hbm>>
        %dma_wait3A_67 = tpu.memref_squeeze %dma_wait3A_66 : memref<1x56x128xi32, #tpu.memory_space<hbm>> -> memref<56x128xi32, #tpu.memory_space<hbm>>
        tpu.wait_dma2 semaphore(%run_scoped3A_57 : memref<!tpu.dma_semaphore, #tpu.memory_space<semaphore_mem>>) src(%dma_wait3A_67 : memref<56x128xi32, #tpu.memory_space<hbm>>) dst(%arg6 : memref<56x128xi32, #tpu.memory_space<vmem>>)
        tpu.yield
      }) : () -> ()
      %run_scoped3A_48 = arith.constant 1 : i32
      "tpu.region"() ({
        %run_scoped3A_57 = tpu.sem_alloc : memref<!tpu.dma_semaphore, #tpu.memory_space<semaphore_mem>>
        %dma_start3A = arith.constant 0 : i32
        %dma_start3A_58 = tpu.memref_slice %arg2[%run_scoped3A_48, %add3A_47, %dma_start3A] : memref<2x12544x128xi32, #tpu.memory_space<hbm>> -> memref<1x56x128xi32, #tpu.memory_space<hbm>>
        %dma_start3A_59 = tpu.memref_squeeze %dma_start3A_58 : memref<1x56x128xi32, #tpu.memory_space<hbm>> -> memref<56x128xi32, #tpu.memory_space<hbm>>
        %dma_start3A_60 = arith.constant 0 : i32
        %dma_start3A_61 = tpu.memref_slice %arg2[%run_scoped3A_48, %add3A_47, %dma_start3A_60] : memref<2x12544x128xi32, #tpu.memory_space<hbm>> -> memref<1x56x128xi32, #tpu.memory_space<hbm>>
        %dma_start3A_62 = tpu.memref_squeeze %dma_start3A_61 : memref<1x56x128xi32, #tpu.memory_space<hbm>> -> memref<56x128xi32, #tpu.memory_space<hbm>>
        tpu.enqueue_dma source(%dma_start3A_62 : memref<56x128xi32, #tpu.memory_space<hbm>>) target(%arg7 : memref<56x128xi32, #tpu.memory_space<vmem>>) target_semaphore(%run_scoped3A_57 : memref<!tpu.dma_semaphore, #tpu.memory_space<semaphore_mem>>)
        %dma_wait3A = arith.constant 0 : i32
        %dma_wait3A_63 = tpu.memref_slice %arg2[%run_scoped3A_48, %add3A_47, %dma_wait3A] : memref<2x12544x128xi32, #tpu.memory_space<hbm>> -> memref<1x56x128xi32, #tpu.memory_space<hbm>>
        %dma_wait3A_64 = tpu.memref_squeeze %dma_wait3A_63 : memref<1x56x128xi32, #tpu.memory_space<hbm>> -> memref<56x128xi32, #tpu.memory_space<hbm>>
        %dma_wait3A_65 = arith.constant 0 : i32
        %dma_wait3A_66 = tpu.memref_slice %arg2[%run_scoped3A_48, %add3A_47, %dma_wait3A_65] : memref<2x12544x128xi32, #tpu.memory_space<hbm>> -> memref<1x56x128xi32, #tpu.memory_space<hbm>>
        %dma_wait3A_67 = tpu.memref_squeeze %dma_wait3A_66 : memref<1x56x128xi32, #tpu.memory_space<hbm>> -> memref<56x128xi32, #tpu.memory_space<hbm>>
        tpu.wait_dma2 semaphore(%run_scoped3A_57 : memref<!tpu.dma_semaphore, #tpu.memory_space<semaphore_mem>>) src(%dma_wait3A_67 : memref<56x128xi32, #tpu.memory_space<hbm>>) dst(%arg7 : memref<56x128xi32, #tpu.memory_space<vmem>>)
        tpu.yield
      }) : () -> ()
      %scan3A_49 = arith.constant 0 : i32
      %scan3A_50 = arith.constant 0 : i32
      %scan3A_51 = arith.constant 56 : i32
      %scan3A_52 = arith.addi %scan3A_50, %scan3A_51 : i32
      %scan3A_53 = arith.constant 1 : i32
      %scan3A_54 = scf.for %scan3A_57 = %scan3A_50 to %scan3A_52 step %scan3A_53 iter_args(%scan3A_58 = %scan3A_49) -> (i32)  : i32 {
        "tpu.region"() ({
          %run_scoped3A_60 = tpu.sem_alloc : memref<!tpu.dma_semaphore, #tpu.memory_space<semaphore_mem>>
          %dma_start3A = arith.constant 0 : i32
          %dma_start3A_61 = tpu.memref_slice %arg6[%scan3A_57, %dma_start3A] : memref<56x128xi32, #tpu.memory_space<vmem>> -> memref<1x128xi32, #tpu.memory_space<vmem>>
          %dma_start3A_62 = tpu.memref_squeeze %dma_start3A_61 : memref<1x128xi32, #tpu.memory_space<vmem>> -> memref<128xi32, #tpu.memory_space<vmem>>
          %dma_start3A_63 = arith.constant 0 : i32
          %dma_start3A_64 = tpu.memref_slice %arg3[%dma_start3A_63] : memref<102400xf32, #tpu.memory_space<hbm>> -> memref<102400xf32, #tpu.memory_space<hbm>>
          tpu.enqueue_indirect_dma source(%dma_start3A_64 : memref<102400xf32, #tpu.memory_space<hbm>>) target(%arg9 : memref<128xf32, #tpu.memory_space<vmem>>) offsets(%dma_start3A_62 : memref<128xi32, #tpu.memory_space<vmem>>) semaphore(%run_scoped3A_60 : memref<!tpu.dma_semaphore, #tpu.memory_space<semaphore_mem>>)
          %dma_wait3A = arith.constant 0 : i32
          %dma_wait3A_65 = tpu.memref_slice %arg6[%scan3A_57, %dma_wait3A] : memref<56x128xi32, #tpu.memory_space<vmem>> -> memref<1x128xi32, #tpu.memory_space<vmem>>
          %dma_wait3A_66 = tpu.memref_squeeze %dma_wait3A_65 : memref<1x128xi32, #tpu.memory_space<vmem>> -> memref<128xi32, #tpu.memory_space<vmem>>
          %dma_wait3A_67 = arith.constant 0 : i32
          %dma_wait3A_68 = tpu.memref_slice %arg3[%dma_wait3A_67] : memref<102400xf32, #tpu.memory_space<hbm>> -> memref<102400xf32, #tpu.memory_space<hbm>>
          tpu.wait_indirect_dma semaphore(%run_scoped3A_60 : memref<!tpu.dma_semaphore, #tpu.memory_space<semaphore_mem>>) src(%dma_wait3A_68 : memref<102400xf32, #tpu.memory_space<hbm>>) dst(%arg9 : memref<128xf32, #tpu.memory_space<vmem>>)
          tpu.yield
        }) : () -> ()
        "tpu.region"() ({
          %run_scoped3A_60 = tpu.sem_alloc : memref<!tpu.dma_semaphore, #tpu.memory_space<semaphore_mem>>
          %dma_start3A = arith.constant 0 : i32
          %dma_start3A_61 = tpu.memref_slice %arg6[%scan3A_57, %dma_start3A] : memref<56x128xi32, #tpu.memory_space<vmem>> -> memref<1x128xi32, #tpu.memory_space<vmem>>
          %dma_start3A_62 = tpu.memref_squeeze %dma_start3A_61 : memref<1x128xi32, #tpu.memory_space<vmem>> -> memref<128xi32, #tpu.memory_space<vmem>>
          %dma_start3A_63 = arith.constant 0 : i32
          %dma_start3A_64 = tpu.memref_slice %arg4[%dma_start3A_63] : memref<102400xf32, #tpu.memory_space<hbm>> -> memref<102400xf32, #tpu.memory_space<hbm>>
          tpu.enqueue_indirect_dma source(%dma_start3A_64 : memref<102400xf32, #tpu.memory_space<hbm>>) target(%arg10 : memref<128xf32, #tpu.memory_space<vmem>>) offsets(%dma_start3A_62 : memref<128xi32, #tpu.memory_space<vmem>>) semaphore(%run_scoped3A_60 : memref<!tpu.dma_semaphore, #tpu.memory_space<semaphore_mem>>)
          %dma_wait3A = arith.constant 0 : i32
          %dma_wait3A_65 = tpu.memref_slice %arg6[%scan3A_57, %dma_wait3A] : memref<56x128xi32, #tpu.memory_space<vmem>> -> memref<1x128xi32, #tpu.memory_space<vmem>>
          %dma_wait3A_66 = tpu.memref_squeeze %dma_wait3A_65 : memref<1x128xi32, #tpu.memory_space<vmem>> -> memref<128xi32, #tpu.memory_space<vmem>>
          %dma_wait3A_67 = arith.constant 0 : i32
          %dma_wait3A_68 = tpu.memref_slice %arg4[%dma_wait3A_67] : memref<102400xf32, #tpu.memory_space<hbm>> -> memref<102400xf32, #tpu.memory_space<hbm>>
          tpu.wait_indirect_dma semaphore(%run_scoped3A_60 : memref<!tpu.dma_semaphore, #tpu.memory_space<semaphore_mem>>) src(%dma_wait3A_68 : memref<102400xf32, #tpu.memory_space<hbm>>) dst(%arg10 : memref<128xf32, #tpu.memory_space<vmem>>)
          tpu.yield
        }) : () -> ()
        "tpu.region"() ({
          %run_scoped3A_60 = tpu.sem_alloc : memref<!tpu.dma_semaphore, #tpu.memory_space<semaphore_mem>>
          %dma_start3A = arith.constant 0 : i32
          %dma_start3A_61 = tpu.memref_slice %arg7[%scan3A_57, %dma_start3A] : memref<56x128xi32, #tpu.memory_space<vmem>> -> memref<1x128xi32, #tpu.memory_space<vmem>>
          %dma_start3A_62 = tpu.memref_squeeze %dma_start3A_61 : memref<1x128xi32, #tpu.memory_space<vmem>> -> memref<128xi32, #tpu.memory_space<vmem>>
          %dma_start3A_63 = arith.constant 0 : i32
          %dma_start3A_64 = tpu.memref_slice %arg11[%dma_start3A_63] : memref<102400xf32, #tpu.memory_space<vmem_shared>> -> memref<102400xf32, #tpu.memory_space<vmem_shared>>
          tpu.enqueue_indirect_dma source(%arg9 : memref<128xf32, #tpu.memory_space<vmem>>) target(%dma_start3A_64 : memref<102400xf32, #tpu.memory_space<vmem_shared>>) offsets(%dma_start3A_62 : memref<128xi32, #tpu.memory_space<vmem>>) semaphore(%run_scoped3A_60 : memref<!tpu.dma_semaphore, #tpu.memory_space<semaphore_mem>>) {add = true}
          %dma_wait3A = arith.constant 0 : i32
          %dma_wait3A_65 = tpu.memref_slice %arg7[%scan3A_57, %dma_wait3A] : memref<56x128xi32, #tpu.memory_space<vmem>> -> memref<1x128xi32, #tpu.memory_space<vmem>>
          %dma_wait3A_66 = tpu.memref_squeeze %dma_wait3A_65 : memref<1x128xi32, #tpu.memory_space<vmem>> -> memref<128xi32, #tpu.memory_space<vmem>>
          %dma_wait3A_67 = arith.constant 0 : i32
          %dma_wait3A_68 = tpu.memref_slice %arg11[%dma_wait3A_67] : memref<102400xf32, #tpu.memory_space<vmem_shared>> -> memref<102400xf32, #tpu.memory_space<vmem_shared>>
          tpu.wait_indirect_dma semaphore(%run_scoped3A_60 : memref<!tpu.dma_semaphore, #tpu.memory_space<semaphore_mem>>) src(%arg9 : memref<128xf32, #tpu.memory_space<vmem>>) dst(%dma_wait3A_68 : memref<102400xf32, #tpu.memory_space<vmem_shared>>)
          tpu.yield
        }) : () -> ()
        "tpu.region"() ({
          %run_scoped3A_60 = tpu.sem_alloc : memref<!tpu.dma_semaphore, #tpu.memory_space<semaphore_mem>>
          %dma_start3A = arith.constant 0 : i32
          %dma_start3A_61 = tpu.memref_slice %arg7[%scan3A_57, %dma_start3A] : memref<56x128xi32, #tpu.memory_space<vmem>> -> memref<1x128xi32, #tpu.memory_space<vmem>>
          %dma_start3A_62 = tpu.memref_squeeze %dma_start3A_61 : memref<1x128xi32, #tpu.memory_space<vmem>> -> memref<128xi32, #tpu.memory_space<vmem>>
          %dma_start3A_63 = arith.constant 0 : i32
          %dma_start3A_64 = tpu.memref_slice %arg12[%dma_start3A_63] : memref<102400xf32, #tpu.memory_space<vmem_shared>> -> memref<102400xf32, #tpu.memory_space<vmem_shared>>
          tpu.enqueue_indirect_dma source(%arg10 : memref<128xf32, #tpu.memory_space<vmem>>) target(%dma_start3A_64 : memref<102400xf32, #tpu.memory_space<vmem_shared>>) offsets(%dma_start3A_62 : memref<128xi32, #tpu.memory_space<vmem>>) semaphore(%run_scoped3A_60 : memref<!tpu.dma_semaphore, #tpu.memory_space<semaphore_mem>>) {add = true}
          %dma_wait3A = arith.constant 0 : i32
          %dma_wait3A_65 = tpu.memref_slice %arg7[%scan3A_57, %dma_wait3A] : memref<56x128xi32, #tpu.memory_space<vmem>> -> memref<1x128xi32, #tpu.memory_space<vmem>>
          %dma_wait3A_66 = tpu.memref_squeeze %dma_wait3A_65 : memref<1x128xi32, #tpu.memory_space<vmem>> -> memref<128xi32, #tpu.memory_space<vmem>>
          %dma_wait3A_67 = arith.constant 0 : i32
          %dma_wait3A_68 = tpu.memref_slice %arg12[%dma_wait3A_67] : memref<102400xf32, #tpu.memory_space<vmem_shared>> -> memref<102400xf32, #tpu.memory_space<vmem_shared>>
          tpu.wait_indirect_dma semaphore(%run_scoped3A_60 : memref<!tpu.dma_semaphore, #tpu.memory_space<semaphore_mem>>) src(%arg10 : memref<128xf32, #tpu.memory_space<vmem>>) dst(%dma_wait3A_68 : memref<102400xf32, #tpu.memory_space<vmem_shared>>)
          tpu.yield
        }) : () -> ()
        %scan3A_59 = arith.constant 0 : i32
        scf.yield %scan3A_59 : i32
      }
      %scan3A_55 = arith.constant 56 : i32
      %scan3A_56 = arith.constant 0 : i32
      scf.yield %scan3A_56 : i32
    }
    %scan3A_24 = arith.constant 7 : i32
    %barrier3A_25 = arith.constant 0 : index
    tpu.barrier barrier_id(%barrier3A_25)
    %mul3A_26 = arith.constant 2 : i32
    %mul3A_27 = arith.muli %mul3A_26, %arg0 : i32
    %mul3A_28 = arith.constant 102400 : i32
    %mul3A_29 = arith.muli %mul3A_27, %mul3A_28 : i32
    %add3A_30 = arith.addi %mul3A_29, %mul3A_7 : i32
    "tpu.region"() ({
      %run_scoped3A = tpu.sem_alloc : memref<!tpu.dma_semaphore, #tpu.memory_space<semaphore_mem>>
      %dma_start3A = tpu.memref_slice %arg5[%add3A_30] : memref<409600xf32, #tpu.memory_space<hbm>> -> memref<6400xf32, #tpu.memory_space<hbm>>
      %dma_start3A_38 = tpu.memref_slice %arg11[%mul3A_7] : memref<102400xf32, #tpu.memory_space<vmem_shared>> -> memref<6400xf32, #tpu.memory_space<vmem_shared>>
      tpu.enqueue_dma source(%dma_start3A_38 : memref<6400xf32, #tpu.memory_space<vmem_shared>>) target(%dma_start3A : memref<6400xf32, #tpu.memory_space<hbm>>) target_semaphore(%run_scoped3A : memref<!tpu.dma_semaphore, #tpu.memory_space<semaphore_mem>>)
      %dma_wait3A = tpu.memref_slice %arg5[%add3A_30] : memref<409600xf32, #tpu.memory_space<hbm>> -> memref<6400xf32, #tpu.memory_space<hbm>>
      %dma_wait3A_39 = tpu.memref_slice %arg11[%mul3A_7] : memref<102400xf32, #tpu.memory_space<vmem_shared>> -> memref<6400xf32, #tpu.memory_space<vmem_shared>>
      tpu.wait_dma2 semaphore(%run_scoped3A : memref<!tpu.dma_semaphore, #tpu.memory_space<semaphore_mem>>) src(%dma_wait3A_39 : memref<6400xf32, #tpu.memory_space<vmem_shared>>) dst(%dma_wait3A : memref<6400xf32, #tpu.memory_space<hbm>>)
      tpu.yield
    }) : () -> ()
    %mul3A_31 = arith.constant 2 : i32
    %mul3A_32 = arith.muli %mul3A_31, %arg0 : i32
    %add3A_33 = arith.constant 1 : i32
    %add3A_34 = arith.addi %mul3A_32, %add3A_33 : i32
    %mul3A_35 = arith.constant 102400 : i32
    %mul3A_36 = arith.muli %add3A_34, %mul3A_35 : i32
    %add3A_37 = arith.addi %mul3A_36, %mul3A_7 : i32
    "tpu.region"() ({
      %run_scoped3A = tpu.sem_alloc : memref<!tpu.dma_semaphore, #tpu.memory_space<semaphore_mem>>
      %dma_start3A = tpu.memref_slice %arg5[%add3A_37] : memref<409600xf32, #tpu.memory_space<hbm>> -> memref<6400xf32, #tpu.memory_space<hbm>>
      %dma_start3A_38 = tpu.memref_slice %arg12[%mul3A_7] : memref<102400xf32, #tpu.memory_space<vmem_shared>> -> memref<6400xf32, #tpu.memory_space<vmem_shared>>
      tpu.enqueue_dma source(%dma_start3A_38 : memref<6400xf32, #tpu.memory_space<vmem_shared>>) target(%dma_start3A : memref<6400xf32, #tpu.memory_space<hbm>>) target_semaphore(%run_scoped3A : memref<!tpu.dma_semaphore, #tpu.memory_space<semaphore_mem>>)
      %dma_wait3A = tpu.memref_slice %arg5[%add3A_37] : memref<409600xf32, #tpu.memory_space<hbm>> -> memref<6400xf32, #tpu.memory_space<hbm>>
      %dma_wait3A_39 = tpu.memref_slice %arg12[%mul3A_7] : memref<102400xf32, #tpu.memory_space<vmem_shared>> -> memref<6400xf32, #tpu.memory_space<vmem_shared>>
      tpu.wait_dma2 semaphore(%run_scoped3A : memref<!tpu.dma_semaphore, #tpu.memory_space<semaphore_mem>>) src(%dma_wait3A_39 : memref<6400xf32, #tpu.memory_space<vmem_shared>>) dst(%dma_wait3A : memref<6400xf32, #tpu.memory_space<hbm>>)
      tpu.yield
    }) : () -> ()
    return
  }
}

#map = affine_map<(d0, d1) -> (0, 0, 0)>
#map1 = affine_map<(d0, d1) -> (0)>
module attributes {stable_mosaic.version = 14 : i64} {
  func.func @k(%arg0: i32, %arg1: i32, %arg2: memref<2x12544x128xi32, #tpu.memory_space<hbm>>, %arg3: memref<204800xf32, #tpu.memory_space<hbm>>, %arg4: memref<56x128xi32, #tpu.memory_space<vmem>>, %arg5: memref<1024xf32, #tpu.memory_space<vmem>>, %arg6: memref<128xf32, #tpu.memory_space<vmem>>, %arg7: memref<102400xf32, #tpu.memory_space<vmem_shared>>) attributes {dimension_semantics = [#tpu.dimension_semantics<core_parallel>, #tpu.dimension_semantics<subcore_parallel>], iteration_bounds = array<i64: 2, 16>, scalar_prefetch = 0 : i64, scratch_operands = 4 : i64, tpu.core_type = #tpu.core_type<sc_vector_subcore>, window_params = [{transform_indices = #map}, {transform_indices = #map1}]} {
    %broadcast_in_dim3A = arith.constant 0.000000e+00 : f32
    %broadcast_in_dim3A_0 = vector.broadcast %broadcast_in_dim3A : f32 to vector<16xf32>
    %broadcast_in_dim3A_1 = arith.constant 1.000000e+00 : f32
    %broadcast_in_dim3A_2 = vector.broadcast %broadcast_in_dim3A_1 : f32 to vector<16xf32>
    %scan3A = arith.constant 0 : i32
    %scan3A_3 = arith.constant 0 : i32
    %scan3A_4 = arith.constant 64 : i32
    %scan3A_5 = arith.addi %scan3A_3, %scan3A_4 : i32
    %scan3A_6 = arith.constant 1 : i32
    %scan3A_7 = scf.for %scan3A_36 = %scan3A_3 to %scan3A_5 step %scan3A_6 iter_args(%scan3A_37 = %scan3A) -> (i32)  : i32 {
      %mul3A_38 = arith.constant 16 : i32
      %mul3A_39 = arith.muli %scan3A_36, %mul3A_38 : i32
      %swap3A = arith.index_cast %mul3A_39 : i32 to index
      %swap3A_40 = tpu.vector_load %arg5[%swap3A] {strides = array<i32>} : memref<1024xf32, #tpu.memory_space<vmem>>, vector<16xf32>,
      tpu.vector_store %arg5[%swap3A], %broadcast_in_dim3A_0 {strides = array<i32>} : memref<1024xf32, #tpu.memory_space<vmem>>, vector<16xf32>,
      %scan3A_41 = arith.constant 0 : i32
      scf.yield %scan3A_41 : i32
    }
    %scan3A_8 = arith.constant 64 : i32
    %scan3A_9 = arith.constant 0 : i32
    %scan3A_10 = arith.constant 0 : i32
    %scan3A_11 = arith.constant 8 : i32
    %scan3A_12 = arith.addi %scan3A_10, %scan3A_11 : i32
    %scan3A_13 = arith.constant 1 : i32
    %scan3A_14 = scf.for %scan3A_36 = %scan3A_10 to %scan3A_12 step %scan3A_13 iter_args(%scan3A_37 = %scan3A_9) -> (i32)  : i32 {
      %mul3A_38 = arith.constant 16 : i32
      %mul3A_39 = arith.muli %scan3A_36, %mul3A_38 : i32
      %swap3A = arith.index_cast %mul3A_39 : i32 to index
      %swap3A_40 = tpu.vector_load %arg6[%swap3A] {strides = array<i32>} : memref<128xf32, #tpu.memory_space<vmem>>, vector<16xf32>,
      tpu.vector_store %arg6[%swap3A], %broadcast_in_dim3A_2 {strides = array<i32>} : memref<128xf32, #tpu.memory_space<vmem>>, vector<16xf32>,
      %scan3A_41 = arith.constant 0 : i32
      scf.yield %scan3A_41 : i32
    }
    %scan3A_15 = arith.constant 8 : i32
    %mul3A = arith.constant 6400 : i32
    %mul3A_16 = arith.muli %arg1, %mul3A : i32
    %scan3A_17 = arith.constant 0 : i32
    %scan3A_18 = arith.constant 0 : i32
    %scan3A_19 = arith.constant 6 : i32
    %scan3A_20 = arith.addi %scan3A_18, %scan3A_19 : i32
    %scan3A_21 = arith.constant 1 : i32
    %scan3A_22 = scf.for %scan3A_36 = %scan3A_18 to %scan3A_20 step %scan3A_21 iter_args(%scan3A_37 = %scan3A_17) -> (i32)  : i32 {
      %mul3A_38 = arith.constant 1024 : i32
      %mul3A_39 = arith.muli %scan3A_36, %mul3A_38 : i32
      %add3A_40 = arith.addi %mul3A_16, %mul3A_39 : i32
      "tpu.region"() ({
        %run_scoped3A = tpu.sem_alloc : memref<!tpu.dma_semaphore, #tpu.memory_space<semaphore_mem>>
        %dma_start3A = tpu.memref_slice %arg7[%add3A_40] : memref<102400xf32, #tpu.memory_space<vmem_shared>> -> memref<1024xf32, #tpu.memory_space<vmem_shared>>
        %dma_start3A_42 = tpu.memref_slice %arg7[%add3A_40] : memref<102400xf32, #tpu.memory_space<vmem_shared>> -> memref<1024xf32, #tpu.memory_space<vmem_shared>>
        tpu.enqueue_dma source(%arg5 : memref<1024xf32, #tpu.memory_space<vmem>>) target(%dma_start3A_42 : memref<1024xf32, #tpu.memory_space<vmem_shared>>) target_semaphore(%run_scoped3A : memref<!tpu.dma_semaphore, #tpu.memory_space<semaphore_mem>>)
        %dma_wait3A = tpu.memref_slice %arg7[%add3A_40] : memref<102400xf32, #tpu.memory_space<vmem_shared>> -> memref<1024xf32, #tpu.memory_space<vmem_shared>>
        %dma_wait3A_43 = tpu.memref_slice %arg7[%add3A_40] : memref<102400xf32, #tpu.memory_space<vmem_shared>> -> memref<1024xf32, #tpu.memory_space<vmem_shared>>
        tpu.wait_dma2 semaphore(%run_scoped3A : memref<!tpu.dma_semaphore, #tpu.memory_space<semaphore_mem>>) src(%arg5 : memref<1024xf32, #tpu.memory_space<vmem>>) dst(%dma_wait3A_43 : memref<1024xf32, #tpu.memory_space<vmem_shared>>)
        tpu.yield
      }) : () -> ()
      %scan3A_41 = arith.constant 0 : i32
      scf.yield %scan3A_41 : i32
    }
    %scan3A_23 = arith.constant 6 : i32
    %add3A = arith.constant 6144 : i32
    %add3A_24 = arith.addi %mul3A_16, %add3A : i32
    "tpu.region"() ({
      %run_scoped3A = tpu.sem_alloc : memref<!tpu.dma_semaphore, #tpu.memory_space<semaphore_mem>>
      %dma_start3A = arith.constant 0 : i32
      %dma_start3A_36 = tpu.memref_slice %arg5[%dma_start3A] : memref<1024xf32, #tpu.memory_space<vmem>> -> memref<256xf32, #tpu.memory_space<vmem>>
      %dma_start3A_37 = tpu.memref_slice %arg7[%add3A_24] : memref<102400xf32, #tpu.memory_space<vmem_shared>> -> memref<256xf32, #tpu.memory_space<vmem_shared>>
      %dma_start3A_38 = tpu.memref_slice %arg7[%add3A_24] : memref<102400xf32, #tpu.memory_space<vmem_shared>> -> memref<256xf32, #tpu.memory_space<vmem_shared>>
      %dma_start3A_39 = arith.constant 0 : i32
      %dma_start3A_40 = tpu.memref_slice %arg5[%dma_start3A_39] : memref<1024xf32, #tpu.memory_space<vmem>> -> memref<256xf32, #tpu.memory_space<vmem>>
      tpu.enqueue_dma source(%dma_start3A_40 : memref<256xf32, #tpu.memory_space<vmem>>) target(%dma_start3A_38 : memref<256xf32, #tpu.memory_space<vmem_shared>>) target_semaphore(%run_scoped3A : memref<!tpu.dma_semaphore, #tpu.memory_space<semaphore_mem>>)
      %dma_wait3A = arith.constant 0 : i32
      %dma_wait3A_41 = tpu.memref_slice %arg5[%dma_wait3A] : memref<1024xf32, #tpu.memory_space<vmem>> -> memref<256xf32, #tpu.memory_space<vmem>>
      %dma_wait3A_42 = tpu.memref_slice %arg7[%add3A_24] : memref<102400xf32, #tpu.memory_space<vmem_shared>> -> memref<256xf32, #tpu.memory_space<vmem_shared>>
      %dma_wait3A_43 = tpu.memref_slice %arg7[%add3A_24] : memref<102400xf32, #tpu.memory_space<vmem_shared>> -> memref<256xf32, #tpu.memory_space<vmem_shared>>
      %dma_wait3A_44 = arith.constant 0 : i32
      %dma_wait3A_45 = tpu.memref_slice %arg5[%dma_wait3A_44] : memref<1024xf32, #tpu.memory_space<vmem>> -> memref<256xf32, #tpu.memory_space<vmem>>
      tpu.wait_dma2 semaphore(%run_scoped3A : memref<!tpu.dma_semaphore, #tpu.memory_space<semaphore_mem>>) src(%dma_wait3A_45 : memref<256xf32, #tpu.memory_space<vmem>>) dst(%dma_wait3A_43 : memref<256xf32, #tpu.memory_space<vmem_shared>>)
      tpu.yield
    }) : () -> ()
    %barrier3A = arith.constant 0 : index
    tpu.barrier barrier_id(%barrier3A)
    %scan3A_25 = arith.constant 0 : i32
    %scan3A_26 = arith.constant 0 : i32
    %scan3A_27 = arith.constant 7 : i32
    %scan3A_28 = arith.addi %scan3A_26, %scan3A_27 : i32
    %scan3A_29 = arith.constant 1 : i32
    %scan3A_30 = scf.for %scan3A_36 = %scan3A_26 to %scan3A_28 step %scan3A_29 iter_args(%scan3A_37 = %scan3A_25) -> (i32)  : i32 {
      %mul3A_38 = arith.constant 16 : i32
      %mul3A_39 = arith.muli %arg0, %mul3A_38 : i32
      %add3A_40 = arith.addi %mul3A_39, %arg1 : i32
      %mul3A_41 = arith.constant 392 : i32
      %mul3A_42 = arith.muli %add3A_40, %mul3A_41 : i32
      %mul3A_43 = arith.constant 56 : i32
      %mul3A_44 = arith.muli %scan3A_36, %mul3A_43 : i32
      %add3A_45 = arith.addi %mul3A_42, %mul3A_44 : i32
      %run_scoped3A = arith.constant 1 : i32
      "tpu.region"() ({
        %run_scoped3A_54 = tpu.sem_alloc : memref<!tpu.dma_semaphore, #tpu.memory_space<semaphore_mem>>
        %dma_start3A = arith.constant 0 : i32
        %dma_start3A_55 = tpu.memref_slice %arg2[%run_scoped3A, %add3A_45, %dma_start3A] : memref<2x12544x128xi32, #tpu.memory_space<hbm>> -> memref<1x56x128xi32, #tpu.memory_space<hbm>>
        %dma_start3A_56 = tpu.memref_squeeze %dma_start3A_55 : memref<1x56x128xi32, #tpu.memory_space<hbm>> -> memref<56x128xi32, #tpu.memory_space<hbm>>
        %dma_start3A_57 = arith.constant 0 : i32
        %dma_start3A_58 = tpu.memref_slice %arg2[%run_scoped3A, %add3A_45, %dma_start3A_57] : memref<2x12544x128xi32, #tpu.memory_space<hbm>> -> memref<1x56x128xi32, #tpu.memory_space<hbm>>
        %dma_start3A_59 = tpu.memref_squeeze %dma_start3A_58 : memref<1x56x128xi32, #tpu.memory_space<hbm>> -> memref<56x128xi32, #tpu.memory_space<hbm>>
        tpu.enqueue_dma source(%dma_start3A_59 : memref<56x128xi32, #tpu.memory_space<hbm>>) target(%arg4 : memref<56x128xi32, #tpu.memory_space<vmem>>) target_semaphore(%run_scoped3A_54 : memref<!tpu.dma_semaphore, #tpu.memory_space<semaphore_mem>>)
        %dma_wait3A = arith.constant 0 : i32
        %dma_wait3A_60 = tpu.memref_slice %arg2[%run_scoped3A, %add3A_45, %dma_wait3A] : memref<2x12544x128xi32, #tpu.memory_space<hbm>> -> memref<1x56x128xi32, #tpu.memory_space<hbm>>
        %dma_wait3A_61 = tpu.memref_squeeze %dma_wait3A_60 : memref<1x56x128xi32, #tpu.memory_space<hbm>> -> memref<56x128xi32, #tpu.memory_space<hbm>>
        %dma_wait3A_62 = arith.constant 0 : i32
        %dma_wait3A_63 = tpu.memref_slice %arg2[%run_scoped3A, %add3A_45, %dma_wait3A_62] : memref<2x12544x128xi32, #tpu.memory_space<hbm>> -> memref<1x56x128xi32, #tpu.memory_space<hbm>>
        %dma_wait3A_64 = tpu.memref_squeeze %dma_wait3A_63 : memref<1x56x128xi32, #tpu.memory_space<hbm>> -> memref<56x128xi32, #tpu.memory_space<hbm>>
        tpu.wait_dma2 semaphore(%run_scoped3A_54 : memref<!tpu.dma_semaphore, #tpu.memory_space<semaphore_mem>>) src(%dma_wait3A_64 : memref<56x128xi32, #tpu.memory_space<hbm>>) dst(%arg4 : memref<56x128xi32, #tpu.memory_space<vmem>>)
        tpu.yield
      }) : () -> ()
      %scan3A_46 = arith.constant 0 : i32
      %scan3A_47 = arith.constant 0 : i32
      %scan3A_48 = arith.constant 56 : i32
      %scan3A_49 = arith.addi %scan3A_47, %scan3A_48 : i32
      %scan3A_50 = arith.constant 1 : i32
      %scan3A_51 = scf.for %scan3A_54 = %scan3A_47 to %scan3A_49 step %scan3A_50 iter_args(%scan3A_55 = %scan3A_46) -> (i32)  : i32 {
        "tpu.region"() ({
          %run_scoped3A_57 = tpu.sem_alloc : memref<!tpu.dma_semaphore, #tpu.memory_space<semaphore_mem>>
          %dma_start3A = arith.constant 0 : i32
          %dma_start3A_58 = tpu.memref_slice %arg4[%scan3A_54, %dma_start3A] : memref<56x128xi32, #tpu.memory_space<vmem>> -> memref<1x128xi32, #tpu.memory_space<vmem>>
          %dma_start3A_59 = tpu.memref_squeeze %dma_start3A_58 : memref<1x128xi32, #tpu.memory_space<vmem>> -> memref<128xi32, #tpu.memory_space<vmem>>
          %dma_start3A_60 = arith.constant 0 : i32
          %dma_start3A_61 = tpu.memref_slice %arg7[%dma_start3A_60] : memref<102400xf32, #tpu.memory_space<vmem_shared>> -> memref<102400xf32, #tpu.memory_space<vmem_shared>>
          tpu.enqueue_indirect_dma source(%arg6 : memref<128xf32, #tpu.memory_space<vmem>>) target(%dma_start3A_61 : memref<102400xf32, #tpu.memory_space<vmem_shared>>) offsets(%dma_start3A_59 : memref<128xi32, #tpu.memory_space<vmem>>) semaphore(%run_scoped3A_57 : memref<!tpu.dma_semaphore, #tpu.memory_space<semaphore_mem>>) {add = true}
          %dma_wait3A = arith.constant 0 : i32
          %dma_wait3A_62 = tpu.memref_slice %arg4[%scan3A_54, %dma_wait3A] : memref<56x128xi32, #tpu.memory_space<vmem>> -> memref<1x128xi32, #tpu.memory_space<vmem>>
          %dma_wait3A_63 = tpu.memref_squeeze %dma_wait3A_62 : memref<1x128xi32, #tpu.memory_space<vmem>> -> memref<128xi32, #tpu.memory_space<vmem>>
          %dma_wait3A_64 = arith.constant 0 : i32
          %dma_wait3A_65 = tpu.memref_slice %arg7[%dma_wait3A_64] : memref<102400xf32, #tpu.memory_space<vmem_shared>> -> memref<102400xf32, #tpu.memory_space<vmem_shared>>
          tpu.wait_indirect_dma semaphore(%run_scoped3A_57 : memref<!tpu.dma_semaphore, #tpu.memory_space<semaphore_mem>>) src(%arg6 : memref<128xf32, #tpu.memory_space<vmem>>) dst(%dma_wait3A_65 : memref<102400xf32, #tpu.memory_space<vmem_shared>>)
          tpu.yield
        }) : () -> ()
        %scan3A_56 = arith.constant 0 : i32
        scf.yield %scan3A_56 : i32
      }
      %scan3A_52 = arith.constant 56 : i32
      %scan3A_53 = arith.constant 0 : i32
      scf.yield %scan3A_53 : i32
    }
    %scan3A_31 = arith.constant 7 : i32
    %barrier3A_32 = arith.constant 0 : index
    tpu.barrier barrier_id(%barrier3A_32)
    %mul3A_33 = arith.constant 102400 : i32
    %mul3A_34 = arith.muli %arg0, %mul3A_33 : i32
    %add3A_35 = arith.addi %mul3A_34, %mul3A_16 : i32
    "tpu.region"() ({
      %run_scoped3A = tpu.sem_alloc : memref<!tpu.dma_semaphore, #tpu.memory_space<semaphore_mem>>
      %dma_start3A = tpu.memref_slice %arg3[%add3A_35] : memref<204800xf32, #tpu.memory_space<hbm>> -> memref<6400xf32, #tpu.memory_space<hbm>>
      %dma_start3A_36 = tpu.memref_slice %arg7[%mul3A_16] : memref<102400xf32, #tpu.memory_space<vmem_shared>> -> memref<6400xf32, #tpu.memory_space<vmem_shared>>
      tpu.enqueue_dma source(%dma_start3A_36 : memref<6400xf32, #tpu.memory_space<vmem_shared>>) target(%dma_start3A : memref<6400xf32, #tpu.memory_space<hbm>>) target_semaphore(%run_scoped3A : memref<!tpu.dma_semaphore, #tpu.memory_space<semaphore_mem>>)
      %dma_wait3A = tpu.memref_slice %arg3[%add3A_35] : memref<204800xf32, #tpu.memory_space<hbm>> -> memref<6400xf32, #tpu.memory_space<hbm>>
      %dma_wait3A_37 = tpu.memref_slice %arg7[%mul3A_16] : memref<102400xf32, #tpu.memory_space<vmem_shared>> -> memref<6400xf32, #tpu.memory_space<vmem_shared>>
      tpu.wait_dma2 semaphore(%run_scoped3A : memref<!tpu.dma_semaphore, #tpu.memory_space<semaphore_mem>>) src(%dma_wait3A_37 : memref<6400xf32, #tpu.memory_space<vmem_shared>>) dst(%dma_wait3A : memref<6400xf32, #tpu.memory_space<hbm>>)
      tpu.yield
    }) : () -> ()
    return
  }
}

#map = affine_map<(d0, d1) -> (0, 0)>
module attributes {stable_mosaic.version = 14 : i64} {
  func.func @k(%arg0: i32, %arg1: i32, %arg2: memref<2x1605632xi32, #tpu.memory_space<hbm>>, %arg3: memref<102400x128xf32, #tpu.memory_space<hbm>>, %arg4: memref<102400x128xf32, #tpu.memory_space<hbm>>, %arg5: memref<7168xi32, #tpu.memory_space<vmem>>, %arg6: memref<7168xi32, #tpu.memory_space<vmem>>, %arg7: memref<128x128xf32, #tpu.memory_space<vmem>>, %arg8: memref<288xi32, #tpu.memory_space<vmem>>, %arg9: memref<288xi32, #tpu.memory_space<vmem>>, %arg10: memref<128xi32, #tpu.memory_space<vmem>>, %arg11: memref<1x128xi32, #tpu.memory_space<vmem>>, %arg12: memref<1xi32, #tpu.memory_space<smem>>, %arg13: memref<10368x128xf32, #tpu.memory_space<vmem_shared>>) attributes {dimension_semantics = [#tpu.dimension_semantics<core_parallel>, #tpu.dimension_semantics<subcore_parallel>], iteration_bounds = array<i64: 2, 16>, scalar_prefetch = 0 : i64, scratch_operands = 9 : i64, tpu.core_type = #tpu.core_type<sc_vector_subcore>, window_params = [{transform_indices = #map}, {transform_indices = #map}, {transform_indices = #map}]} {
    %broadcast_in_dim3A = arith.constant 0.000000e+00 : f32
    %broadcast_in_dim3A_0 = vector.broadcast %broadcast_in_dim3A : f32 to vector<16xf32>
    %iota3A = tpu.iota {dimensions = array<i32: 0>} : vector<16xi32>
    %mul3A = arith.constant 8 : i32
    %mul3A_1 = vector.broadcast %mul3A : i32 to vector<16xi32>
    %mul3A_2 = arith.muli %iota3A, %mul3A_1 : vector<16xi32>
    %iota3A_3 = tpu.iota {dimensions = array<i32: 0>} : vector<16xi32>
    %add3A = arith.constant 10252 : i32
    %add3A_4 = vector.broadcast %add3A : i32 to vector<16xi32>
    %add3A_5 = arith.addi %add3A_4, %iota3A_3 : vector<16xi32>
    %scan3A = arith.constant 0 : i32
    %scan3A_6 = arith.constant 0 : i32
    %scan3A_7 = arith.constant 5 : i32
    %scan3A_8 = arith.addi %scan3A_6, %scan3A_7 : i32
    %scan3A_9 = arith.constant 1 : i32
    %scan3A_10 = scf.for %scan3A_12 = %scan3A_6 to %scan3A_8 step %scan3A_9 iter_args(%scan3A_13 = %scan3A) -> (i32)  : i32 {
      %mul3A_14 = arith.constant 5 : i32
      %mul3A_15 = arith.muli %arg0, %mul3A_14 : i32
      %add3A_16 = arith.addi %mul3A_15, %scan3A_12 : i32
      %mul3A_17 = arith.constant 10240 : i32
      %mul3A_18 = arith.muli %add3A_16, %mul3A_17 : i32
      %scan3A_19 = arith.constant 0 : i32
      %scan3A_20 = arith.constant 0 : i32
      %scan3A_21 = arith.constant 1024 : i32
      %scan3A_22 = arith.addi %scan3A_20, %scan3A_21 : i32
      %scan3A_23 = arith.constant 1 : i32
      %scan3A_24 = scf.for %scan3A_69 = %scan3A_20 to %scan3A_22 step %scan3A_23 iter_args(%scan3A_70 = %scan3A_19) -> (i32)  : i32 {
        %jit3A = arith.constant 8 : i32
        %div3A = arith.divsi %scan3A_69, %jit3A : i32
        %sign3A = arith.constant 0 : i32
        %sign3A_71 = arith.cmpi sgt, %scan3A_69, %sign3A : i32
        %sign3A_72 = arith.extui %sign3A_71 : i1 to i32
        %sign3A_73 = arith.constant 0 : i32
        %sign3A_74 = arith.cmpi slt, %scan3A_69, %sign3A_73 : i32
        %sign3A_75 = arith.extui %sign3A_74 : i1 to i32
        %sign3A_76 = arith.subi %sign3A_72, %sign3A_75 : i32
        %sign3A_77 = arith.constant 0 : i32
        %sign3A_78 = arith.cmpi sgt, %jit3A, %sign3A_77 : i32
        %sign3A_79 = arith.extui %sign3A_78 : i1 to i32
        %sign3A_80 = arith.constant 0 : i32
        %sign3A_81 = arith.cmpi slt, %jit3A, %sign3A_80 : i32
        %sign3A_82 = arith.extui %sign3A_81 : i1 to i32
        %sign3A_83 = arith.subi %sign3A_79, %sign3A_82 : i32
        %ne3A = arith.cmpi ne, %sign3A_76, %sign3A_83 : i32
        %rem3A = arith.remsi %scan3A_69, %jit3A : i32
        %ne3A_84 = arith.constant 0 : i32
        %ne3A_85 = arith.cmpi ne, %rem3A, %ne3A_84 : i32
        %and3A = arith.andi %ne3A, %ne3A_85 : i1
        %sub3A = arith.constant 1 : i32
        %sub3A_86 = arith.subi %div3A, %sub3A : i32
        %select_n3A = arith.select %and3A, %sub3A_86, %div3A : i32
        %jit3A_87 = arith.constant 8 : i32
        %eq3A = arith.constant 0 : i32
        %eq3A_88 = arith.cmpi eq, %jit3A_87, %eq3A : i32
        %jit3A_89 = arith.constant 1 : i32
        %select_n3A_90 = arith.select %eq3A_88, %jit3A_89, %jit3A_87 : i32
        %rem3A_91 = arith.remsi %scan3A_69, %select_n3A_90 : i32
        %ne3A_92 = arith.constant 0 : i32
        %ne3A_93 = arith.cmpi ne, %rem3A_91, %ne3A_92 : i32
        %lt3A = arith.constant 0 : i32
        %lt3A_94 = arith.cmpi slt, %rem3A_91, %lt3A : i32
        %lt3A_95 = arith.constant 0 : i32
        %lt3A_96 = arith.cmpi slt, %select_n3A_90, %lt3A_95 : i32
        %ne3A_97 = arith.xori %lt3A_94, %lt3A_96 : i1
        %and3A_98 = arith.andi %ne3A_97, %ne3A_93 : i1
        %add3A_99 = arith.addi %rem3A_91, %select_n3A_90 : i32
        %select_n3A_100 = arith.select %and3A_98, %add3A_99, %rem3A_91 : i32
        %mul3A_101 = arith.constant 16 : i32
        %mul3A_102 = arith.muli %select_n3A_100, %mul3A_101 : i32
        %swap3A_103 = arith.index_cast %select_n3A : i32 to index
        %swap3A_104 = arith.index_cast %mul3A_102 : i32 to index
        %swap3A_105 = tpu.vector_load %arg7[%swap3A_103, %swap3A_104] {strides = array<i32>} : memref<128x128xf32, #tpu.memory_space<vmem>>, vector<16xf32>,
        tpu.vector_store %arg7[%swap3A_103, %swap3A_104], %broadcast_in_dim3A_0 {strides = array<i32>} : memref<128x128xf32, #tpu.memory_space<vmem>>, vector<16xf32>,
        %scan3A_106 = arith.constant 0 : i32
        scf.yield %scan3A_106 : i32
      }
      %scan3A_25 = arith.constant 1024 : i32
      %mul3A_26 = arith.constant 648 : i32
      %mul3A_27 = arith.muli %arg1, %mul3A_26 : i32
      %scan3A_28 = arith.constant 0 : i32
      %scan3A_29 = arith.constant 0 : i32
      %scan3A_30 = arith.constant 5 : i32
      %scan3A_31 = arith.addi %scan3A_29, %scan3A_30 : i32
      %scan3A_32 = arith.constant 1 : i32
      %scan3A_33 = scf.for %scan3A_69 = %scan3A_29 to %scan3A_31 step %scan3A_32 iter_args(%scan3A_70 = %scan3A_28) -> (i32)  : i32 {
        %mul3A_71 = arith.constant 128 : i32
        %mul3A_72 = arith.muli %scan3A_69, %mul3A_71 : i32
        %add3A_73 = arith.addi %mul3A_27, %mul3A_72 : i32
        "tpu.region"() ({
          %run_scoped3A_75 = tpu.sem_alloc : memref<!tpu.dma_semaphore, #tpu.memory_space<semaphore_mem>>
          %dma_start3A = arith.constant 0 : i32
          %dma_start3A_76 = tpu.memref_slice %arg13[%add3A_73, %dma_start3A] : memref<10368x128xf32, #tpu.memory_space<vmem_shared>> -> memref<128x128xf32, #tpu.memory_space<vmem_shared>>
          %dma_start3A_77 = arith.constant 0 : i32
          %dma_start3A_78 = tpu.memref_slice %arg13[%add3A_73, %dma_start3A_77] : memref<10368x128xf32, #tpu.memory_space<vmem_shared>> -> memref<128x128xf32, #tpu.memory_space<vmem_shared>>
          tpu.enqueue_dma source(%arg7 : memref<128x128xf32, #tpu.memory_space<vmem>>) target(%dma_start3A_78 : memref<128x128xf32, #tpu.memory_space<vmem_shared>>) target_semaphore(%run_scoped3A_75 : memref<!tpu.dma_semaphore, #tpu.memory_space<semaphore_mem>>)
          %dma_wait3A = arith.constant 0 : i32
          %dma_wait3A_79 = tpu.memref_slice %arg13[%add3A_73, %dma_wait3A] : memref<10368x128xf32, #tpu.memory_space<vmem_shared>> -> memref<128x128xf32, #tpu.memory_space<vmem_shared>>
          %dma_wait3A_80 = arith.constant 0 : i32
          %dma_wait3A_81 = tpu.memref_slice %arg13[%add3A_73, %dma_wait3A_80] : memref<10368x128xf32, #tpu.memory_space<vmem_shared>> -> memref<128x128xf32, #tpu.memory_space<vmem_shared>>
          tpu.wait_dma2 semaphore(%run_scoped3A_75 : memref<!tpu.dma_semaphore, #tpu.memory_space<semaphore_mem>>) src(%arg7 : memref<128x128xf32, #tpu.memory_space<vmem>>) dst(%dma_wait3A_81 : memref<128x128xf32, #tpu.memory_space<vmem_shared>>)
          tpu.yield
        }) : () -> ()
        %scan3A_74 = arith.constant 0 : i32
        scf.yield %scan3A_74 : i32
      }
      %scan3A_34 = arith.constant 5 : i32
      %add3A_35 = arith.constant 640 : i32
      %add3A_36 = arith.addi %mul3A_27, %add3A_35 : i32
      "tpu.region"() ({
        %run_scoped3A_69 = tpu.sem_alloc : memref<!tpu.dma_semaphore, #tpu.memory_space<semaphore_mem>>
        %dma_start3A = arith.constant 0 : i32
        %dma_start3A_70 = arith.constant 0 : i32
        %dma_start3A_71 = tpu.memref_slice %arg7[%dma_start3A, %dma_start3A_70] : memref<128x128xf32, #tpu.memory_space<vmem>> -> memref<8x128xf32, #tpu.memory_space<vmem>>
        %dma_start3A_72 = arith.constant 0 : i32
        %dma_start3A_73 = tpu.memref_slice %arg13[%add3A_36, %dma_start3A_72] : memref<10368x128xf32, #tpu.memory_space<vmem_shared>> -> memref<8x128xf32, #tpu.memory_space<vmem_shared>>
        %dma_start3A_74 = arith.constant 0 : i32
        %dma_start3A_75 = tpu.memref_slice %arg13[%add3A_36, %dma_start3A_74] : memref<10368x128xf32, #tpu.memory_space<vmem_shared>> -> memref<8x128xf32, #tpu.memory_space<vmem_shared>>
        %dma_start3A_76 = arith.constant 0 : i32
        %dma_start3A_77 = arith.constant 0 : i32
        %dma_start3A_78 = tpu.memref_slice %arg7[%dma_start3A_76, %dma_start3A_77] : memref<128x128xf32, #tpu.memory_space<vmem>> -> memref<8x128xf32, #tpu.memory_space<vmem>>
        tpu.enqueue_dma source(%dma_start3A_78 : memref<8x128xf32, #tpu.memory_space<vmem>>) target(%dma_start3A_75 : memref<8x128xf32, #tpu.memory_space<vmem_shared>>) target_semaphore(%run_scoped3A_69 : memref<!tpu.dma_semaphore, #tpu.memory_space<semaphore_mem>>)
        %dma_wait3A = arith.constant 0 : i32
        %dma_wait3A_79 = arith.constant 0 : i32
        %dma_wait3A_80 = tpu.memref_slice %arg7[%dma_wait3A, %dma_wait3A_79] : memref<128x128xf32, #tpu.memory_space<vmem>> -> memref<8x128xf32, #tpu.memory_space<vmem>>
        %dma_wait3A_81 = arith.constant 0 : i32
        %dma_wait3A_82 = tpu.memref_slice %arg13[%add3A_36, %dma_wait3A_81] : memref<10368x128xf32, #tpu.memory_space<vmem_shared>> -> memref<8x128xf32, #tpu.memory_space<vmem_shared>>
        %dma_wait3A_83 = arith.constant 0 : i32
        %dma_wait3A_84 = tpu.memref_slice %arg13[%add3A_36, %dma_wait3A_83] : memref<10368x128xf32, #tpu.memory_space<vmem_shared>> -> memref<8x128xf32, #tpu.memory_space<vmem_shared>>
        %dma_wait3A_85 = arith.constant 0 : i32
        %dma_wait3A_86 = arith.constant 0 : i32
        %dma_wait3A_87 = tpu.memref_slice %arg7[%dma_wait3A_85, %dma_wait3A_86] : memref<128x128xf32, #tpu.memory_space<vmem>> -> memref<8x128xf32, #tpu.memory_space<vmem>>
        tpu.wait_dma2 semaphore(%run_scoped3A_69 : memref<!tpu.dma_semaphore, #tpu.memory_space<semaphore_mem>>) src(%dma_wait3A_87 : memref<8x128xf32, #tpu.memory_space<vmem>>) dst(%dma_wait3A_84 : memref<8x128xf32, #tpu.memory_space<vmem_shared>>)
        tpu.yield
      }) : () -> ()
      %barrier3A = arith.constant 0 : index
      tpu.barrier barrier_id(%barrier3A)
      %swap3A = arith.constant 0 : i32
      %swap3A_37 = arith.constant 0 : i32
      %swap3A_38 = arith.index_cast %swap3A_37 : i32 to index
      %swap3A_39 = memref.load %arg12[%swap3A_38] : memref<1xi32, #tpu.memory_space<smem>>
      memref.store %swap3A, %arg12[%swap3A_38] : memref<1xi32, #tpu.memory_space<smem>>
      %scan3A_40 = arith.constant 0 : i32
      %scan3A_41 = arith.constant 0 : i32
      %scan3A_42 = arith.constant 14 : i32
      %scan3A_43 = arith.addi %scan3A_41, %scan3A_42 : i32
      %scan3A_44 = arith.constant 1 : i32
      %scan3A_45 = scf.for %scan3A_69 = %scan3A_41 to %scan3A_43 step %scan3A_44 iter_args(%scan3A_70 = %scan3A_40) -> (i32)  : i32 {
        %mul3A_71 = arith.constant 784 : i32
        %mul3A_72 = arith.muli %arg1, %mul3A_71 : i32
        %mul3A_73 = arith.constant 56 : i32
        %mul3A_74 = arith.muli %scan3A_69, %mul3A_73 : i32
        %add3A_75 = arith.addi %mul3A_72, %mul3A_74 : i32
        %mul3A_76 = arith.constant 128 : i32
        %mul3A_77 = arith.muli %add3A_75, %mul3A_76 : i32
        %run_scoped3A_78 = arith.constant 0 : i32
        "tpu.region"() ({
          %run_scoped3A_88 = tpu.sem_alloc : memref<!tpu.dma_semaphore, #tpu.memory_space<semaphore_mem>>
          %dma_start3A = tpu.memref_slice %arg2[%run_scoped3A_78, %mul3A_77] : memref<2x1605632xi32, #tpu.memory_space<hbm>> -> memref<1x7168xi32, #tpu.memory_space<hbm>>
          %dma_start3A_89 = tpu.memref_squeeze %dma_start3A : memref<1x7168xi32, #tpu.memory_space<hbm>> -> memref<7168xi32, #tpu.memory_space<hbm>>
          %dma_start3A_90 = tpu.memref_slice %arg2[%run_scoped3A_78, %mul3A_77] : memref<2x1605632xi32, #tpu.memory_space<hbm>> -> memref<1x7168xi32, #tpu.memory_space<hbm>>
          %dma_start3A_91 = tpu.memref_squeeze %dma_start3A_90 : memref<1x7168xi32, #tpu.memory_space<hbm>> -> memref<7168xi32, #tpu.memory_space<hbm>>
          tpu.enqueue_dma source(%dma_start3A_91 : memref<7168xi32, #tpu.memory_space<hbm>>) target(%arg5 : memref<7168xi32, #tpu.memory_space<vmem>>) target_semaphore(%run_scoped3A_88 : memref<!tpu.dma_semaphore, #tpu.memory_space<semaphore_mem>>)
          %dma_wait3A = tpu.memref_slice %arg2[%run_scoped3A_78, %mul3A_77] : memref<2x1605632xi32, #tpu.memory_space<hbm>> -> memref<1x7168xi32, #tpu.memory_space<hbm>>
          %dma_wait3A_92 = tpu.memref_squeeze %dma_wait3A : memref<1x7168xi32, #tpu.memory_space<hbm>> -> memref<7168xi32, #tpu.memory_space<hbm>>
          %dma_wait3A_93 = tpu.memref_slice %arg2[%run_scoped3A_78, %mul3A_77] : memref<2x1605632xi32, #tpu.memory_space<hbm>> -> memref<1x7168xi32, #tpu.memory_space<hbm>>
          %dma_wait3A_94 = tpu.memref_squeeze %dma_wait3A_93 : memref<1x7168xi32, #tpu.memory_space<hbm>> -> memref<7168xi32, #tpu.memory_space<hbm>>
          tpu.wait_dma2 semaphore(%run_scoped3A_88 : memref<!tpu.dma_semaphore, #tpu.memory_space<semaphore_mem>>) src(%dma_wait3A_94 : memref<7168xi32, #tpu.memory_space<hbm>>) dst(%arg5 : memref<7168xi32, #tpu.memory_space<vmem>>)
          tpu.yield
        }) : () -> ()
        %run_scoped3A_79 = arith.constant 1 : i32
        "tpu.region"() ({
          %run_scoped3A_88 = tpu.sem_alloc : memref<!tpu.dma_semaphore, #tpu.memory_space<semaphore_mem>>
          %dma_start3A = tpu.memref_slice %arg2[%run_scoped3A_79, %mul3A_77] : memref<2x1605632xi32, #tpu.memory_space<hbm>> -> memref<1x7168xi32, #tpu.memory_space<hbm>>
          %dma_start3A_89 = tpu.memref_squeeze %dma_start3A : memref<1x7168xi32, #tpu.memory_space<hbm>> -> memref<7168xi32, #tpu.memory_space<hbm>>
          %dma_start3A_90 = tpu.memref_slice %arg2[%run_scoped3A_79, %mul3A_77] : memref<2x1605632xi32, #tpu.memory_space<hbm>> -> memref<1x7168xi32, #tpu.memory_space<hbm>>
          %dma_start3A_91 = tpu.memref_squeeze %dma_start3A_90 : memref<1x7168xi32, #tpu.memory_space<hbm>> -> memref<7168xi32, #tpu.memory_space<hbm>>
          tpu.enqueue_dma source(%dma_start3A_91 : memref<7168xi32, #tpu.memory_space<hbm>>) target(%arg6 : memref<7168xi32, #tpu.memory_space<vmem>>) target_semaphore(%run_scoped3A_88 : memref<!tpu.dma_semaphore, #tpu.memory_space<semaphore_mem>>)
          %dma_wait3A = tpu.memref_slice %arg2[%run_scoped3A_79, %mul3A_77] : memref<2x1605632xi32, #tpu.memory_space<hbm>> -> memref<1x7168xi32, #tpu.memory_space<hbm>>
          %dma_wait3A_92 = tpu.memref_squeeze %dma_wait3A : memref<1x7168xi32, #tpu.memory_space<hbm>> -> memref<7168xi32, #tpu.memory_space<hbm>>
          %dma_wait3A_93 = tpu.memref_slice %arg2[%run_scoped3A_79, %mul3A_77] : memref<2x1605632xi32, #tpu.memory_space<hbm>> -> memref<1x7168xi32, #tpu.memory_space<hbm>>
          %dma_wait3A_94 = tpu.memref_squeeze %dma_wait3A_93 : memref<1x7168xi32, #tpu.memory_space<hbm>> -> memref<7168xi32, #tpu.memory_space<hbm>>
          tpu.wait_dma2 semaphore(%run_scoped3A_88 : memref<!tpu.dma_semaphore, #tpu.memory_space<semaphore_mem>>) src(%dma_wait3A_94 : memref<7168xi32, #tpu.memory_space<hbm>>) dst(%arg6 : memref<7168xi32, #tpu.memory_space<vmem>>)
          tpu.yield
        }) : () -> ()
        %scan3A_80 = arith.constant 0 : i32
        %scan3A_81 = arith.constant 0 : i32
        %scan3A_82 = arith.constant 56 : i32
        %scan3A_83 = arith.addi %scan3A_81, %scan3A_82 : i32
        %scan3A_84 = arith.constant 1 : i32
        %scan3A_85 = scf.for %scan3A_88 = %scan3A_81 to %scan3A_83 step %scan3A_84 iter_args(%scan3A_89 = %scan3A_80) -> (i32)  : i32 {
          %mul3A_90 = arith.constant 8 : i32
          %mul3A_91 = arith.muli %scan3A_88, %mul3A_90 : i32
          %add3A_92 = arith.constant 0 : i32
          %add3A_93 = arith.addi %mul3A_91, %add3A_92 : i32
          %mul3A_94 = arith.constant 16 : i32
          %mul3A_95 = arith.muli %add3A_93, %mul3A_94 : i32
          %get3A = arith.index_cast %mul3A_95 : i32 to index
          %get3A_96 = tpu.vector_load %arg6[%get3A] {strides = array<i32>} : memref<7168xi32, #tpu.memory_space<vmem>>, vector<16xi32>,
          %mul3A_97 = arith.constant 16 : i32
          %mul3A_98 = arith.muli %add3A_93, %mul3A_97 : i32
          %get3A_99 = arith.index_cast %mul3A_98 : i32 to index
          %get3A_100 = tpu.vector_load %arg5[%get3A_99] {strides = array<i32>} : memref<7168xi32, #tpu.memory_space<vmem>>, vector<16xi32>,
          %get3A_101 = arith.constant 0 : i32
          %get3A_102 = arith.index_cast %get3A_101 : i32 to index
          %get3A_103 = memref.load %arg12[%get3A_102] : memref<1xi32, #tpu.memory_space<smem>>
          %ge3A = vector.broadcast %mul3A_18 : i32 to vector<16xi32>
          %ge3A_104 = arith.cmpi sge, %get3A_96, %ge3A : vector<16xi32>
          %add3A_105 = arith.constant 10240 : i32
          %add3A_106 = arith.addi %mul3A_18, %add3A_105 : i32
          %lt3A = vector.broadcast %add3A_106 : i32 to vector<16xi32>
          %lt3A_107 = arith.cmpi slt, %get3A_96, %lt3A : vector<16xi32>
          %and3A = arith.andi %ge3A_104, %lt3A_107 : vector<16xi1>
          %convert_element_type3A = arith.extui %and3A : vector<16xi1> to vector<16xi32>
          %broadcast_in_dim3A_108 = arith.constant true
          %broadcast_in_dim3A_109 = vector.broadcast %broadcast_in_dim3A_108 : i1 to vector<16xi1>
          %masked_cumsum3A = tpu.scan <sum>, %convert_element_type3A masked %broadcast_in_dim3A_109 : vector<16xi32>, vector<16xi1> -> vector<16xi32>
          %add3A_110 = vector.broadcast %get3A_103 : i32 to vector<16xi32>
          %add3A_111 = arith.addi %add3A_110, %masked_cumsum3A : vector<16xi32>
          %sub3A = arith.subi %add3A_111, %convert_element_type3A : vector<16xi32>
          tpu.vector_store_idx %arg8[%sub3A], %get3A_100 masked %and3A : memref<288xi32, #tpu.memory_space<vmem>>[vector<16xi32>], vector<16xi32>, vector<16xi1>
          %sub3A_112 = vector.broadcast %mul3A_18 : i32 to vector<16xi32>
          %sub3A_113 = arith.subi %get3A_96, %sub3A_112 : vector<16xi32>
          tpu.vector_store_idx %arg9[%sub3A], %sub3A_113 masked %and3A : memref<288xi32, #tpu.memory_space<vmem>>[vector<16xi32>], vector<16xi32>, vector<16xi1>
          %slice3A = vector.extract_strided_slice %masked_cumsum3A {offsets = [15], sizes = [1], strides = [1]} : vector<16xi32> to vector<1xi32>
          %squeeze3A = vector.extract %slice3A[0] : i32 from vector<1xi32>
          %add3A_114 = arith.addi %get3A_103, %squeeze3A : i32
          %swap3A_115 = arith.constant 0 : i32
          %swap3A_116 = arith.index_cast %swap3A_115 : i32 to index
          %swap3A_117 = memref.load %arg12[%swap3A_116] : memref<1xi32, #tpu.memory_space<smem>>
          memref.store %add3A_114, %arg12[%swap3A_116] : memref<1xi32, #tpu.memory_space<smem>>
          %mul3A_118 = arith.constant 8 : i32
          %mul3A_119 = arith.muli %scan3A_88, %mul3A_118 : i32
          %add3A_120 = arith.constant 1 : i32
          %add3A_121 = arith.addi %mul3A_119, %add3A_120 : i32
          %mul3A_122 = arith.constant 16 : i32
          %mul3A_123 = arith.muli %add3A_121, %mul3A_122 : i32
          %get3A_124 = arith.index_cast %mul3A_123 : i32 to index
          %get3A_125 = tpu.vector_load %arg6[%get3A_124] {strides = array<i32>} : memref<7168xi32, #tpu.memory_space<vmem>>, vector<16xi32>,
          %mul3A_126 = arith.constant 16 : i32
          %mul3A_127 = arith.muli %add3A_121, %mul3A_126 : i32
          %get3A_128 = arith.index_cast %mul3A_127 : i32 to index
          %get3A_129 = tpu.vector_load %arg5[%get3A_128] {strides = array<i32>} : memref<7168xi32, #tpu.memory_space<vmem>>, vector<16xi32>,
          %get3A_130 = arith.constant 0 : i32
          %get3A_131 = arith.index_cast %get3A_130 : i32 to index
          %get3A_132 = memref.load %arg12[%get3A_131] : memref<1xi32, #tpu.memory_space<smem>>
          %ge3A_133 = vector.broadcast %mul3A_18 : i32 to vector<16xi32>
          %ge3A_134 = arith.cmpi sge, %get3A_125, %ge3A_133 : vector<16xi32>
          %add3A_135 = arith.constant 10240 : i32
          %add3A_136 = arith.addi %mul3A_18, %add3A_135 : i32
          %lt3A_137 = vector.broadcast %add3A_136 : i32 to vector<16xi32>
          %lt3A_138 = arith.cmpi slt, %get3A_125, %lt3A_137 : vector<16xi32>
          %and3A_139 = arith.andi %ge3A_134, %lt3A_138 : vector<16xi1>
          %convert_element_type3A_140 = arith.extui %and3A_139 : vector<16xi1> to vector<16xi32>
          %broadcast_in_dim3A_141 = arith.constant true
          %broadcast_in_dim3A_142 = vector.broadcast %broadcast_in_dim3A_141 : i1 to vector<16xi1>
          %masked_cumsum3A_143 = tpu.scan <sum>, %convert_element_type3A_140 masked %broadcast_in_dim3A_142 : vector<16xi32>, vector<16xi1> -> vector<16xi32>
          %add3A_144 = vector.broadcast %get3A_132 : i32 to vector<16xi32>
          %add3A_145 = arith.addi %add3A_144, %masked_cumsum3A_143 : vector<16xi32>
          %sub3A_146 = arith.subi %add3A_145, %convert_element_type3A_140 : vector<16xi32>
          tpu.vector_store_idx %arg8[%sub3A_146], %get3A_129 masked %and3A_139 : memref<288xi32, #tpu.memory_space<vmem>>[vector<16xi32>], vector<16xi32>, vector<16xi1>
          %sub3A_147 = vector.broadcast %mul3A_18 : i32 to vector<16xi32>
          %sub3A_148 = arith.subi %get3A_125, %sub3A_147 : vector<16xi32>
          tpu.vector_store_idx %arg9[%sub3A_146], %sub3A_148 masked %and3A_139 : memref<288xi32, #tpu.memory_space<vmem>>[vector<16xi32>], vector<16xi32>, vector<16xi1>
          %slice3A_149 = vector.extract_strided_slice %masked_cumsum3A_143 {offsets = [15], sizes = [1], strides = [1]} : vector<16xi32> to vector<1xi32>
          %squeeze3A_150 = vector.extract %slice3A_149[0] : i32 from vector<1xi32>
          %add3A_151 = arith.addi %get3A_132, %squeeze3A_150 : i32
          %swap3A_152 = arith.constant 0 : i32
          %swap3A_153 = arith.index_cast %swap3A_152 : i32 to index
          %swap3A_154 = memref.load %arg12[%swap3A_153] : memref<1xi32, #tpu.memory_space<smem>>
          memref.store %add3A_151, %arg12[%swap3A_153] : memref<1xi32, #tpu.memory_space<smem>>
          %mul3A_155 = arith.constant 8 : i32
          %mul3A_156 = arith.muli %scan3A_88, %mul3A_155 : i32
          %add3A_157 = arith.constant 2 : i32
          %add3A_158 = arith.addi %mul3A_156, %add3A_157 : i32
          %mul3A_159 = arith.constant 16 : i32
          %mul3A_160 = arith.muli %add3A_158, %mul3A_159 : i32
          %get3A_161 = arith.index_cast %mul3A_160 : i32 to index
          %get3A_162 = tpu.vector_load %arg6[%get3A_161] {strides = array<i32>} : memref<7168xi32, #tpu.memory_space<vmem>>, vector<16xi32>,
          %mul3A_163 = arith.constant 16 : i32
          %mul3A_164 = arith.muli %add3A_158, %mul3A_163 : i32
          %get3A_165 = arith.index_cast %mul3A_164 : i32 to index
          %get3A_166 = tpu.vector_load %arg5[%get3A_165] {strides = array<i32>} : memref<7168xi32, #tpu.memory_space<vmem>>, vector<16xi32>,
          %get3A_167 = arith.constant 0 : i32
          %get3A_168 = arith.index_cast %get3A_167 : i32 to index
          %get3A_169 = memref.load %arg12[%get3A_168] : memref<1xi32, #tpu.memory_space<smem>>
          %ge3A_170 = vector.broadcast %mul3A_18 : i32 to vector<16xi32>
          %ge3A_171 = arith.cmpi sge, %get3A_162, %ge3A_170 : vector<16xi32>
          %add3A_172 = arith.constant 10240 : i32
          %add3A_173 = arith.addi %mul3A_18, %add3A_172 : i32
          %lt3A_174 = vector.broadcast %add3A_173 : i32 to vector<16xi32>
          %lt3A_175 = arith.cmpi slt, %get3A_162, %lt3A_174 : vector<16xi32>
          %and3A_176 = arith.andi %ge3A_171, %lt3A_175 : vector<16xi1>
          %convert_element_type3A_177 = arith.extui %and3A_176 : vector<16xi1> to vector<16xi32>
          %broadcast_in_dim3A_178 = arith.constant true
          %broadcast_in_dim3A_179 = vector.broadcast %broadcast_in_dim3A_178 : i1 to vector<16xi1>
          %masked_cumsum3A_180 = tpu.scan <sum>, %convert_element_type3A_177 masked %broadcast_in_dim3A_179 : vector<16xi32>, vector<16xi1> -> vector<16xi32>
          %add3A_181 = vector.broadcast %get3A_169 : i32 to vector<16xi32>
          %add3A_182 = arith.addi %add3A_181, %masked_cumsum3A_180 : vector<16xi32>
          %sub3A_183 = arith.subi %add3A_182, %convert_element_type3A_177 : vector<16xi32>
          tpu.vector_store_idx %arg8[%sub3A_183], %get3A_166 masked %and3A_176 : memref<288xi32, #tpu.memory_space<vmem>>[vector<16xi32>], vector<16xi32>, vector<16xi1>
          %sub3A_184 = vector.broadcast %mul3A_18 : i32 to vector<16xi32>
          %sub3A_185 = arith.subi %get3A_162, %sub3A_184 : vector<16xi32>
          tpu.vector_store_idx %arg9[%sub3A_183], %sub3A_185 masked %and3A_176 : memref<288xi32, #tpu.memory_space<vmem>>[vector<16xi32>], vector<16xi32>, vector<16xi1>
          %slice3A_186 = vector.extract_strided_slice %masked_cumsum3A_180 {offsets = [15], sizes = [1], strides = [1]} : vector<16xi32> to vector<1xi32>
          %squeeze3A_187 = vector.extract %slice3A_186[0] : i32 from vector<1xi32>
          %add3A_188 = arith.addi %get3A_169, %squeeze3A_187 : i32
          %swap3A_189 = arith.constant 0 : i32
          %swap3A_190 = arith.index_cast %swap3A_189 : i32 to index
          %swap3A_191 = memref.load %arg12[%swap3A_190] : memref<1xi32, #tpu.memory_space<smem>>
          memref.store %add3A_188, %arg12[%swap3A_190] : memref<1xi32, #tpu.memory_space<smem>>
          %mul3A_192 = arith.constant 8 : i32
          %mul3A_193 = arith.muli %scan3A_88, %mul3A_192 : i32
          %add3A_194 = arith.constant 3 : i32
          %add3A_195 = arith.addi %mul3A_193, %add3A_194 : i32
          %mul3A_196 = arith.constant 16 : i32
          %mul3A_197 = arith.muli %add3A_195, %mul3A_196 : i32
          %get3A_198 = arith.index_cast %mul3A_197 : i32 to index
          %get3A_199 = tpu.vector_load %arg6[%get3A_198] {strides = array<i32>} : memref<7168xi32, #tpu.memory_space<vmem>>, vector<16xi32>,
          %mul3A_200 = arith.constant 16 : i32
          %mul3A_201 = arith.muli %add3A_195, %mul3A_200 : i32
          %get3A_202 = arith.index_cast %mul3A_201 : i32 to index
          %get3A_203 = tpu.vector_load %arg5[%get3A_202] {strides = array<i32>} : memref<7168xi32, #tpu.memory_space<vmem>>, vector<16xi32>,
          %get3A_204 = arith.constant 0 : i32
          %get3A_205 = arith.index_cast %get3A_204 : i32 to index
          %get3A_206 = memref.load %arg12[%get3A_205] : memref<1xi32, #tpu.memory_space<smem>>
          %ge3A_207 = vector.broadcast %mul3A_18 : i32 to vector<16xi32>
          %ge3A_208 = arith.cmpi sge, %get3A_199, %ge3A_207 : vector<16xi32>
          %add3A_209 = arith.constant 10240 : i32
          %add3A_210 = arith.addi %mul3A_18, %add3A_209 : i32
          %lt3A_211 = vector.broadcast %add3A_210 : i32 to vector<16xi32>
          %lt3A_212 = arith.cmpi slt, %get3A_199, %lt3A_211 : vector<16xi32>
          %and3A_213 = arith.andi %ge3A_208, %lt3A_212 : vector<16xi1>
          %convert_element_type3A_214 = arith.extui %and3A_213 : vector<16xi1> to vector<16xi32>
          %broadcast_in_dim3A_215 = arith.constant true
          %broadcast_in_dim3A_216 = vector.broadcast %broadcast_in_dim3A_215 : i1 to vector<16xi1>
          %masked_cumsum3A_217 = tpu.scan <sum>, %convert_element_type3A_214 masked %broadcast_in_dim3A_216 : vector<16xi32>, vector<16xi1> -> vector<16xi32>
          %add3A_218 = vector.broadcast %get3A_206 : i32 to vector<16xi32>
          %add3A_219 = arith.addi %add3A_218, %masked_cumsum3A_217 : vector<16xi32>
          %sub3A_220 = arith.subi %add3A_219, %convert_element_type3A_214 : vector<16xi32>
          tpu.vector_store_idx %arg8[%sub3A_220], %get3A_203 masked %and3A_213 : memref<288xi32, #tpu.memory_space<vmem>>[vector<16xi32>], vector<16xi32>, vector<16xi1>
          %sub3A_221 = vector.broadcast %mul3A_18 : i32 to vector<16xi32>
          %sub3A_222 = arith.subi %get3A_199, %sub3A_221 : vector<16xi32>
          tpu.vector_store_idx %arg9[%sub3A_220], %sub3A_222 masked %and3A_213 : memref<288xi32, #tpu.memory_space<vmem>>[vector<16xi32>], vector<16xi32>, vector<16xi1>
          %slice3A_223 = vector.extract_strided_slice %masked_cumsum3A_217 {offsets = [15], sizes = [1], strides = [1]} : vector<16xi32> to vector<1xi32>
          %squeeze3A_224 = vector.extract %slice3A_223[0] : i32 from vector<1xi32>
          %add3A_225 = arith.addi %get3A_206, %squeeze3A_224 : i32
          %swap3A_226 = arith.constant 0 : i32
          %swap3A_227 = arith.index_cast %swap3A_226 : i32 to index
          %swap3A_228 = memref.load %arg12[%swap3A_227] : memref<1xi32, #tpu.memory_space<smem>>
          memref.store %add3A_225, %arg12[%swap3A_227] : memref<1xi32, #tpu.memory_space<smem>>
          %mul3A_229 = arith.constant 8 : i32
          %mul3A_230 = arith.muli %scan3A_88, %mul3A_229 : i32
          %add3A_231 = arith.constant 4 : i32
          %add3A_232 = arith.addi %mul3A_230, %add3A_231 : i32
          %mul3A_233 = arith.constant 16 : i32
          %mul3A_234 = arith.muli %add3A_232, %mul3A_233 : i32
          %get3A_235 = arith.index_cast %mul3A_234 : i32 to index
          %get3A_236 = tpu.vector_load %arg6[%get3A_235] {strides = array<i32>} : memref<7168xi32, #tpu.memory_space<vmem>>, vector<16xi32>,
          %mul3A_237 = arith.constant 16 : i32
          %mul3A_238 = arith.muli %add3A_232, %mul3A_237 : i32
          %get3A_239 = arith.index_cast %mul3A_238 : i32 to index
          %get3A_240 = tpu.vector_load %arg5[%get3A_239] {strides = array<i32>} : memref<7168xi32, #tpu.memory_space<vmem>>, vector<16xi32>,
          %get3A_241 = arith.constant 0 : i32
          %get3A_242 = arith.index_cast %get3A_241 : i32 to index
          %get3A_243 = memref.load %arg12[%get3A_242] : memref<1xi32, #tpu.memory_space<smem>>
          %ge3A_244 = vector.broadcast %mul3A_18 : i32 to vector<16xi32>
          %ge3A_245 = arith.cmpi sge, %get3A_236, %ge3A_244 : vector<16xi32>
          %add3A_246 = arith.constant 10240 : i32
          %add3A_247 = arith.addi %mul3A_18, %add3A_246 : i32
          %lt3A_248 = vector.broadcast %add3A_247 : i32 to vector<16xi32>
          %lt3A_249 = arith.cmpi slt, %get3A_236, %lt3A_248 : vector<16xi32>
          %and3A_250 = arith.andi %ge3A_245, %lt3A_249 : vector<16xi1>
          %convert_element_type3A_251 = arith.extui %and3A_250 : vector<16xi1> to vector<16xi32>
          %broadcast_in_dim3A_252 = arith.constant true
          %broadcast_in_dim3A_253 = vector.broadcast %broadcast_in_dim3A_252 : i1 to vector<16xi1>
          %masked_cumsum3A_254 = tpu.scan <sum>, %convert_element_type3A_251 masked %broadcast_in_dim3A_253 : vector<16xi32>, vector<16xi1> -> vector<16xi32>
          %add3A_255 = vector.broadcast %get3A_243 : i32 to vector<16xi32>
          %add3A_256 = arith.addi %add3A_255, %masked_cumsum3A_254 : vector<16xi32>
          %sub3A_257 = arith.subi %add3A_256, %convert_element_type3A_251 : vector<16xi32>
          tpu.vector_store_idx %arg8[%sub3A_257], %get3A_240 masked %and3A_250 : memref<288xi32, #tpu.memory_space<vmem>>[vector<16xi32>], vector<16xi32>, vector<16xi1>
          %sub3A_258 = vector.broadcast %mul3A_18 : i32 to vector<16xi32>
          %sub3A_259 = arith.subi %get3A_236, %sub3A_258 : vector<16xi32>
          tpu.vector_store_idx %arg9[%sub3A_257], %sub3A_259 masked %and3A_250 : memref<288xi32, #tpu.memory_space<vmem>>[vector<16xi32>], vector<16xi32>, vector<16xi1>
          %slice3A_260 = vector.extract_strided_slice %masked_cumsum3A_254 {offsets = [15], sizes = [1], strides = [1]} : vector<16xi32> to vector<1xi32>
          %squeeze3A_261 = vector.extract %slice3A_260[0] : i32 from vector<1xi32>
          %add3A_262 = arith.addi %get3A_243, %squeeze3A_261 : i32
          %swap3A_263 = arith.constant 0 : i32
          %swap3A_264 = arith.index_cast %swap3A_263 : i32 to index
          %swap3A_265 = memref.load %arg12[%swap3A_264] : memref<1xi32, #tpu.memory_space<smem>>
          memref.store %add3A_262, %arg12[%swap3A_264] : memref<1xi32, #tpu.memory_space<smem>>
          %mul3A_266 = arith.constant 8 : i32
          %mul3A_267 = arith.muli %scan3A_88, %mul3A_266 : i32
          %add3A_268 = arith.constant 5 : i32
          %add3A_269 = arith.addi %mul3A_267, %add3A_268 : i32
          %mul3A_270 = arith.constant 16 : i32
          %mul3A_271 = arith.muli %add3A_269, %mul3A_270 : i32
          %get3A_272 = arith.index_cast %mul3A_271 : i32 to index
          %get3A_273 = tpu.vector_load %arg6[%get3A_272] {strides = array<i32>} : memref<7168xi32, #tpu.memory_space<vmem>>, vector<16xi32>,
          %mul3A_274 = arith.constant 16 : i32
          %mul3A_275 = arith.muli %add3A_269, %mul3A_274 : i32
          %get3A_276 = arith.index_cast %mul3A_275 : i32 to index
          %get3A_277 = tpu.vector_load %arg5[%get3A_276] {strides = array<i32>} : memref<7168xi32, #tpu.memory_space<vmem>>, vector<16xi32>,
          %get3A_278 = arith.constant 0 : i32
          %get3A_279 = arith.index_cast %get3A_278 : i32 to index
          %get3A_280 = memref.load %arg12[%get3A_279] : memref<1xi32, #tpu.memory_space<smem>>
          %ge3A_281 = vector.broadcast %mul3A_18 : i32 to vector<16xi32>
          %ge3A_282 = arith.cmpi sge, %get3A_273, %ge3A_281 : vector<16xi32>
          %add3A_283 = arith.constant 10240 : i32
          %add3A_284 = arith.addi %mul3A_18, %add3A_283 : i32
          %lt3A_285 = vector.broadcast %add3A_284 : i32 to vector<16xi32>
          %lt3A_286 = arith.cmpi slt, %get3A_273, %lt3A_285 : vector<16xi32>
          %and3A_287 = arith.andi %ge3A_282, %lt3A_286 : vector<16xi1>
          %convert_element_type3A_288 = arith.extui %and3A_287 : vector<16xi1> to vector<16xi32>
          %broadcast_in_dim3A_289 = arith.constant true
          %broadcast_in_dim3A_290 = vector.broadcast %broadcast_in_dim3A_289 : i1 to vector<16xi1>
          %masked_cumsum3A_291 = tpu.scan <sum>, %convert_element_type3A_288 masked %broadcast_in_dim3A_290 : vector<16xi32>, vector<16xi1> -> vector<16xi32>
          %add3A_292 = vector.broadcast %get3A_280 : i32 to vector<16xi32>
          %add3A_293 = arith.addi %add3A_292, %masked_cumsum3A_291 : vector<16xi32>
          %sub3A_294 = arith.subi %add3A_293, %convert_element_type3A_288 : vector<16xi32>
          tpu.vector_store_idx %arg8[%sub3A_294], %get3A_277 masked %and3A_287 : memref<288xi32, #tpu.memory_space<vmem>>[vector<16xi32>], vector<16xi32>, vector<16xi1>
          %sub3A_295 = vector.broadcast %mul3A_18 : i32 to vector<16xi32>
          %sub3A_296 = arith.subi %get3A_273, %sub3A_295 : vector<16xi32>
          tpu.vector_store_idx %arg9[%sub3A_294], %sub3A_296 masked %and3A_287 : memref<288xi32, #tpu.memory_space<vmem>>[vector<16xi32>], vector<16xi32>, vector<16xi1>
          %slice3A_297 = vector.extract_strided_slice %masked_cumsum3A_291 {offsets = [15], sizes = [1], strides = [1]} : vector<16xi32> to vector<1xi32>
          %squeeze3A_298 = vector.extract %slice3A_297[0] : i32 from vector<1xi32>
          %add3A_299 = arith.addi %get3A_280, %squeeze3A_298 : i32
          %swap3A_300 = arith.constant 0 : i32
          %swap3A_301 = arith.index_cast %swap3A_300 : i32 to index
          %swap3A_302 = memref.load %arg12[%swap3A_301] : memref<1xi32, #tpu.memory_space<smem>>
          memref.store %add3A_299, %arg12[%swap3A_301] : memref<1xi32, #tpu.memory_space<smem>>
          %mul3A_303 = arith.constant 8 : i32
          %mul3A_304 = arith.muli %scan3A_88, %mul3A_303 : i32
          %add3A_305 = arith.constant 6 : i32
          %add3A_306 = arith.addi %mul3A_304, %add3A_305 : i32
          %mul3A_307 = arith.constant 16 : i32
          %mul3A_308 = arith.muli %add3A_306, %mul3A_307 : i32
          %get3A_309 = arith.index_cast %mul3A_308 : i32 to index
          %get3A_310 = tpu.vector_load %arg6[%get3A_309] {strides = array<i32>} : memref<7168xi32, #tpu.memory_space<vmem>>, vector<16xi32>,
          %mul3A_311 = arith.constant 16 : i32
          %mul3A_312 = arith.muli %add3A_306, %mul3A_311 : i32
          %get3A_313 = arith.index_cast %mul3A_312 : i32 to index
          %get3A_314 = tpu.vector_load %arg5[%get3A_313] {strides = array<i32>} : memref<7168xi32, #tpu.memory_space<vmem>>, vector<16xi32>,
          %get3A_315 = arith.constant 0 : i32
          %get3A_316 = arith.index_cast %get3A_315 : i32 to index
          %get3A_317 = memref.load %arg12[%get3A_316] : memref<1xi32, #tpu.memory_space<smem>>
          %ge3A_318 = vector.broadcast %mul3A_18 : i32 to vector<16xi32>
          %ge3A_319 = arith.cmpi sge, %get3A_310, %ge3A_318 : vector<16xi32>
          %add3A_320 = arith.constant 10240 : i32
          %add3A_321 = arith.addi %mul3A_18, %add3A_320 : i32
          %lt3A_322 = vector.broadcast %add3A_321 : i32 to vector<16xi32>
          %lt3A_323 = arith.cmpi slt, %get3A_310, %lt3A_322 : vector<16xi32>
          %and3A_324 = arith.andi %ge3A_319, %lt3A_323 : vector<16xi1>
          %convert_element_type3A_325 = arith.extui %and3A_324 : vector<16xi1> to vector<16xi32>
          %broadcast_in_dim3A_326 = arith.constant true
          %broadcast_in_dim3A_327 = vector.broadcast %broadcast_in_dim3A_326 : i1 to vector<16xi1>
          %masked_cumsum3A_328 = tpu.scan <sum>, %convert_element_type3A_325 masked %broadcast_in_dim3A_327 : vector<16xi32>, vector<16xi1> -> vector<16xi32>
          %add3A_329 = vector.broadcast %get3A_317 : i32 to vector<16xi32>
          %add3A_330 = arith.addi %add3A_329, %masked_cumsum3A_328 : vector<16xi32>
          %sub3A_331 = arith.subi %add3A_330, %convert_element_type3A_325 : vector<16xi32>
          tpu.vector_store_idx %arg8[%sub3A_331], %get3A_314 masked %and3A_324 : memref<288xi32, #tpu.memory_space<vmem>>[vector<16xi32>], vector<16xi32>, vector<16xi1>
          %sub3A_332 = vector.broadcast %mul3A_18 : i32 to vector<16xi32>
          %sub3A_333 = arith.subi %get3A_310, %sub3A_332 : vector<16xi32>
          tpu.vector_store_idx %arg9[%sub3A_331], %sub3A_333 masked %and3A_324 : memref<288xi32, #tpu.memory_space<vmem>>[vector<16xi32>], vector<16xi32>, vector<16xi1>
          %slice3A_334 = vector.extract_strided_slice %masked_cumsum3A_328 {offsets = [15], sizes = [1], strides = [1]} : vector<16xi32> to vector<1xi32>
          %squeeze3A_335 = vector.extract %slice3A_334[0] : i32 from vector<1xi32>
          %add3A_336 = arith.addi %get3A_317, %squeeze3A_335 : i32
          %swap3A_337 = arith.constant 0 : i32
          %swap3A_338 = arith.index_cast %swap3A_337 : i32 to index
          %swap3A_339 = memref.load %arg12[%swap3A_338] : memref<1xi32, #tpu.memory_space<smem>>
          memref.store %add3A_336, %arg12[%swap3A_338] : memref<1xi32, #tpu.memory_space<smem>>
          %mul3A_340 = arith.constant 8 : i32
          %mul3A_341 = arith.muli %scan3A_88, %mul3A_340 : i32
          %add3A_342 = arith.constant 7 : i32
          %add3A_343 = arith.addi %mul3A_341, %add3A_342 : i32
          %mul3A_344 = arith.constant 16 : i32
          %mul3A_345 = arith.muli %add3A_343, %mul3A_344 : i32
          %get3A_346 = arith.index_cast %mul3A_345 : i32 to index
          %get3A_347 = tpu.vector_load %arg6[%get3A_346] {strides = array<i32>} : memref<7168xi32, #tpu.memory_space<vmem>>, vector<16xi32>,
          %mul3A_348 = arith.constant 16 : i32
          %mul3A_349 = arith.muli %add3A_343, %mul3A_348 : i32
          %get3A_350 = arith.index_cast %mul3A_349 : i32 to index
          %get3A_351 = tpu.vector_load %arg5[%get3A_350] {strides = array<i32>} : memref<7168xi32, #tpu.memory_space<vmem>>, vector<16xi32>,
          %get3A_352 = arith.constant 0 : i32
          %get3A_353 = arith.index_cast %get3A_352 : i32 to index
          %get3A_354 = memref.load %arg12[%get3A_353] : memref<1xi32, #tpu.memory_space<smem>>
          %ge3A_355 = vector.broadcast %mul3A_18 : i32 to vector<16xi32>
          %ge3A_356 = arith.cmpi sge, %get3A_347, %ge3A_355 : vector<16xi32>
          %add3A_357 = arith.constant 10240 : i32
          %add3A_358 = arith.addi %mul3A_18, %add3A_357 : i32
          %lt3A_359 = vector.broadcast %add3A_358 : i32 to vector<16xi32>
          %lt3A_360 = arith.cmpi slt, %get3A_347, %lt3A_359 : vector<16xi32>
          %and3A_361 = arith.andi %ge3A_356, %lt3A_360 : vector<16xi1>
          %convert_element_type3A_362 = arith.extui %and3A_361 : vector<16xi1> to vector<16xi32>
          %broadcast_in_dim3A_363 = arith.constant true
          %broadcast_in_dim3A_364 = vector.broadcast %broadcast_in_dim3A_363 : i1 to vector<16xi1>
          %masked_cumsum3A_365 = tpu.scan <sum>, %convert_element_type3A_362 masked %broadcast_in_dim3A_364 : vector<16xi32>, vector<16xi1> -> vector<16xi32>
          %add3A_366 = vector.broadcast %get3A_354 : i32 to vector<16xi32>
          %add3A_367 = arith.addi %add3A_366, %masked_cumsum3A_365 : vector<16xi32>
          %sub3A_368 = arith.subi %add3A_367, %convert_element_type3A_362 : vector<16xi32>
          tpu.vector_store_idx %arg8[%sub3A_368], %get3A_351 masked %and3A_361 : memref<288xi32, #tpu.memory_space<vmem>>[vector<16xi32>], vector<16xi32>, vector<16xi1>
          %sub3A_369 = vector.broadcast %mul3A_18 : i32 to vector<16xi32>
          %sub3A_370 = arith.subi %get3A_347, %sub3A_369 : vector<16xi32>
          tpu.vector_store_idx %arg9[%sub3A_368], %sub3A_370 masked %and3A_361 : memref<288xi32, #tpu.memory_space<vmem>>[vector<16xi32>], vector<16xi32>, vector<16xi1>
          %slice3A_371 = vector.extract_strided_slice %masked_cumsum3A_365 {offsets = [15], sizes = [1], strides = [1]} : vector<16xi32> to vector<1xi32>
          %squeeze3A_372 = vector.extract %slice3A_371[0] : i32 from vector<1xi32>
          %add3A_373 = arith.addi %get3A_354, %squeeze3A_372 : i32
          %swap3A_374 = arith.constant 0 : i32
          %swap3A_375 = arith.index_cast %swap3A_374 : i32 to index
          %swap3A_376 = memref.load %arg12[%swap3A_375] : memref<1xi32, #tpu.memory_space<smem>>
          memref.store %add3A_373, %arg12[%swap3A_375] : memref<1xi32, #tpu.memory_space<smem>>
          %get3A_377 = arith.constant 0 : i32
          %get3A_378 = arith.index_cast %get3A_377 : i32 to index
          %get3A_379 = memref.load %arg12[%get3A_378] : memref<1xi32, #tpu.memory_space<smem>>
          %ge3A_380 = arith.constant 128 : i32
          %ge3A_381 = arith.cmpi sge, %get3A_379, %ge3A_380 : i32
          %convert_element_type3A_382 = arith.extui %ge3A_381 : i1 to i32
          %cond3A = arith.constant 0 : i32
          %cond3A_383 = arith.cmpi ne, %convert_element_type3A_382, %cond3A : i32
          scf.if %cond3A_383 {
            %scan3A_393 = arith.constant 0 : i32
            %scan3A_394 = arith.constant 0 : i32
            %scan3A_395 = arith.constant 8 : i32
            %scan3A_396 = arith.addi %scan3A_394, %scan3A_395 : i32
            %scan3A_397 = arith.constant 1 : i32
            %scan3A_398 = scf.for %scan3A_413 = %scan3A_394 to %scan3A_396 step %scan3A_397 iter_args(%scan3A_414 = %scan3A_393) -> (i32)  : i32 {
              %mul3A_415 = arith.constant 16 : i32
              %mul3A_416 = arith.muli %scan3A_413, %mul3A_415 : i32
              %get3A_417 = arith.index_cast %mul3A_416 : i32 to index
              %get3A_418 = tpu.vector_load %arg8[%get3A_417] {strides = array<i32>} : memref<288xi32, #tpu.memory_space<vmem>>, vector<16xi32>,
              %mul3A_419 = arith.constant 16 : i32
              %mul3A_420 = arith.muli %scan3A_413, %mul3A_419 : i32
              %swap3A_421 = arith.index_cast %mul3A_420 : i32 to index
              %swap3A_422 = tpu.vector_load %arg10[%swap3A_421] {strides = array<i32>} : memref<128xi32, #tpu.memory_space<vmem>>, vector<16xi32>,
              tpu.vector_store %arg10[%swap3A_421], %get3A_418 {strides = array<i32>} : memref<128xi32, #tpu.memory_space<vmem>>, vector<16xi32>,
              %mul3A_423 = arith.constant 16 : i32
              %mul3A_424 = arith.muli %scan3A_413, %mul3A_423 : i32
              %get3A_425 = arith.index_cast %mul3A_424 : i32 to index
              %get3A_426 = tpu.vector_load %arg9[%get3A_425] {strides = array<i32>} : memref<288xi32, #tpu.memory_space<vmem>>, vector<16xi32>,
              %mul3A_427 = arith.constant 16 : i32
              %mul3A_428 = arith.muli %scan3A_413, %mul3A_427 : i32
              %swap3A_429 = arith.constant 0 : i32
              %swap3A_430 = arith.index_cast %swap3A_429 : i32 to index
              %swap3A_431 = arith.index_cast %mul3A_428 : i32 to index
              %swap3A_432 = tpu.vector_load %arg11[%swap3A_430, %swap3A_431] {strides = array<i32>} : memref<1x128xi32, #tpu.memory_space<vmem>>, vector<16xi32>,
              tpu.vector_store %arg11[%swap3A_430, %swap3A_431], %get3A_426 {strides = array<i32>} : memref<1x128xi32, #tpu.memory_space<vmem>>, vector<16xi32>,
              %scan3A_433 = arith.constant 0 : i32
              scf.yield %scan3A_433 : i32
            }
            %scan3A_399 = arith.constant 8 : i32
            "tpu.region"() ({
              %run_scoped3A_413 = tpu.sem_alloc : memref<!tpu.dma_semaphore, #tpu.memory_space<semaphore_mem>>
              %dma_start3A = arith.constant 0 : i32
              %dma_start3A_414 = arith.constant 0 : i32
              %dma_start3A_415 = tpu.memref_slice %arg3[%dma_start3A, %dma_start3A_414] : memref<102400x128xf32, #tpu.memory_space<hbm>> -> memref<102400x128xf32, #tpu.memory_space<hbm>>
              tpu.enqueue_indirect_dma source(%dma_start3A_415 : memref<102400x128xf32, #tpu.memory_space<hbm>>) target(%arg7 : memref<128x128xf32, #tpu.memory_space<vmem>>) offsets(%arg10 : memref<128xi32, #tpu.memory_space<vmem>>) semaphore(%run_scoped3A_413 : memref<!tpu.dma_semaphore, #tpu.memory_space<semaphore_mem>>)
              %dma_wait3A = arith.constant 0 : i32
              %dma_wait3A_416 = arith.constant 0 : i32
              %dma_wait3A_417 = tpu.memref_slice %arg3[%dma_wait3A, %dma_wait3A_416] : memref<102400x128xf32, #tpu.memory_space<hbm>> -> memref<102400x128xf32, #tpu.memory_space<hbm>>
              tpu.wait_indirect_dma semaphore(%run_scoped3A_413 : memref<!tpu.dma_semaphore, #tpu.memory_space<semaphore_mem>>) src(%dma_wait3A_417 : memref<102400x128xf32, #tpu.memory_space<hbm>>) dst(%arg7 : memref<128x128xf32, #tpu.memory_space<vmem>>)
              tpu.yield
            }) : () -> ()
            %run_scoped3A_400 = arith.constant 0 : i32
            "tpu.region"() ({
              %run_scoped3A_413 = tpu.sem_alloc : memref<!tpu.dma_semaphore, #tpu.memory_space<semaphore_mem>>
              %dma_start3A = arith.constant 0 : i32
              %dma_start3A_414 = tpu.memref_slice %arg11[%run_scoped3A_400, %dma_start3A] : memref<1x128xi32, #tpu.memory_space<vmem>> -> memref<1x128xi32, #tpu.memory_space<vmem>>
              %dma_start3A_415 = tpu.memref_squeeze %dma_start3A_414 : memref<1x128xi32, #tpu.memory_space<vmem>> -> memref<128xi32, #tpu.memory_space<vmem>>
              %dma_start3A_416 = arith.constant 0 : i32
              %dma_start3A_417 = arith.constant 0 : i32
              %dma_start3A_418 = tpu.memref_slice %arg13[%dma_start3A_416, %dma_start3A_417] : memref<10368x128xf32, #tpu.memory_space<vmem_shared>> -> memref<10368x128xf32, #tpu.memory_space<vmem_shared>>
              tpu.enqueue_indirect_dma source(%arg7 : memref<128x128xf32, #tpu.memory_space<vmem>>) target(%dma_start3A_418 : memref<10368x128xf32, #tpu.memory_space<vmem_shared>>) offsets(%dma_start3A_415 : memref<128xi32, #tpu.memory_space<vmem>>) semaphore(%run_scoped3A_413 : memref<!tpu.dma_semaphore, #tpu.memory_space<semaphore_mem>>) {add = true}
              %dma_wait3A = arith.constant 0 : i32
              %dma_wait3A_419 = tpu.memref_slice %arg11[%run_scoped3A_400, %dma_wait3A] : memref<1x128xi32, #tpu.memory_space<vmem>> -> memref<1x128xi32, #tpu.memory_space<vmem>>
              %dma_wait3A_420 = tpu.memref_squeeze %dma_wait3A_419 : memref<1x128xi32, #tpu.memory_space<vmem>> -> memref<128xi32, #tpu.memory_space<vmem>>
              %dma_wait3A_421 = arith.constant 0 : i32
              %dma_wait3A_422 = arith.constant 0 : i32
              %dma_wait3A_423 = tpu.memref_slice %arg13[%dma_wait3A_421, %dma_wait3A_422] : memref<10368x128xf32, #tpu.memory_space<vmem_shared>> -> memref<10368x128xf32, #tpu.memory_space<vmem_shared>>
              tpu.wait_indirect_dma semaphore(%run_scoped3A_413 : memref<!tpu.dma_semaphore, #tpu.memory_space<semaphore_mem>>) src(%arg7 : memref<128x128xf32, #tpu.memory_space<vmem>>) dst(%dma_wait3A_423 : memref<10368x128xf32, #tpu.memory_space<vmem_shared>>)
              tpu.yield
            }) : () -> ()
            %scan3A_401 = arith.constant 0 : i32
            %scan3A_402 = arith.constant 0 : i32
            %scan3A_403 = arith.constant 10 : i32
            %scan3A_404 = arith.addi %scan3A_402, %scan3A_403 : i32
            %scan3A_405 = arith.constant 1 : i32
            %scan3A_406 = scf.for %scan3A_413 = %scan3A_402 to %scan3A_404 step %scan3A_405 iter_args(%scan3A_414 = %scan3A_401) -> (i32)  : i32 {
              %mul3A_415 = arith.constant 16 : i32
              %mul3A_416 = arith.muli %scan3A_413, %mul3A_415 : i32
              %add3A_417 = arith.constant 128 : i32
              %add3A_418 = arith.addi %add3A_417, %mul3A_416 : i32
              %get3A_419 = arith.index_cast %add3A_418 : i32 to index
              %get3A_420 = tpu.vector_load %arg8[%get3A_419] {strides = array<i32>} : memref<288xi32, #tpu.memory_space<vmem>>, vector<16xi32>,
              %mul3A_421 = arith.constant 16 : i32
              %mul3A_422 = arith.muli %scan3A_413, %mul3A_421 : i32
              %swap3A_423 = arith.index_cast %mul3A_422 : i32 to index
              %swap3A_424 = tpu.vector_load %arg8[%swap3A_423] {strides = array<i32>} : memref<288xi32, #tpu.memory_space<vmem>>, vector<16xi32>,
              tpu.vector_store %arg8[%swap3A_423], %get3A_420 {strides = array<i32>} : memref<288xi32, #tpu.memory_space<vmem>>, vector<16xi32>,
              %mul3A_425 = arith.constant 16 : i32
              %mul3A_426 = arith.muli %scan3A_413, %mul3A_425 : i32
              %add3A_427 = arith.constant 128 : i32
              %add3A_428 = arith.addi %add3A_427, %mul3A_426 : i32
              %get3A_429 = arith.index_cast %add3A_428 : i32 to index
              %get3A_430 = tpu.vector_load %arg9[%get3A_429] {strides = array<i32>} : memref<288xi32, #tpu.memory_space<vmem>>, vector<16xi32>,
              %mul3A_431 = arith.constant 16 : i32
              %mul3A_432 = arith.muli %scan3A_413, %mul3A_431 : i32
              %swap3A_433 = arith.index_cast %mul3A_432 : i32 to index
              %swap3A_434 = tpu.vector_load %arg9[%swap3A_433] {strides = array<i32>} : memref<288xi32, #tpu.memory_space<vmem>>, vector<16xi32>,
              tpu.vector_store %arg9[%swap3A_433], %get3A_430 {strides = array<i32>} : memref<288xi32, #tpu.memory_space<vmem>>, vector<16xi32>,
              %scan3A_435 = arith.constant 0 : i32
              scf.yield %scan3A_435 : i32
            }
            %scan3A_407 = arith.constant 10 : i32
            %sub3A_408 = arith.constant 128 : i32
            %sub3A_409 = arith.subi %get3A_379, %sub3A_408 : i32
            %swap3A_410 = arith.constant 0 : i32
            %swap3A_411 = arith.index_cast %swap3A_410 : i32 to index
            %swap3A_412 = memref.load %arg12[%swap3A_411] : memref<1xi32, #tpu.memory_space<smem>>
            memref.store %sub3A_409, %arg12[%swap3A_411] : memref<1xi32, #tpu.memory_space<smem>>
          } else {
          }
          %get3A_384 = arith.constant 0 : i32
          %get3A_385 = arith.index_cast %get3A_384 : i32 to index
          %get3A_386 = memref.load %arg12[%get3A_385] : memref<1xi32, #tpu.memory_space<smem>>
          %ge3A_387 = arith.constant 128 : i32
          %ge3A_388 = arith.cmpi sge, %get3A_386, %ge3A_387 : i32
          %convert_element_type3A_389 = arith.extui %ge3A_388 : i1 to i32
          %cond3A_390 = arith.constant 0 : i32
          %cond3A_391 = arith.cmpi ne, %convert_element_type3A_389, %cond3A_390 : i32
          scf.if %cond3A_391 {
            %scan3A_393 = arith.constant 0 : i32
            %scan3A_394 = arith.constant 0 : i32
            %scan3A_395 = arith.constant 8 : i32
            %scan3A_396 = arith.addi %scan3A_394, %scan3A_395 : i32
            %scan3A_397 = arith.constant 1 : i32
            %scan3A_398 = scf.for %scan3A_413 = %scan3A_394 to %scan3A_396 step %scan3A_397 iter_args(%scan3A_414 = %scan3A_393) -> (i32)  : i32 {
              %mul3A_415 = arith.constant 16 : i32
              %mul3A_416 = arith.muli %scan3A_413, %mul3A_415 : i32
              %get3A_417 = arith.index_cast %mul3A_416 : i32 to index
              %get3A_418 = tpu.vector_load %arg8[%get3A_417] {strides = array<i32>} : memref<288xi32, #tpu.memory_space<vmem>>, vector<16xi32>,
              %mul3A_419 = arith.constant 16 : i32
              %mul3A_420 = arith.muli %scan3A_413, %mul3A_419 : i32
              %swap3A_421 = arith.index_cast %mul3A_420 : i32 to index
              %swap3A_422 = tpu.vector_load %arg10[%swap3A_421] {strides = array<i32>} : memref<128xi32, #tpu.memory_space<vmem>>, vector<16xi32>,
              tpu.vector_store %arg10[%swap3A_421], %get3A_418 {strides = array<i32>} : memref<128xi32, #tpu.memory_space<vmem>>, vector<16xi32>,
              %mul3A_423 = arith.constant 16 : i32
              %mul3A_424 = arith.muli %scan3A_413, %mul3A_423 : i32
              %get3A_425 = arith.index_cast %mul3A_424 : i32 to index
              %get3A_426 = tpu.vector_load %arg9[%get3A_425] {strides = array<i32>} : memref<288xi32, #tpu.memory_space<vmem>>, vector<16xi32>,
              %mul3A_427 = arith.constant 16 : i32
              %mul3A_428 = arith.muli %scan3A_413, %mul3A_427 : i32
              %swap3A_429 = arith.constant 0 : i32
              %swap3A_430 = arith.index_cast %swap3A_429 : i32 to index
              %swap3A_431 = arith.index_cast %mul3A_428 : i32 to index
              %swap3A_432 = tpu.vector_load %arg11[%swap3A_430, %swap3A_431] {strides = array<i32>} : memref<1x128xi32, #tpu.memory_space<vmem>>, vector<16xi32>,
              tpu.vector_store %arg11[%swap3A_430, %swap3A_431], %get3A_426 {strides = array<i32>} : memref<1x128xi32, #tpu.memory_space<vmem>>, vector<16xi32>,
              %scan3A_433 = arith.constant 0 : i32
              scf.yield %scan3A_433 : i32
            }
            %scan3A_399 = arith.constant 8 : i32
            "tpu.region"() ({
              %run_scoped3A_413 = tpu.sem_alloc : memref<!tpu.dma_semaphore, #tpu.memory_space<semaphore_mem>>
              %dma_start3A = arith.constant 0 : i32
              %dma_start3A_414 = arith.constant 0 : i32
              %dma_start3A_415 = tpu.memref_slice %arg3[%dma_start3A, %dma_start3A_414] : memref<102400x128xf32, #tpu.memory_space<hbm>> -> memref<102400x128xf32, #tpu.memory_space<hbm>>
              tpu.enqueue_indirect_dma source(%dma_start3A_415 : memref<102400x128xf32, #tpu.memory_space<hbm>>) target(%arg7 : memref<128x128xf32, #tpu.memory_space<vmem>>) offsets(%arg10 : memref<128xi32, #tpu.memory_space<vmem>>) semaphore(%run_scoped3A_413 : memref<!tpu.dma_semaphore, #tpu.memory_space<semaphore_mem>>)
              %dma_wait3A = arith.constant 0 : i32
              %dma_wait3A_416 = arith.constant 0 : i32
              %dma_wait3A_417 = tpu.memref_slice %arg3[%dma_wait3A, %dma_wait3A_416] : memref<102400x128xf32, #tpu.memory_space<hbm>> -> memref<102400x128xf32, #tpu.memory_space<hbm>>
              tpu.wait_indirect_dma semaphore(%run_scoped3A_413 : memref<!tpu.dma_semaphore, #tpu.memory_space<semaphore_mem>>) src(%dma_wait3A_417 : memref<102400x128xf32, #tpu.memory_space<hbm>>) dst(%arg7 : memref<128x128xf32, #tpu.memory_space<vmem>>)
              tpu.yield
            }) : () -> ()
            %run_scoped3A_400 = arith.constant 0 : i32
            "tpu.region"() ({
              %run_scoped3A_413 = tpu.sem_alloc : memref<!tpu.dma_semaphore, #tpu.memory_space<semaphore_mem>>
              %dma_start3A = arith.constant 0 : i32
              %dma_start3A_414 = tpu.memref_slice %arg11[%run_scoped3A_400, %dma_start3A] : memref<1x128xi32, #tpu.memory_space<vmem>> -> memref<1x128xi32, #tpu.memory_space<vmem>>
              %dma_start3A_415 = tpu.memref_squeeze %dma_start3A_414 : memref<1x128xi32, #tpu.memory_space<vmem>> -> memref<128xi32, #tpu.memory_space<vmem>>
              %dma_start3A_416 = arith.constant 0 : i32
              %dma_start3A_417 = arith.constant 0 : i32
              %dma_start3A_418 = tpu.memref_slice %arg13[%dma_start3A_416, %dma_start3A_417] : memref<10368x128xf32, #tpu.memory_space<vmem_shared>> -> memref<10368x128xf32, #tpu.memory_space<vmem_shared>>
              tpu.enqueue_indirect_dma source(%arg7 : memref<128x128xf32, #tpu.memory_space<vmem>>) target(%dma_start3A_418 : memref<10368x128xf32, #tpu.memory_space<vmem_shared>>) offsets(%dma_start3A_415 : memref<128xi32, #tpu.memory_space<vmem>>) semaphore(%run_scoped3A_413 : memref<!tpu.dma_semaphore, #tpu.memory_space<semaphore_mem>>) {add = true}
              %dma_wait3A = arith.constant 0 : i32
              %dma_wait3A_419 = tpu.memref_slice %arg11[%run_scoped3A_400, %dma_wait3A] : memref<1x128xi32, #tpu.memory_space<vmem>> -> memref<1x128xi32, #tpu.memory_space<vmem>>
              %dma_wait3A_420 = tpu.memref_squeeze %dma_wait3A_419 : memref<1x128xi32, #tpu.memory_space<vmem>> -> memref<128xi32, #tpu.memory_space<vmem>>
              %dma_wait3A_421 = arith.constant 0 : i32
              %dma_wait3A_422 = arith.constant 0 : i32
              %dma_wait3A_423 = tpu.memref_slice %arg13[%dma_wait3A_421, %dma_wait3A_422] : memref<10368x128xf32, #tpu.memory_space<vmem_shared>> -> memref<10368x128xf32, #tpu.memory_space<vmem_shared>>
              tpu.wait_indirect_dma semaphore(%run_scoped3A_413 : memref<!tpu.dma_semaphore, #tpu.memory_space<semaphore_mem>>) src(%arg7 : memref<128x128xf32, #tpu.memory_space<vmem>>) dst(%dma_wait3A_423 : memref<10368x128xf32, #tpu.memory_space<vmem_shared>>)
              tpu.yield
            }) : () -> ()
            %scan3A_401 = arith.constant 0 : i32
            %scan3A_402 = arith.constant 0 : i32
            %scan3A_403 = arith.constant 10 : i32
            %scan3A_404 = arith.addi %scan3A_402, %scan3A_403 : i32
            %scan3A_405 = arith.constant 1 : i32
            %scan3A_406 = scf.for %scan3A_413 = %scan3A_402 to %scan3A_404 step %scan3A_405 iter_args(%scan3A_414 = %scan3A_401) -> (i32)  : i32 {
              %mul3A_415 = arith.constant 16 : i32
              %mul3A_416 = arith.muli %scan3A_413, %mul3A_415 : i32
              %add3A_417 = arith.constant 128 : i32
              %add3A_418 = arith.addi %add3A_417, %mul3A_416 : i32
              %get3A_419 = arith.index_cast %add3A_418 : i32 to index
              %get3A_420 = tpu.vector_load %arg8[%get3A_419] {strides = array<i32>} : memref<288xi32, #tpu.memory_space<vmem>>, vector<16xi32>,
              %mul3A_421 = arith.constant 16 : i32
              %mul3A_422 = arith.muli %scan3A_413, %mul3A_421 : i32
              %swap3A_423 = arith.index_cast %mul3A_422 : i32 to index
              %swap3A_424 = tpu.vector_load %arg8[%swap3A_423] {strides = array<i32>} : memref<288xi32, #tpu.memory_space<vmem>>, vector<16xi32>,
              tpu.vector_store %arg8[%swap3A_423], %get3A_420 {strides = array<i32>} : memref<288xi32, #tpu.memory_space<vmem>>, vector<16xi32>,
              %mul3A_425 = arith.constant 16 : i32
              %mul3A_426 = arith.muli %scan3A_413, %mul3A_425 : i32
              %add3A_427 = arith.constant 128 : i32
              %add3A_428 = arith.addi %add3A_427, %mul3A_426 : i32
              %get3A_429 = arith.index_cast %add3A_428 : i32 to index
              %get3A_430 = tpu.vector_load %arg9[%get3A_429] {strides = array<i32>} : memref<288xi32, #tpu.memory_space<vmem>>, vector<16xi32>,
              %mul3A_431 = arith.constant 16 : i32
              %mul3A_432 = arith.muli %scan3A_413, %mul3A_431 : i32
              %swap3A_433 = arith.index_cast %mul3A_432 : i32 to index
              %swap3A_434 = tpu.vector_load %arg9[%swap3A_433] {strides = array<i32>} : memref<288xi32, #tpu.memory_space<vmem>>, vector<16xi32>,
              tpu.vector_store %arg9[%swap3A_433], %get3A_430 {strides = array<i32>} : memref<288xi32, #tpu.memory_space<vmem>>, vector<16xi32>,
              %scan3A_435 = arith.constant 0 : i32
              scf.yield %scan3A_435 : i32
            }
            %scan3A_407 = arith.constant 10 : i32
            %sub3A_408 = arith.constant 128 : i32
            %sub3A_409 = arith.subi %get3A_386, %sub3A_408 : i32
            %swap3A_410 = arith.constant 0 : i32
            %swap3A_411 = arith.index_cast %swap3A_410 : i32 to index
            %swap3A_412 = memref.load %arg12[%swap3A_411] : memref<1xi32, #tpu.memory_space<smem>>
            memref.store %sub3A_409, %arg12[%swap3A_411] : memref<1xi32, #tpu.memory_space<smem>>
          } else {
          }
          %scan3A_392 = arith.constant 0 : i32
          scf.yield %scan3A_392 : i32
        }
        %scan3A_86 = arith.constant 56 : i32
        %scan3A_87 = arith.constant 0 : i32
        scf.yield %scan3A_87 : i32
      }
      %scan3A_46 = arith.constant 14 : i32
      %scan3A_47 = arith.constant 0 : i32
      %scan3A_48 = arith.constant 0 : i32
      %scan3A_49 = arith.constant 8 : i32
      %scan3A_50 = arith.addi %scan3A_48, %scan3A_49 : i32
      %scan3A_51 = arith.constant 1 : i32
      %scan3A_52 = scf.for %scan3A_69 = %scan3A_48 to %scan3A_50 step %scan3A_51 iter_args(%scan3A_70 = %scan3A_47) -> (i32)  : i32 {
        %get3A = arith.constant 0 : i32
        %get3A_71 = arith.index_cast %get3A : i32 to index
        %get3A_72 = memref.load %arg12[%get3A_71] : memref<1xi32, #tpu.memory_space<smem>>
        %mul3A_73 = arith.constant 16 : i32
        %mul3A_74 = arith.muli %scan3A_69, %mul3A_73 : i32
        %add3A_75 = arith.addi %get3A_72, %mul3A_74 : i32
        %swap3A_76 = arith.index_cast %add3A_75 : i32 to index
        %swap3A_77 = tpu.vector_load %arg8[%swap3A_76] {strides = array<i32>} : memref<288xi32, #tpu.memory_space<vmem>>, vector<16xi32>,
        tpu.vector_store %arg8[%swap3A_76], %mul3A_2 {strides = array<i32>} : memref<288xi32, #tpu.memory_space<vmem>>, vector<16xi32>,
        %mul3A_78 = arith.constant 16 : i32
        %mul3A_79 = arith.muli %scan3A_69, %mul3A_78 : i32
        %add3A_80 = arith.addi %get3A_72, %mul3A_79 : i32
        %swap3A_81 = arith.index_cast %add3A_80 : i32 to index
        %swap3A_82 = tpu.vector_load %arg9[%swap3A_81] {strides = array<i32>} : memref<288xi32, #tpu.memory_space<vmem>>, vector<16xi32>,
        tpu.vector_store %arg9[%swap3A_81], %add3A_5 {strides = array<i32>} : memref<288xi32, #tpu.memory_space<vmem>>, vector<16xi32>,
        %scan3A_83 = arith.constant 0 : i32
        scf.yield %scan3A_83 : i32
      }
      %scan3A_53 = arith.constant 8 : i32
      %scan3A_54 = arith.constant 0 : i32
      %scan3A_55 = arith.constant 0 : i32
      %scan3A_56 = arith.constant 8 : i32
      %scan3A_57 = arith.addi %scan3A_55, %scan3A_56 : i32
      %scan3A_58 = arith.constant 1 : i32
      %scan3A_59 = scf.for %scan3A_69 = %scan3A_55 to %scan3A_57 step %scan3A_58 iter_args(%scan3A_70 = %scan3A_54) -> (i32)  : i32 {
        %mul3A_71 = arith.constant 16 : i32
        %mul3A_72 = arith.muli %scan3A_69, %mul3A_71 : i32
        %get3A = arith.index_cast %mul3A_72 : i32 to index
        %get3A_73 = tpu.vector_load %arg8[%get3A] {strides = array<i32>} : memref<288xi32, #tpu.memory_space<vmem>>, vector<16xi32>,
        %mul3A_74 = arith.constant 16 : i32
        %mul3A_75 = arith.muli %scan3A_69, %mul3A_74 : i32
        %swap3A_76 = arith.index_cast %mul3A_75 : i32 to index
        %swap3A_77 = tpu.vector_load %arg10[%swap3A_76] {strides = array<i32>} : memref<128xi32, #tpu.memory_space<vmem>>, vector<16xi32>,
        tpu.vector_store %arg10[%swap3A_76], %get3A_73 {strides = array<i32>} : memref<128xi32, #tpu.memory_space<vmem>>, vector<16xi32>,
        %mul3A_78 = arith.constant 16 : i32
        %mul3A_79 = arith.muli %scan3A_69, %mul3A_78 : i32
        %get3A_80 = arith.index_cast %mul3A_79 : i32 to index
        %get3A_81 = tpu.vector_load %arg9[%get3A_80] {strides = array<i32>} : memref<288xi32, #tpu.memory_space<vmem>>, vector<16xi32>,
        %mul3A_82 = arith.constant 16 : i32
        %mul3A_83 = arith.muli %scan3A_69, %mul3A_82 : i32
        %swap3A_84 = arith.constant 0 : i32
        %swap3A_85 = arith.index_cast %swap3A_84 : i32 to index
        %swap3A_86 = arith.index_cast %mul3A_83 : i32 to index
        %swap3A_87 = tpu.vector_load %arg11[%swap3A_85, %swap3A_86] {strides = array<i32>} : memref<1x128xi32, #tpu.memory_space<vmem>>, vector<16xi32>,
        tpu.vector_store %arg11[%swap3A_85, %swap3A_86], %get3A_81 {strides = array<i32>} : memref<1x128xi32, #tpu.memory_space<vmem>>, vector<16xi32>,
        %scan3A_88 = arith.constant 0 : i32
        scf.yield %scan3A_88 : i32
      }
      %scan3A_60 = arith.constant 8 : i32
      "tpu.region"() ({
        %run_scoped3A_69 = tpu.sem_alloc : memref<!tpu.dma_semaphore, #tpu.memory_space<semaphore_mem>>
        %dma_start3A = arith.constant 0 : i32
        %dma_start3A_70 = arith.constant 0 : i32
        %dma_start3A_71 = tpu.memref_slice %arg3[%dma_start3A, %dma_start3A_70] : memref<102400x128xf32, #tpu.memory_space<hbm>> -> memref<102400x128xf32, #tpu.memory_space<hbm>>
        tpu.enqueue_indirect_dma source(%dma_start3A_71 : memref<102400x128xf32, #tpu.memory_space<hbm>>) target(%arg7 : memref<128x128xf32, #tpu.memory_space<vmem>>) offsets(%arg10 : memref<128xi32, #tpu.memory_space<vmem>>) semaphore(%run_scoped3A_69 : memref<!tpu.dma_semaphore, #tpu.memory_space<semaphore_mem>>)
        %dma_wait3A = arith.constant 0 : i32
        %dma_wait3A_72 = arith.constant 0 : i32
        %dma_wait3A_73 = tpu.memref_slice %arg3[%dma_wait3A, %dma_wait3A_72] : memref<102400x128xf32, #tpu.memory_space<hbm>> -> memref<102400x128xf32, #tpu.memory_space<hbm>>
        tpu.wait_indirect_dma semaphore(%run_scoped3A_69 : memref<!tpu.dma_semaphore, #tpu.memory_space<semaphore_mem>>) src(%dma_wait3A_73 : memref<102400x128xf32, #tpu.memory_space<hbm>>) dst(%arg7 : memref<128x128xf32, #tpu.memory_space<vmem>>)
        tpu.yield
      }) : () -> ()
      %run_scoped3A = arith.constant 0 : i32
      "tpu.region"() ({
        %run_scoped3A_69 = tpu.sem_alloc : memref<!tpu.dma_semaphore, #tpu.memory_space<semaphore_mem>>
        %dma_start3A = arith.constant 0 : i32
        %dma_start3A_70 = tpu.memref_slice %arg11[%run_scoped3A, %dma_start3A] : memref<1x128xi32, #tpu.memory_space<vmem>> -> memref<1x128xi32, #tpu.memory_space<vmem>>
        %dma_start3A_71 = tpu.memref_squeeze %dma_start3A_70 : memref<1x128xi32, #tpu.memory_space<vmem>> -> memref<128xi32, #tpu.memory_space<vmem>>
        %dma_start3A_72 = arith.constant 0 : i32
        %dma_start3A_73 = arith.constant 0 : i32
        %dma_start3A_74 = tpu.memref_slice %arg13[%dma_start3A_72, %dma_start3A_73] : memref<10368x128xf32, #tpu.memory_space<vmem_shared>> -> memref<10368x128xf32, #tpu.memory_space<vmem_shared>>
        tpu.enqueue_indirect_dma source(%arg7 : memref<128x128xf32, #tpu.memory_space<vmem>>) target(%dma_start3A_74 : memref<10368x128xf32, #tpu.memory_space<vmem_shared>>) offsets(%dma_start3A_71 : memref<128xi32, #tpu.memory_space<vmem>>) semaphore(%run_scoped3A_69 : memref<!tpu.dma_semaphore, #tpu.memory_space<semaphore_mem>>) {add = true}
        %dma_wait3A = arith.constant 0 : i32
        %dma_wait3A_75 = tpu.memref_slice %arg11[%run_scoped3A, %dma_wait3A] : memref<1x128xi32, #tpu.memory_space<vmem>> -> memref<1x128xi32, #tpu.memory_space<vmem>>
        %dma_wait3A_76 = tpu.memref_squeeze %dma_wait3A_75 : memref<1x128xi32, #tpu.memory_space<vmem>> -> memref<128xi32, #tpu.memory_space<vmem>>
        %dma_wait3A_77 = arith.constant 0 : i32
        %dma_wait3A_78 = arith.constant 0 : i32
        %dma_wait3A_79 = tpu.memref_slice %arg13[%dma_wait3A_77, %dma_wait3A_78] : memref<10368x128xf32, #tpu.memory_space<vmem_shared>> -> memref<10368x128xf32, #tpu.memory_space<vmem_shared>>
        tpu.wait_indirect_dma semaphore(%run_scoped3A_69 : memref<!tpu.dma_semaphore, #tpu.memory_space<semaphore_mem>>) src(%arg7 : memref<128x128xf32, #tpu.memory_space<vmem>>) dst(%dma_wait3A_79 : memref<10368x128xf32, #tpu.memory_space<vmem_shared>>)
        tpu.yield
      }) : () -> ()
      %barrier3A_61 = arith.constant 0 : index
      tpu.barrier barrier_id(%barrier3A_61)
      %mul3A_62 = arith.constant 640 : i32
      %mul3A_63 = arith.muli %arg1, %mul3A_62 : i32
      %mul3A_64 = arith.constant 640 : i32
      %mul3A_65 = arith.muli %arg1, %mul3A_64 : i32
      %add3A_66 = arith.addi %mul3A_18, %mul3A_65 : i32
      "tpu.region"() ({
        %run_scoped3A_69 = tpu.sem_alloc : memref<!tpu.dma_semaphore, #tpu.memory_space<semaphore_mem>>
        %dma_start3A = arith.constant 0 : i32
        %dma_start3A_70 = tpu.memref_slice %arg4[%add3A_66, %dma_start3A] : memref<102400x128xf32, #tpu.memory_space<hbm>> -> memref<640x128xf32, #tpu.memory_space<hbm>>
        %dma_start3A_71 = arith.constant 0 : i32
        %dma_start3A_72 = tpu.memref_slice %arg13[%mul3A_63, %dma_start3A_71] : memref<10368x128xf32, #tpu.memory_space<vmem_shared>> -> memref<640x128xf32, #tpu.memory_space<vmem_shared>>
        tpu.enqueue_dma source(%dma_start3A_72 : memref<640x128xf32, #tpu.memory_space<vmem_shared>>) target(%dma_start3A_70 : memref<640x128xf32, #tpu.memory_space<hbm>>) target_semaphore(%run_scoped3A_69 : memref<!tpu.dma_semaphore, #tpu.memory_space<semaphore_mem>>)
        %dma_wait3A = arith.constant 0 : i32
        %dma_wait3A_73 = tpu.memref_slice %arg4[%add3A_66, %dma_wait3A] : memref<102400x128xf32, #tpu.memory_space<hbm>> -> memref<640x128xf32, #tpu.memory_space<hbm>>
        %dma_wait3A_74 = arith.constant 0 : i32
        %dma_wait3A_75 = tpu.memref_slice %arg13[%mul3A_63, %dma_wait3A_74] : memref<10368x128xf32, #tpu.memory_space<vmem_shared>> -> memref<640x128xf32, #tpu.memory_space<vmem_shared>>
        tpu.wait_dma2 semaphore(%run_scoped3A_69 : memref<!tpu.dma_semaphore, #tpu.memory_space<semaphore_mem>>) src(%dma_wait3A_75 : memref<640x128xf32, #tpu.memory_space<vmem_shared>>) dst(%dma_wait3A_73 : memref<640x128xf32, #tpu.memory_space<hbm>>)
        tpu.yield
      }) : () -> ()
      %barrier3A_67 = arith.constant 0 : index
      tpu.barrier barrier_id(%barrier3A_67)
      %scan3A_68 = arith.constant 0 : i32
      scf.yield %scan3A_68 : i32
    }
    %scan3A_11 = arith.constant 5 : i32
    return
  }
}

module attributes {stable_mosaic.version = 14 : i64} {
  func.func @body(%arg0: i32, %arg1: memref<1024x2xf32, #tpu.memory_space<vmem>>, %arg2: memref<1024x2xf32, #tpu.memory_space<vmem>>, %arg3: memref<1024x1xf32, #tpu.memory_space<vmem>>, %arg4: memref<1024x2xf32, #tpu.memory_space<vmem>>) attributes {dimension_semantics = [#tpu.dimension_semantics<arbitrary>], iteration_bounds = array<i64: 100>, scalar_prefetch = 0 : i64, scratch_operands = 0 : i64, tpu.core_type = #tpu.core_type<tc>, window_params = [{transform_indices = @transform_0, window_bounds = array<i64: 1024, 2>}, {transform_indices = @transform_1, window_bounds = array<i64: 1024, 2>}, {transform_indices = @transform_2, window_bounds = array<i64: 1024, 1>}, {transform_indices = @transform_3, window_bounds = array<i64: 1024, 2>}]} {
    %get3A = arith.constant 0 : index
    %get3A_0 = arith.constant 0 : index
    %get3A_1 = vector.load %arg1[%get3A, %get3A_0] : memref<1024x2xf32, #tpu.memory_space<vmem>>, vector<1024x1xf32>
    %get3A_2 = arith.constant 0 : index
    %get3A_3 = arith.constant 1 : index
    %get3A_4 = vector.load %arg1[%get3A_2, %get3A_3] : memref<1024x2xf32, #tpu.memory_space<vmem>>, vector<1024x1xf32>
    %add3A = arith.addf %get3A_1, %get3A_4 : vector<1024x1xf32>
    %add3A_5 = arith.constant 1.000000e+00 : f32
    %add3A_6 = vector.broadcast %add3A_5 : f32 to vector<1024x1xf32>
    %add3A_7 = arith.addf %add3A, %add3A_6 : vector<1024x1xf32>
    %rsqrt3A = math.rsqrt %add3A_7 : vector<1024x1xf32>
    %swap3A = arith.constant 0 : index
    %swap3A_8 = arith.constant 0 : index
    %swap3A_9 = vector.load %arg3[%swap3A, %swap3A_8] : memref<1024x1xf32, #tpu.memory_space<vmem>>, vector<1024x1xf32>
    tpu.vector_store %arg3[%swap3A, %swap3A_8], %rsqrt3A {strides = array<i32>} : memref<1024x1xf32, #tpu.memory_space<vmem>>, vector<1024x1xf32>,
    %get3A_10 = arith.constant 0 : index
    %get3A_11 = arith.constant 0 : index
    %get3A_12 = vector.load %arg2[%get3A_10, %get3A_11] : memref<1024x2xf32, #tpu.memory_space<vmem>>, vector<1024x2xf32>
    %mul3A = vector.broadcast %rsqrt3A : vector<1024x1xf32> to vector<1024x2xf32>
    %mul3A_13 = arith.mulf %get3A_12, %mul3A : vector<1024x2xf32>
    %swap3A_14 = arith.constant 0 : index
    %swap3A_15 = arith.constant 0 : index
    %swap3A_16 = vector.load %arg4[%swap3A_14, %swap3A_15] : memref<1024x2xf32, #tpu.memory_space<vmem>>, vector<1024x2xf32>
    tpu.vector_store %arg4[%swap3A_14, %swap3A_15], %mul3A_13 {strides = array<i32>} : memref<1024x2xf32, #tpu.memory_space<vmem>>, vector<1024x2xf32>,
    return
  }
  func.func @transform_0(%arg0: i32) -> (i32, i32) {
    %c0_i32 = arith.constant 0 : i32
    %c0_i32_0 = arith.constant 0 : i32
    return %arg0, %c0_i32 : i32, i32
  }
  func.func @transform_1(%arg0: i32) -> (i32, i32) {
    %c0_i32 = arith.constant 0 : i32
    %c0_i32_0 = arith.constant 0 : i32
    return %arg0, %c0_i32 : i32, i32
  }
  func.func @transform_2(%arg0: i32) -> (i32, i32) {
    %c0_i32 = arith.constant 0 : i32
    %c0_i32_0 = arith.constant 0 : i32
    return %arg0, %c0_i32 : i32, i32
  }
  func.func @transform_3(%arg0: i32) -> (i32, i32) {
    %c0_i32 = arith.constant 0 : i32
    %c0_i32_0 = arith.constant 0 : i32
    return %arg0, %c0_i32 : i32, i32
  }
}

module attributes {stable_mosaic.version = 14 : i64} {
  func.func @body(%arg0: i32, %arg1: memref<1024x2xf32, #tpu.memory_space<vmem>>, %arg2: memref<1024x2xf32, #tpu.memory_space<vmem>>, %arg3: memref<1024x1xf32, #tpu.memory_space<vmem>>, %arg4: memref<2x128xf32, #tpu.memory_space<vmem>>, %arg5: memref<1x128xf32, #tpu.memory_space<vmem>>, %arg6: memref<128x128xf32, #tpu.memory_space<vmem>>, %arg7: memref<1024x128xf32, #tpu.memory_space<vmem>>) attributes {dimension_semantics = [#tpu.dimension_semantics<arbitrary>], iteration_bounds = array<i64: 100>, scalar_prefetch = 0 : i64, scratch_operands = 0 : i64, tpu.core_type = #tpu.core_type<tc>, window_params = [{transform_indices = @transform_0, window_bounds = array<i64: 1024, 2>}, {transform_indices = @transform_1, window_bounds = array<i64: 1024, 2>}, {transform_indices = @transform_2, window_bounds = array<i64: 1024, 1>}, {pipeline_mode = #tpu.pipeline_mode<synchronous>, transform_indices = @transform_3, window_bounds = array<i64: 2, 128>}, {pipeline_mode = #tpu.pipeline_mode<synchronous>, transform_indices = @transform_4, window_bounds = array<i64: 1, 128>}, {pipeline_mode = #tpu.pipeline_mode<synchronous>, transform_indices = @transform_5, window_bounds = array<i64: 128, 128>}, {transform_indices = @transform_6, window_bounds = array<i64: 1024, 128>}]} {
    %get3A = arith.constant 0 : index
    %get3A_0 = arith.constant 0 : index
    %get3A_1 = vector.load %arg1[%get3A, %get3A_0] : memref<1024x2xf32, #tpu.memory_space<vmem>>, vector<1024x2xf32>
    %get3A_2 = arith.constant 0 : index
    %get3A_3 = arith.constant 0 : index
    %get3A_4 = vector.load %arg2[%get3A_2, %get3A_3] : memref<1024x2xf32, #tpu.memory_space<vmem>>, vector<1024x2xf32>
    %add3A = arith.addf %get3A_1, %get3A_4 : vector<1024x2xf32>
    %get3A_5 = arith.constant 0 : index
    %get3A_6 = arith.constant 0 : index
    %get3A_7 = vector.load %arg4[%get3A_5, %get3A_6] : memref<2x128xf32, #tpu.memory_space<vmem>>, vector<2x128xf32>
    %dot_general3A = arith.constant dense<0.000000e+00> : vector<1024x128xf32>
    %dot_general3A_8 = tpu.matmul %add3A, %get3A_7, %dot_general3A {dimension_numbers = #tpu.dot_dimension_numbers<[1], [0], [0], [1], [0, 0, 1, 1], [], []>, transpose_lhs_hint = false} : vector<1024x2xf32>, vector<2x128xf32>, vector<1024x128xf32> -> vector<1024x128xf32>
    %get3A_9 = arith.constant 0 : index
    %get3A_10 = arith.constant 0 : index
    %get3A_11 = vector.load %arg3[%get3A_9, %get3A_10] : memref<1024x1xf32, #tpu.memory_space<vmem>>, vector<1024x1xf32>
    %mul3A = vector.broadcast %get3A_11 : vector<1024x1xf32> to vector<1024x128xf32>
    %mul3A_12 = arith.mulf %dot_general3A_8, %mul3A : vector<1024x128xf32>
    %get3A_13 = arith.constant 0 : index
    %get3A_14 = arith.constant 0 : index
    %get3A_15 = vector.load %arg5[%get3A_13, %get3A_14] : memref<1x128xf32, #tpu.memory_space<vmem>>, vector<1x128xf32>
    %add3A_16 = vector.broadcast %get3A_15 : vector<1x128xf32> to vector<1024x128xf32>
    %add3A_17 = arith.addf %mul3A_12, %add3A_16 : vector<1024x128xf32>
    %max3A = arith.constant 0.000000e+00 : f32
    %max3A_18 = vector.broadcast %max3A : f32 to vector<1024x128xf32>
    %max3A_19 = arith.maximumf %add3A_17, %max3A_18 : vector<1024x128xf32>
    %get3A_20 = arith.constant 0 : index
    %get3A_21 = arith.constant 0 : index
    %get3A_22 = vector.load %arg6[%get3A_20, %get3A_21] : memref<128x128xf32, #tpu.memory_space<vmem>>, vector<128x128xf32>
    %dot_general3A_23 = arith.constant dense<0.000000e+00> : vector<1024x128xf32>
    %dot_general3A_24 = tpu.matmul %max3A_19, %get3A_22, %dot_general3A_23 {dimension_numbers = #tpu.dot_dimension_numbers<[1], [0], [0], [1], [0, 0, 1, 1], [], []>, transpose_lhs_hint = false} : vector<1024x128xf32>, vector<128x128xf32>, vector<1024x128xf32> -> vector<1024x128xf32>
    %get3A_25 = arith.constant 0 : index
    %get3A_26 = arith.constant 0 : index
    %get3A_27 = vector.load %arg3[%get3A_25, %get3A_26] : memref<1024x1xf32, #tpu.memory_space<vmem>>, vector<1024x1xf32>
    %mul3A_28 = vector.broadcast %get3A_27 : vector<1024x1xf32> to vector<1024x128xf32>
    %mul3A_29 = arith.mulf %dot_general3A_24, %mul3A_28 : vector<1024x128xf32>
    %swap3A = arith.constant 0 : index
    %swap3A_30 = arith.constant 0 : index
    %swap3A_31 = vector.load %arg7[%swap3A, %swap3A_30] : memref<1024x128xf32, #tpu.memory_space<vmem>>, vector<1024x128xf32>
    tpu.vector_store %arg7[%swap3A, %swap3A_30], %mul3A_29 {strides = array<i32>} : memref<1024x128xf32, #tpu.memory_space<vmem>>, vector<1024x128xf32>,
    return
  }
  func.func @transform_0(%arg0: i32) -> (i32, i32) {
    %c0_i32 = arith.constant 0 : i32
    %c0_i32_0 = arith.constant 0 : i32
    return %arg0, %c0_i32 : i32, i32
  }
  func.func @transform_1(%arg0: i32) -> (i32, i32) {
    %c0_i32 = arith.constant 0 : i32
    %c0_i32_0 = arith.constant 0 : i32
    return %arg0, %c0_i32 : i32, i32
  }
  func.func @transform_2(%arg0: i32) -> (i32, i32) {
    %c0_i32 = arith.constant 0 : i32
    %c0_i32_0 = arith.constant 0 : i32
    return %arg0, %c0_i32 : i32, i32
  }
  func.func @transform_3(%arg0: i32) -> (i32, i32) {
    %c0_i32 = arith.constant 0 : i32
    %c0_i32_0 = arith.constant 0 : i32
    %c0_i32_1 = arith.constant 0 : i32
    return %c0_i32, %c0_i32_0 : i32, i32
  }
  func.func @transform_4(%arg0: i32) -> (i32, i32) {
    %c0_i32 = arith.constant 0 : i32
    %c0_i32_0 = arith.constant 0 : i32
    %c0_i32_1 = arith.constant 0 : i32
    return %c0_i32, %c0_i32_0 : i32, i32
  }
  func.func @transform_5(%arg0: i32) -> (i32, i32) {
    %c0_i32 = arith.constant 0 : i32
    %c0_i32_0 = arith.constant 0 : i32
    %c0_i32_1 = arith.constant 0 : i32
    return %c0_i32, %c0_i32_0 : i32, i32
  }
  func.func @transform_6(%arg0: i32) -> (i32, i32) {
    %c0_i32 = arith.constant 0 : i32
    %c0_i32_0 = arith.constant 0 : i32
    return %arg0, %c0_i32 : i32, i32
  }
}

module attributes {stable_mosaic.version = 14 : i64} {
  func.func @body(%arg0: i32, %arg1: memref<1024x128xf32, #tpu.memory_space<vmem>>, %arg2: memref<1024x128xf32, #tpu.memory_space<vmem>>, %arg3: memref<1024x1xf32, #tpu.memory_space<vmem>>, %arg4: memref<1024x1xi32, #tpu.memory_space<vmem>>, %arg5: memref<1x128xf32, #tpu.memory_space<vmem>>, %arg6: memref<128x1xf32, #tpu.memory_space<vmem>>, %arg7: memref<1x1xf32, #tpu.memory_space<vmem>>, %arg8: memref<1x128xf32, #tpu.memory_space<vmem>>, %arg9: memref<1x128xf32, #tpu.memory_space<vmem>>, %arg10: memref<1x128xf32, #tpu.memory_space<vmem>>) attributes {dimension_semantics = [#tpu.dimension_semantics<arbitrary>], iteration_bounds = array<i64: 100>, scalar_prefetch = 0 : i64, scratch_operands = 2 : i64, tpu.core_type = #tpu.core_type<tc>, window_params = [{transform_indices = @transform_0, window_bounds = array<i64: 1024, 128>}, {transform_indices = @transform_1, window_bounds = array<i64: 1024, 128>}, {transform_indices = @transform_2, window_bounds = array<i64: 1024, 1>}, {transform_indices = @transform_3, window_bounds = array<i64: 1024, 1>}, {pipeline_mode = #tpu.pipeline_mode<synchronous>, transform_indices = @transform_4, window_bounds = array<i64: 1, 128>}, {pipeline_mode = #tpu.pipeline_mode<synchronous>, transform_indices = @transform_5, window_bounds = array<i64: 128, 1>}, {pipeline_mode = #tpu.pipeline_mode<synchronous>, transform_indices = @transform_6, window_bounds = array<i64: 1, 1>}, {pipeline_mode = #tpu.pipeline_mode<synchronous>, transform_indices = @transform_7, window_bounds = array<i64: 1, 128>}]} {
    %eq3A = arith.constant 0 : i32
    %eq3A_0 = arith.cmpi eq, %arg0, %eq3A : i32
    %convert_element_type3A = arith.extui %eq3A_0 : i1 to i32
    %cond3A = arith.constant 0 : i32
    %cond3A_1 = arith.cmpi ne, %convert_element_type3A, %cond3A : i32
    scf.if %cond3A_1 {
      %broadcast_in_dim3A_63 = arith.constant 0.000000e+00 : f32
      %broadcast_in_dim3A_64 = vector.broadcast %broadcast_in_dim3A_63 : f32 to vector<1x128xf32>
      %swap3A_65 = arith.constant 0 : index
      %swap3A_66 = arith.constant 0 : index
      %swap3A_67 = vector.load %arg9[%swap3A_65, %swap3A_66] : memref<1x128xf32, #tpu.memory_space<vmem>>, vector<1x128xf32>
      tpu.vector_store %arg9[%swap3A_65, %swap3A_66], %broadcast_in_dim3A_64 {strides = array<i32>} : memref<1x128xf32, #tpu.memory_space<vmem>>, vector<1x128xf32>,
      %broadcast_in_dim3A_68 = arith.constant 0.000000e+00 : f32
      %broadcast_in_dim3A_69 = vector.broadcast %broadcast_in_dim3A_68 : f32 to vector<1x128xf32>
      %swap3A_70 = arith.constant 0 : index
      %swap3A_71 = arith.constant 0 : index
      %swap3A_72 = vector.load %arg10[%swap3A_70, %swap3A_71] : memref<1x128xf32, #tpu.memory_space<vmem>>, vector<1x128xf32>
      tpu.vector_store %arg10[%swap3A_70, %swap3A_71], %broadcast_in_dim3A_69 {strides = array<i32>} : memref<1x128xf32, #tpu.memory_space<vmem>>, vector<1x128xf32>,
    } else {
    }
    %get3A = arith.constant 0 : index
    %get3A_2 = arith.constant 0 : index
    %get3A_3 = vector.load %arg1[%get3A, %get3A_2] : memref<1024x128xf32, #tpu.memory_space<vmem>>, vector<1024x128xf32>
    %get3A_4 = arith.constant 0 : index
    %get3A_5 = arith.constant 0 : index
    %get3A_6 = vector.load %arg2[%get3A_4, %get3A_5] : memref<1024x128xf32, #tpu.memory_space<vmem>>, vector<1024x128xf32>
    %add3A = arith.addf %get3A_3, %get3A_6 : vector<1024x128xf32>
    %get3A_7 = arith.constant 0 : index
    %get3A_8 = arith.constant 0 : index
    %get3A_9 = vector.load %arg3[%get3A_7, %get3A_8] : memref<1024x1xf32, #tpu.memory_space<vmem>>, vector<1024x1xf32>
    %mul3A = vector.broadcast %get3A_9 : vector<1024x1xf32> to vector<1024x128xf32>
    %mul3A_10 = arith.mulf %add3A, %mul3A : vector<1024x128xf32>
    %get3A_11 = arith.constant 0 : index
    %get3A_12 = arith.constant 0 : index
    %get3A_13 = vector.load %arg5[%get3A_11, %get3A_12] : memref<1x128xf32, #tpu.memory_space<vmem>>, vector<1x128xf32>
    %add3A_14 = vector.broadcast %get3A_13 : vector<1x128xf32> to vector<1024x128xf32>
    %add3A_15 = arith.addf %mul3A_10, %add3A_14 : vector<1024x128xf32>
    %max3A = arith.constant 0.000000e+00 : f32
    %max3A_16 = vector.broadcast %max3A : f32 to vector<1024x128xf32>
    %max3A_17 = arith.maximumf %add3A_15, %max3A_16 : vector<1024x128xf32>
    %get3A_18 = arith.constant 0 : index
    %get3A_19 = arith.constant 0 : index
    %get3A_20 = vector.load %arg6[%get3A_18, %get3A_19] : memref<128x1xf32, #tpu.memory_space<vmem>>, vector<128x1xf32>
    %dot_general3A = arith.constant dense<0.000000e+00> : vector<1024x1xf32>
    %dot_general3A_21 = tpu.matmul %max3A_17, %get3A_20, %dot_general3A {dimension_numbers = #tpu.dot_dimension_numbers<[1], [0], [0], [1], [0, 0, 1, 1], [], []>, transpose_lhs_hint = false} : vector<1024x128xf32>, vector<128x1xf32>, vector<1024x1xf32> -> vector<1024x1xf32>
    %mul3A_22 = arith.constant 1024 : i32
    %mul3A_23 = arith.muli %arg0, %mul3A_22 : i32
    %iota3A = tpu.iota {dimensions = array<i32: 0>} : vector<1024x1xi32>
    %add3A_24 = vector.broadcast %mul3A_23 : i32 to vector<1024x1xi32>
    %add3A_25 = arith.addi %add3A_24, %iota3A : vector<1024x1xi32>
    %lt3A = arith.constant 100000 : i32
    %lt3A_26 = vector.broadcast %lt3A : i32 to vector<1024x1xi32>
    %lt3A_27 = arith.cmpi slt, %add3A_25, %lt3A_26 : vector<1024x1xi32>
    %get3A_28 = arith.constant 0 : index
    %get3A_29 = arith.constant 0 : index
    %get3A_30 = vector.load %arg4[%get3A_28, %get3A_29] : memref<1024x1xi32, #tpu.memory_space<vmem>>, vector<1024x1xi32>
    %iota3A_31 = tpu.iota {dimensions = array<i32: 1>} : vector<1x128xi32>
    %eq3A_32 = vector.broadcast %get3A_30 : vector<1024x1xi32> to vector<1024x128xi32>
    %eq3A_33 = vector.broadcast %iota3A_31 : vector<1x128xi32> to vector<1024x128xi32>
    %eq3A_34 = arith.cmpi eq, %eq3A_32, %eq3A_33 : vector<1024x128xi32>
    %and3A = vector.broadcast %lt3A_27 : vector<1024x1xi1> to vector<1024x128xi1>
    %and3A_35 = arith.andi %eq3A_34, %and3A : vector<1024x128xi1>
    %jit3A = arith.constant 1.000000e+00 : f32
    %jit3A_36 = arith.constant 0.000000e+00 : f32
    %broadcast_in_dim3A = vector.broadcast %jit3A : f32 to vector<1024x128xf32>
    %broadcast_in_dim3A_37 = vector.broadcast %jit3A_36 : f32 to vector<1024x128xf32>
    %select_n3A = arith.select %and3A_35, %broadcast_in_dim3A, %broadcast_in_dim3A_37 : vector<1024x128xi1>, vector<1024x128xf32>
    %jit3A_38 = arith.constant 0.000000e+00 : f32
    %broadcast_in_dim3A_39 = vector.broadcast %jit3A_38 : f32 to vector<1024x1xf32>
    %select_n3A_40 = arith.select %lt3A_27, %dot_general3A_21, %broadcast_in_dim3A_39 : vector<1024x1xi1>, vector<1024x1xf32>
    %get3A_41 = arith.constant 0 : index
    %get3A_42 = arith.constant 0 : index
    %get3A_43 = vector.load %arg9[%get3A_41, %get3A_42] : memref<1x128xf32, #tpu.memory_space<vmem>>, vector<1x128xf32>
    %dot_general3A_44 = arith.constant dense<0.000000e+00> : vector<1x128xf32>
    %dot_general3A_45 = tpu.matmul %select_n3A_40, %select_n3A, %dot_general3A_44 {dimension_numbers = #tpu.dot_dimension_numbers<[0], [0], [1], [1], [0, 1, 1, 1], [], []>, transpose_lhs_hint = false} : vector<1024x1xf32>, vector<1024x128xf32>, vector<1x128xf32> -> vector<1x128xf32>
    %add3A_46 = arith.addf %get3A_43, %dot_general3A_45 : vector<1x128xf32>
    %swap3A = arith.constant 0 : index
    %swap3A_47 = arith.constant 0 : index
    %swap3A_48 = vector.load %arg9[%swap3A, %swap3A_47] : memref<1x128xf32, #tpu.memory_space<vmem>>, vector<1x128xf32>
    tpu.vector_store %arg9[%swap3A, %swap3A_47], %add3A_46 {strides = array<i32>} : memref<1x128xf32, #tpu.memory_space<vmem>>, vector<1x128xf32>,
    %get3A_49 = arith.constant 0 : index
    %get3A_50 = arith.constant 0 : index
    %get3A_51 = vector.load %arg10[%get3A_49, %get3A_50] : memref<1x128xf32, #tpu.memory_space<vmem>>, vector<1x128xf32>
    %reduce_sum3A = arith.constant dense<0.000000e+00> : vector<128xf32>
    %reduce_sum3A_52 = vector.multi_reduction <add>, %select_n3A, %reduce_sum3A [0] : vector<1024x128xf32> to vector<128xf32>
    %broadcast_in_dim3A_53 = vector.shape_cast %reduce_sum3A_52 : vector<128xf32> to vector<1x128xf32>
    %add3A_54 = arith.addf %get3A_51, %broadcast_in_dim3A_53 : vector<1x128xf32>
    %swap3A_55 = arith.constant 0 : index
    %swap3A_56 = arith.constant 0 : index
    %swap3A_57 = vector.load %arg10[%swap3A_55, %swap3A_56] : memref<1x128xf32, #tpu.memory_space<vmem>>, vector<1x128xf32>
    tpu.vector_store %arg10[%swap3A_55, %swap3A_56], %add3A_54 {strides = array<i32>} : memref<1x128xf32, #tpu.memory_space<vmem>>, vector<1x128xf32>,
    %eq3A_58 = arith.constant 99 : i32
    %eq3A_59 = arith.cmpi eq, %arg0, %eq3A_58 : i32
    %convert_element_type3A_60 = arith.extui %eq3A_59 : i1 to i32
    %cond3A_61 = arith.constant 0 : i32
    %cond3A_62 = arith.cmpi ne, %convert_element_type3A_60, %cond3A_61 : i32
    scf.if %cond3A_62 {
      %get3A_63 = arith.constant 0 : index
      %get3A_64 = arith.constant 0 : index
      %get3A_65 = vector.load %arg9[%get3A_63, %get3A_64] : memref<1x128xf32, #tpu.memory_space<vmem>>, vector<1x128xf32>
      %get3A_66 = arith.constant 0 : index
      %get3A_67 = arith.constant 0 : index
      %get3A_68 = vector.load %arg10[%get3A_66, %get3A_67] : memref<1x128xf32, #tpu.memory_space<vmem>>, vector<1x128xf32>
      %max3A_69 = arith.constant 1.000000e+00 : f32
      %max3A_70 = vector.broadcast %max3A_69 : f32 to vector<1x128xf32>
      %max3A_71 = arith.maximumf %get3A_68, %max3A_70 : vector<1x128xf32>
      %div3A = arith.divf %get3A_65, %max3A_71 : vector<1x128xf32>
      %get3A_72 = arith.constant 0 : index
      %get3A_73 = arith.constant 0 : index
      %get3A_74 = vector.load %arg7[%get3A_72, %get3A_73] : memref<1x1xf32, #tpu.memory_space<vmem>>, vector<1x1xf32>
      %add3A_75 = vector.broadcast %get3A_74 : vector<1x1xf32> to vector<1x128xf32>
      %add3A_76 = arith.addf %div3A, %add3A_75 : vector<1x128xf32>
      %swap3A_77 = arith.constant 0 : index
      %swap3A_78 = arith.constant 0 : index
      %swap3A_79 = vector.load %arg8[%swap3A_77, %swap3A_78] : memref<1x128xf32, #tpu.memory_space<vmem>>, vector<1x128xf32>
      tpu.vector_store %arg8[%swap3A_77, %swap3A_78], %add3A_76 {strides = array<i32>} : memref<1x128xf32, #tpu.memory_space<vmem>>, vector<1x128xf32>,
    } else {
    }
    return
  }
  func.func @transform_0(%arg0: i32) -> (i32, i32) {
    %c0_i32 = arith.constant 0 : i32
    %c0_i32_0 = arith.constant 0 : i32
    return %arg0, %c0_i32 : i32, i32
  }
  func.func @transform_1(%arg0: i32) -> (i32, i32) {
    %c0_i32 = arith.constant 0 : i32
    %c0_i32_0 = arith.constant 0 : i32
    return %arg0, %c0_i32 : i32, i32
  }
  func.func @transform_2(%arg0: i32) -> (i32, i32) {
    %c0_i32 = arith.constant 0 : i32
    %c0_i32_0 = arith.constant 0 : i32
    return %arg0, %c0_i32 : i32, i32
  }
  func.func @transform_3(%arg0: i32) -> (i32, i32) {
    %c0_i32 = arith.constant 0 : i32
    %c0_i32_0 = arith.constant 0 : i32
    return %arg0, %c0_i32 : i32, i32
  }
  func.func @transform_4(%arg0: i32) -> (i32, i32) {
    %c0_i32 = arith.constant 0 : i32
    %c0_i32_0 = arith.constant 0 : i32
    %c0_i32_1 = arith.constant 0 : i32
    return %c0_i32, %c0_i32_0 : i32, i32
  }
  func.func @transform_5(%arg0: i32) -> (i32, i32) {
    %c0_i32 = arith.constant 0 : i32
    %c0_i32_0 = arith.constant 0 : i32
    %c0_i32_1 = arith.constant 0 : i32
    return %c0_i32, %c0_i32_0 : i32, i32
  }
  func.func @transform_6(%arg0: i32) -> (i32, i32) {
    %c0_i32 = arith.constant 0 : i32
    %c0_i32_0 = arith.constant 0 : i32
    %c0_i32_1 = arith.constant 0 : i32
    return %c0_i32, %c0_i32_0 : i32, i32
  }
  func.func @transform_7(%arg0: i32) -> (i32, i32) {
    %c0_i32 = arith.constant 0 : i32
    %c0_i32_0 = arith.constant 0 : i32
    %c0_i32_1 = arith.constant 0 : i32
    return %c0_i32, %c0_i32_0 : i32, i32
  }
}

</mosaic_0001>

<sc_bundles>
// kernel: kernel.11.cloned.1.call-start
scs
__scs_entry_jumppad:
0x0: {  	(pc) =	sbr.rel $0x88, $3  }
0x1: {  	(tag) =	ssettag $0x0;
	lr =	simm.s32 $0x1  }
0x2: {  	[smem:$0x3F98] =	sst lr;
	_ =	strace $0xD0000000  }
0x3: {  	_ = 	snop  }
0x4: {  	_ = 	snop  }
0x5: {  	_ = 	snop  }
0x6: {  	_ = 	snop  }
0x7: {  	_ = 	snop  }
__scs_overlays_trampoline_lowered:
0x8: {  	[smem:$0x3FA7] =	sst s0  }
0x9: {  	[smem:$0x3FA8] =	sst s1  }
0xa: {  	[smem:$0x3FA9] =	sst s2  }
0xb: {  	[smem:$0x3FAA] =	sst s3  }
0xc: {  	[smem:$0x3FAB] =	sst s4  }
0xd: {  	[smem:$0x3FAC] =	sst s5  }
0xe: {  	[smem:$0x3FAD] =	sst s6  }
0xf: {  	[smem:$0x3FAE] =	sst s7  }
0x10: {  	[smem:$0x3FAF] =	sst s8  }
0x11: {  	[smem:$0x3FB0] =	sst s9;
	s0 =	simm.s32 @!p0 $0x0  }
0x12: {  	s1 =	sld [smem:$0x3F96];
	s0 =	simm.s32 @p0 $0x1  }
0x13: {  	[smem:$0x3FB1] =	sst s0;
	s0 =	simm.s32 @!p1 $0x0  }
0x14: {  	s2 =	sld [smem:$0x3F95];
	s0 =	simm.s32 @p1 $0x1  }
0x15: {  	[smem:$0x3FB2] =	sst s0;
	s0 =	simm.s32 @!p2 $0x0  }
0x16: {  	s3 =	sld [smem:$0x3FDB];
	s0 =	simm.s32 @p2 $0x1  }
0x17: {  	s4 =	simm.s32 $0x1BF5;
	[smem:$0x3FB4] =	sst s0  }
0x18: {  	s0 =	sld [smem:$0x3F97];
	_ =	swait.ge [sflag:s4], $0x0  }
0x19: {  	s7 =	sld [smem:$0x3F98]  }
0x1a: {  	s8 =	sadd.s32 $0xFFFFE003, lr  }
0x1b: {  	s9 =	sadd.s32 $0xFFFFFEF7, lr;
	s5 =	simm.s32 $0xFFFFFFFF;
	p2 =	slt.u32 s8, $0xFFFFF086  }
0x1c: {  	p1 =	slt.u32 s9, $0xF7A;
	s5 =	simm.s32 @!p2 $0x0  }
0x1d: {  	s5 =	simm.s32 @p1 $0x1;
	p0 =	seq.s32 s7, s2  }
0x1e: {  	s7 =	smul.u32 @!p0 $0xF7A, s2;
	p2 =	seq.s32 @!p0 s5, $0x0  }
0x1f: {  	s9 =	smul.u32 $0xF7A, s1;
	s8 =	simm.s32 @!p0 $0x1BF5;
	p2 =	por !p2, p0  }
0x20: {  	[sflag:s8] =	ssyncset.s32 @!p0 $0xFFFFF086;
	s6 =	sadd.s32 @!p0 s3, s7;
	s7 =	simm.s32 @!p0 $0x108  }
0x21: {  	s3 =	sadd.s32 s3, s9;
	s6 =	sadd.s32 @!p0 $0x88, s6;
	s7 =	simm.s32 @p2 $0x1082  }
0x22: {  	[simem:s7], [sflag:s8] =	dma.local @!p0 [hbm:s6], $0xF7A  }
0x23: {  	s9 =	sor.u32 $0xD0000000, s2;
	s6 =	simm.s32 $0x108;
	_ =	swait.ge @!p0 [sflag:s8], $0x0  }
0x24: {  	s3 =	sadd.s32 $0x88, s3;
	s6 =	simm.s32 @!p1 $0x1082;
	[sflag:s4] =	ssyncset.s32 $0xFFFFF086  }
0x25: {  	[simem:s6], [sflag:s4] =	dma.local [hbm:s3], $0xF7A  }
0x26: {  	[smem:$0x3F98] =	sst s1;
	(tag) =	ssettag s2;
	_ =	strace s9  }
0x27: {  	s1 =	sld [smem:$0x3FA8]  }
0x28: {  	s2 =	sld [smem:$0x3FA9]  }
0x29: {  	s4 =	sld [smem:$0x3FAB]  }
0x2a: {  	p0 =	seq.s32 s5, $0x0;
	s5 =	sld [smem:$0x3FAC]  }
0x2b: {  	s6 =	sld [smem:$0x3FAD]  }
0x2c: {  	s7 =	sld [smem:$0x3FAE]  }
0x2d: {  	s3 =	simm.s32 $0x108;
	s8 =	sld [smem:$0x3FAF]  }
0x2e: {  	s3 =	simm.s32 @!p0 $0x1082;
	s9 =	sld [smem:$0x3FB0]  }
0x2f: {  	lr =	sadd.s32 s0, s3;
	s0 =	sld [smem:$0x3FA7]  }
0x30: {  	s3 =	sld [smem:$0x3FAA]  }
0x31: {  	[smem:$0x3FB3] =	sst s10  }
0x32: {  	s10 =	sld [smem:$0x3FB1];
	_ =	sdelay $0x3  }
0x33: {  	p0 =	seq.s32 s10, $0x1;
	s10 =	sld [smem:$0x3FB3];
	_ =	sdelay $0x3  }
0x34: {  	[smem:$0x3FB3] =	sst s10  }
0x35: {  	s10 =	sld [smem:$0x3FB2];
	_ =	sdelay $0x3  }
0x36: {  	p1 =	seq.s32 s10, $0x1;
	s10 =	sld [smem:$0x3FB3];
	_ =	sdelay $0x3  }
0x37: {  	[smem:$0x3FB3] =	sst s10  }
0x38: {  	s10 =	sld [smem:$0x3FB4]  }
0x39: {  	_ = 	snop;
	(pc) =	sbr.ind lr, $3  }
0x3a: {  	_ = 	snop  }
0x3b: {  	_ = 	snop  }
0x3c: {  	p2 =	seq.s32 s10, $0x1;
	s10 =	sld [smem:$0x3FB3]  }
0x3d: {  	_ =	shalt  }
0x3e: {  	_ =	shalt  }
0x3f: {  	_ =	shalt  }
0x40: {  	_ =	shalt  }
0x41: {  	_ =	shalt  }
0x42: {  	_ =	shalt  }
0x43: {  	_ =	shalt  }
0x44: {  	_ =	shalt  }
0x45: {  	_ =	shalt  }
0x46: {  	_ =	shalt  }
0x47: {  	_ =	shalt  }
0x48: {  	_ =	shalt  }
0x49: {  	_ =	shalt  }
0x4a: {  	_ =	shalt  }
0x4b: {  	_ =	shalt  }
0x4c: {  	_ =	shalt  }
0x4d: {  	_ =	shalt  }
0x4e: {  	_ =	shalt  }
0x4f: {  	_ =	shalt  }
0x50: {  	_ =	shalt  }
0x51: {  	_ =	shalt  }
0x52: {  	_ =	shalt  }
0x53: {  	_ =	shalt  }
0x54: {  	_ =	shalt  }
0x55: {  	_ =	shalt  }
0x56: {  	_ =	shalt  }
0x57: {  	_ =	shalt  }
0x58: {  	_ =	shalt  }
0x59: {  	_ =	shalt  }
0x5a: {  	_ =	shalt  }
0x5b: {  	_ =	shalt  }
0x5c: {  	_ =	shalt  }
0x5d: {  	_ =	shalt  }
0x5e: {  	_ =	shalt  }
0x5f: {  	_ =	shalt  }
0x60: {  	_ =	shalt  }
0x61: {  	_ =	shalt  }
0x62: {  	_ =	shalt  }
0x63: {  	_ =	shalt  }
0x64: {  	_ =	shalt  }
0x65: {  	_ =	shalt  }
0x66: {  	_ =	shalt  }
0x67: {  	_ =	shalt  }
0x68: {  	_ =	shalt  }
0x69: {  	_ =	shalt  }
0x6a: {  	_ =	shalt  }
0x6b: {  	_ =	shalt  }
0x6c: {  	_ =	shalt  }
0x6d: {  	_ =	shalt  }
0x6e: {  	_ =	shalt  }
0x6f: {  	_ =	shalt  }
0x70: {  	_ =	shalt  }
0x71: {  	_ =	shalt  }
0x72: {  	_ =	shalt  }
0x73: {  	_ =	shalt  }
0x74: {  	_ =	shalt  }
0x75: {  	_ =	shalt  }
0x76: {  	_ =	shalt  }
0x77: {  	_ =	shalt  }
0x78: {  	_ =	shalt  }
0x79: {  	_ =	shalt  }
0x7a: {  	_ =	shalt  }
0x7b: {  	_ =	shalt  }
0x7c: {  	_ =	shalt  }
0x7d: {  	_ =	shalt  }
0x7e: {  	_ =	shalt  }
0x7f: {  	_ =	shalt  }
0x80: {  	_ =	shalt  }
0x81: {  	_ =	shalt  }
0x82: {  	_ =	shalt  }
0x83: {  	_ =	shalt  }
0x84: {  	_ =	shalt  }
0x85: {  	_ =	shalt  }
0x86: {  	_ =	shalt  }
0x87: {  	_ =	shalt  }
.Lfunc_end0:
.L_simem_size_0:
called_computation.1_lowered:
.L_overlay_start_0:
0x88: {  	s2 =	sld [smem:$0x3FD9]  }
0x89: {  	s3 =	sld [smem:$0x3FFE];
	_ =	sdelay $0x1  }
0x8a: {  	s1 =	srdreg.scid  }
0x8b: {  	s0 =	sand.u32 $0x1, s1  }
0x8c: {  	s16 =	sshll.u32 s0, $0xA;
	s2 =	sadd.s32 s3, s2  }
0x8d: {  	s2 =	sadd.s32 s2, s16  }
0x8e: {  	[smem:$0x3FBF] =	sst s2  }
0x8f: {  	_ = 	snop  }
0x90: {  	(tm) =	ssettm $0x1  }
0x91: {  	s17 =	sld [smem:$0x3FFB];
	_ =	sdelay $0x3  }
0x92: {  	_ =	strace s17  }
0x93: {  	s2 =	sld [smem:$0x3FFC];
	_ =	sdelay $0x3  }
0x94: {  	_ =	strace s2  }
0x95: {  	s2 =	sld [smem:$0x3FFD];
	_ =	sdelay $0x3  }
0x96: {  	_ =	strace s2  }
0x97: {  	_ =	strace $0x8FFFFFFF  }
0x98: {  	s18 =	sld [smem:$0x3FDB];
	_ =	sdelay $0x1  }
0x99: {  	s19 =	simm.s32 $_scs_section_size  }
0x9a: {  	s4 =	simm.s32 $_size__tile_overlayer_lowered;
	s5 =	simm.s32 $_tile_overlayer_lowered  }
0x9b: {  	s22 =	simm.s32 $0x1BFF;
	s21 =	sshll.u32 s5, $0x1;
	s2 =	sadd.s32 s19, s18  }
0x9c: {  	s6 =	simm.s32 $0x0;
	s20 =	sshll.u32 s4, $0x1;
	s4 =	sadd.s32 s21, s2  }
0x9d: {  	[timem:s6], [sflag:s22] =	dma.local [hbm:s4], s20  }
0x9e: {  	_ =	swait.ge [sflag:s22], s20  }
0x9f: {  	s3 =	ssub.s32 $0x0, s20;
	[sflag:s22] =	ssyncset.done $0x0  }
0xa0: {  	[sflag:s22] =	ssyncadd.s32 s3;
	_ =	sdelay $0x1  }
0xa1: {  	s23 =	simm.s32 $0x1B8B  }
0xa2: {  	_ =	swait.ge [sflag:s23], $0x1  }
0xa3: {  	[sflag:s23] =	ssyncset.done $0x0  }
0xa4: {  	s25 =	simm.s32 $0x1B8E;
	s24 =	sld [smem:$0x3FFE];
	[sflag:s23] =	ssyncadd.s32 $0xFFFFFFFF  }
0xa5: {  	s26 =	simm.s32 $execute0_lowered;
	[smem:$0x3FD2] =	sst s25  }
0xa6: {  	s4 =	sshll.u32 s26, $0x1;
	_ =	strace $0x80000049;
	[dreg:$0x1] =	wrdreg $0xFFFFFFFF  }
0xa7: {  	s28 =	simm.s32 $_size_execute0_lowered;
	s2 =	sadd.s32 s2, s4;
	[dreg:$0x0] =	wrdreg $0x0  }
0xa8: {  	s4 =	sshll.u32 s28, $0x1;
	[dreg:$0x2] =	wrdreg s2  }
0xa9: {  	[dreg:$0x3] =	wrdreg s4  }
0xaa: {  	[dreg:$0x4] =	wrdreg $0xC0  }
0xab: {  	_ =	task [dreg:s6], $0x5FFFF  }
0xac: {  	[dreg:$0x1] =	wrdreg $0xFFFFFFFF  }
0xad: {  	[dreg:$0x0] =	wrdreg $0x60  }
0xae: {  	[dreg:$0x2] =	wrdreg s24  }
0xaf: {  	[dreg:$0x3] =	wrdreg $0x3D000  }
0xb0: {  	[dreg:$0x4] =	wrdreg $0x56000  }
0xb1: {  	[dreg:$0x5] =	wrdreg $0x9  }
0xb2: {  	_ =	task.clear_ibuf [dreg:s6], $0x6FFFF;
	_ =	strace $0x90000049  }
0xb3: {  	s29 =	simm.s32 $0x9;
	_ =	strace $0x8000004B  }
0xb4: {  	_ =	swait.ge [sflag:s29], $0x1  }
0xb5: {  	[sflag:s29] =	ssyncadd.s32 $0xFFFFFFFF  }
0xb6: {  	_ =	strace $0x9000004B  }
0xb7: {  	_ =	sfence  }
0xb8: {  	s30 =	sld [smem:$0x0];
	_ =	sdelay $0x2  }
0xb9: {  	s31 =	sshll.u32 s1, $0xD;
	s1 =	sshrl.u32 s1, $0x2  }
0xba: {  	s3 =	sand.u32 $0x4000, s31;
	s1 =	sadd.s32 s1, s30  }
0xbb: {  	s0 =	sor.u32 s3, s0;
	s1 =	sshll.u32 s1, $0x11  }
0xbc: {  	s0 =	sor.u32 s1, s0  }
0xbd: {  	s0 =	sadd.s32 $0x8F2B, s0  }
0xbe: {  	[sflag:s0] =	ssyncadd.remote.s32 $0x1  }
0xbf: {  	_ =	sfence.sel $0xFFFF  }
0xc0: {  	[dreg:$0x0] =	wrdreg $0xFFFFFFFF;
	(pc) =	sbr.abs _section_cstart, $3  }
0xc1: {  	[dreg:$0x1] =	wrdreg $0xFFFFFFFF  }
0xc2: {  	_ =	task.clear_ibuf [dreg:s6], $0x2FFFF;
	_ =	strace $0x9FFFFFFF  }
0xc3: {  	(tm) =	ssettm $0x7FFFFFFF  }
tec
execute0_lowered:
.L_overlay_start_1:
0x0: {  	(tag) =	ssettag $0x1  }
0x1: {  	s0 =	rddreg [dreg:$0x0]  }
0x2: {  	s2 =	rddreg [dreg:$0x1]  }
0x3: {  	s3 =	rddreg [dreg:$0x2]  }
0x4: {  	s1 =	srdreg.scid;
	s13 =	stileid.u32  }
0x5: {  	s4 =	simm.s32 $0x0;
	s28 =	simm.s32 $0x3800;
	s29 =	simm.s32 $0x1  }
0x6: {  	s30 =	simm.s32 $0x1C00;
	s31 =	simm.s32 $0x80;
	s1 =	sand.u32 $0x1, s1  }
0x7: {  	s8 =	smul.u32 $0x1900, s13;
	[smem:$0x7FF] =	sst s4;
	s5 =	sadd.s32 $0x63800, s0  }
0x8: {  	s6 =	sadd.s32 $0xC8A00, s0;
	s7 =	smul.u32 $0x32000, s1;
	s10 =	ssub.s32 $0x2, s1  }
0x9: {  	_ =	strace $0x8000004A;
	s1 =	sshll.u32 s1, $0x4;
	s11 =	sshrl.u32 s10, $0x1  }
0xa: {  	s16 =	sadd.s32 $0x1800, s8;
	s1 =	sor.u32 s13, s1;
	s13 =	sadd.s32 s8, s2  }
0xb: {  	s15 =	sadd.s32 s8, s3;
	s20 =	sadd.s32 $0x400, s8;
	s23 =	sadd.s32 $0x800, s8  }
0xc: {  	s24 =	sadd.s32 $0xC00, s8;
	s25 =	sadd.s32 $0x1000, s8;
	s26 =	sadd.s32 $0x1400, s8  }
0xd: {  	s9 =	sadd.s32 s8, s7;
	s7 =	sadd.s32 $0xC5800, s0;
	s12 =	ssub.s32 s10, s11  }
0xe: {  	s17 =	sadd.s32 s16, s2;
	s10 =	sadd.s32 s16, s3;
	s11 =	sadd.s32 $0x94800, s0  }
0xf: {  	s22 =	sadd.s32 s20, s2;
	s9 =	sshrl.u32 s9, $0x3;
	[dreg:$0x4] =	wrdreg s17  }
0x10: {  	[dreg:$0x5] =	wrdreg s10;
	s10 =	smul.u32 $0x188, s1;
	s21 =	smax.u32 s12, $0x1  }
0x11: {  	[dreg:$0x9] =	wrdreg s22;
	s22 =	sadd.s32 s24, s3;
	s9 =	sadd.s32 s9, s0  }
0x12: {  	s1 =	simm.s32 $0x3C80;
	[dreg:$0x8] =	wrdreg s21;
	s18 =	sadd.s32 $0xCBC00, s9  }
0x13: {  	s21 =	sadd.s32 s24, s2;
	s19 =	sadd.s32 $0xCEE00, s9;
	[dreg:$0x6] =	wrdreg s18  }
0x14: {  	s24 =	sadd.s32 s25, s3;
	s0 =	simm.s32 $0x3C00;
	[dreg:$0x7] =	wrdreg s19  }
0x15: {  	s18 =	sadd.s32 s20, s3;
	s19 =	sadd.s32 s23, s2;
	s20 =	sadd.s32 s23, s3  }
0x16: {  	v0 =	vimm.f32 $0.0e+00;
	s23 =	sadd.s32 s25, s2;
	s25 =	sadd.s32 s26, s2;
	s26 =	sadd.s32 s26, s3  }
.LBB2_1:
0x17: {  	s8 =	simm.s32 $0x40;
	s9 =	simm.s32 $0x0  }
.LBB2_2:
0x18: {  	p0 =	sne.s32 s8, $0xFC0;
	[tilespmem:s9+$0x3800] =	vst v0;
	s9 =	smov.u32 s8;
	s8 =	sadd.s32 $0x40, s8  }
.Ltmp0:
0x19: {  	(pc) =	sbr.rel @p0 .LBB2_2-.Ltmp0, $2  }
0x1a: {  	_ =	sdelay $0x2  }
0x1b: {  	s9 =	sshra.s32 s9, $0x2  }
0x1c: {  	[tilespmem:s9+$0x3800] =	vst v0  }
0x1d: {  	[spmem:s13] =	stream.linear.scatter [tilespmem:s28], [sflag:$0x1], $0x400, $0x38;
	[tilespmem:$0x6F00] =	vst v63  }
0x1e: {  	_ =	swait.ge [sflag:s29], $0x400  }
0x1f: {  	[sflag:s29] =	ssyncset.done $0x0  }
0x20: {  	[sflag:s29] =	ssyncadd.s32 $0xFFFFFC00  }
0x21: {  	[spmem:s15] =	stream.linear.scatter [tilespmem:s28], [sflag:$0x1], $0x400, $0x38;
	[tilespmem:$0x6F00] =	vst v63  }
0x22: {  	_ =	swait.ge [sflag:s29], $0x400  }
0x23: {  	[sflag:s29] =	ssyncset.done $0x0  }
0x24: {  	s8 =	rddreg [dreg:$0x9];
	[sflag:s29] =	ssyncadd.s32 $0xFFFFFC00  }
0x25: {  	[spmem:s8] =	stream.linear.scatter [tilespmem:s28], [sflag:$0x1], $0x400, $0x38;
	[tilespmem:$0x6F00] =	vst v63  }
0x26: {  	_ =	swait.ge [sflag:s29], $0x400  }
0x27: {  	[sflag:s29] =	ssyncset.done $0x0  }
0x28: {  	[sflag:s29] =	ssyncadd.s32 $0xFFFFFC00  }
0x29: {  	[spmem:s18] =	stream.linear.scatter [tilespmem:s28], [sflag:$0x1], $0x400, $0x38;
	[tilespmem:$0x6F00] =	vst v63  }
0x2a: {  	_ =	swait.ge [sflag:s29], $0x400  }
0x2b: {  	[sflag:s29] =	ssyncset.done $0x0  }
0x2c: {  	[sflag:s29] =	ssyncadd.s32 $0xFFFFFC00  }
0x2d: {  	[spmem:s19] =	stream.linear.scatter [tilespmem:s28], [sflag:$0x1], $0x400, $0x38;
	[tilespmem:$0x6F00] =	vst v63  }
0x2e: {  	_ =	swait.ge [sflag:s29], $0x400  }
0x2f: {  	[sflag:s29] =	ssyncset.done $0x0  }
0x30: {  	[sflag:s29] =	ssyncadd.s32 $0xFFFFFC00  }
0x31: {  	[spmem:s20] =	stream.linear.scatter [tilespmem:s28], [sflag:$0x1], $0x400, $0x38;
	[tilespmem:$0x6F00] =	vst v63  }
0x32: {  	_ =	swait.ge [sflag:s29], $0x400  }
0x33: {  	[sflag:s29] =	ssyncset.done $0x0  }
0x34: {  	[sflag:s29] =	ssyncadd.s32 $0xFFFFFC00  }
0x35: {  	[spmem:s21] =	stream.linear.scatter [tilespmem:s28], [sflag:$0x1], $0x400, $0x38;
	[tilespmem:$0x6F00] =	vst v63  }
0x36: {  	_ =	swait.ge [sflag:s29], $0x400  }
0x37: {  	[sflag:s29] =	ssyncset.done $0x0  }
0x38: {  	[sflag:s29] =	ssyncadd.s32 $0xFFFFFC00  }
0x39: {  	[spmem:s22] =	stream.linear.scatter [tilespmem:s28], [sflag:$0x1], $0x400, $0x38;
	[tilespmem:$0x6F00] =	vst v63  }
0x3a: {  	_ =	swait.ge [sflag:s29], $0x400  }
0x3b: {  	[sflag:s29] =	ssyncset.done $0x0  }
0x3c: {  	[sflag:s29] =	ssyncadd.s32 $0xFFFFFC00  }
0x3d: {  	[spmem:s23] =	stream.linear.scatter [tilespmem:s28], [sflag:$0x1], $0x400, $0x38;
	[tilespmem:$0x6F00] =	vst v63  }
0x3e: {  	_ =	swait.ge [sflag:s29], $0x400  }
0x3f: {  	[sflag:s29] =	ssyncset.done $0x0  }
0x40: {  	[sflag:s29] =	ssyncadd.s32 $0xFFFFFC00  }
0x41: {  	[spmem:s24] =	stream.linear.scatter [tilespmem:s28], [sflag:$0x1], $0x400, $0x38;
	[tilespmem:$0x6F00] =	vst v63  }
0x42: {  	_ =	swait.ge [sflag:s29], $0x400  }
0x43: {  	[sflag:s29] =	ssyncset.done $0x0  }
0x44: {  	[sflag:s29] =	ssyncadd.s32 $0xFFFFFC00  }
0x45: {  	[spmem:s25] =	stream.linear.scatter [tilespmem:s28], [sflag:$0x1], $0x400, $0x38;
	[tilespmem:$0x6F00] =	vst v63  }
0x46: {  	_ =	swait.ge [sflag:s29], $0x400  }
0x47: {  	[sflag:s29] =	ssyncset.done $0x0  }
0x48: {  	[sflag:s29] =	ssyncadd.s32 $0xFFFFFC00  }
0x49: {  	[spmem:s26] =	stream.linear.scatter [tilespmem:s28], [sflag:$0x1], $0x400, $0x38;
	[tilespmem:$0x6F00] =	vst v63  }
0x4a: {  	_ =	swait.ge [sflag:s29], $0x400  }
0x4b: {  	[sflag:s29] =	ssyncset.done $0x0  }
0x4c: {  	s16 =	rddreg [dreg:$0x4];
	[sflag:s29] =	ssyncadd.s32 $0xFFFFFC00  }
0x4d: {  	[spmem:s16] =	stream.linear.scatter [tilespmem:s28], [sflag:$0x1], $0x100, $0x38;
	[tilespmem:$0x6F00] =	vst v63  }
0x4e: {  	_ =	swait.ge [sflag:s29], $0x100  }
0x4f: {  	[sflag:s29] =	ssyncset.done $0x0  }
0x50: {  	s17 =	rddreg [dreg:$0x5];
	[sflag:s29] =	ssyncadd.s32 $0xFFFFFF00  }
0x51: {  	[spmem:s17] =	stream.linear.scatter [tilespmem:s28], [sflag:$0x1], $0x100, $0x38;
	[tilespmem:$0x6F00] =	vst v63  }
0x52: {  	_ =	swait.ge [sflag:s29], $0x100  }
0x53: {  	[sflag:s29] =	ssyncset.done $0x0  }
0x54: {  	[sflag:s29] =	ssyncadd.s32 $0xFFFFFF00  }
0x55: {  	s9 =	simm.s32 $0x0;
	s8 =	simm.s32 $0x0;
	[bflag:$0x0] =	sbarrier.arrive $0xFFFF  }
.LBB2_4:
0x56: {  	s12 =	smul.u32 $0x38, s9;
	_ =	sdelay $0x1  }
0x57: {  	s12 =	sadd.s32 s10, s12  }
0x58: {  	s12 =	sshll.u32 s12, $0x4  }
0x59: {  	s14 =	sadd.s32 s5, s12  }
0x5a: {  	[tilespmem:s8], [sflag:$0x1] =	stream.linear.gather [hbm4b:s14+s8], $0x1C00, $0x38;
	[tilespmem:$0x6F00] =	vst v63  }
0x5b: {  	_ =	swait.ge [sflag:s29], $0x1C00  }
0x5c: {  	[sflag:s29] =	ssyncset.done $0x0  }
0x5d: {  	s12 =	sadd.s32 s12, s11;
	[sflag:s29] =	ssyncadd.s32 $0xFFFFE400  }
0x5e: {  	[tilespmem:s30], [sflag:$0x1] =	stream.linear.gather [hbm4b:s12+s8], $0x1C00, $0x38;
	[tilespmem:$0x6F00] =	vst v63  }
0x5f: {  	_ =	swait.ge [sflag:s29], $0x1C00  }
0x60: {  	[sflag:s29] =	ssyncset.done $0x0  }
0x61: {  	s16 =	simm.s32 $0x0;
	[sflag:s29] =	ssyncadd.s32 $0xFFFFE400  }
0x62: {  	[tilespmem:s0], [sflag:$0x1] =	stream.indirect.gather [hbm4b:s6+s31], $0x1, s16, s31, $0xb8;
	[tilespmem:$0x6F00] =	vst v63  }
0x63: {  	_ =	swait.ge [sflag:s29], $0x80  }
0x64: {  	[sflag:s29] =	ssyncset.done $0x0  }
0x65: {  	[sflag:s29] =	ssyncadd.s32 $0xFFFFFF80  }
0x66: {  	[tilespmem:s1], [sflag:$0x1] =	stream.indirect.gather [hbm4b:s7+s31], $0x1, s16, s31, $0xb8;
	[tilespmem:$0x6F00] =	vst v63  }
0x67: {  	_ =	swait.ge [sflag:s29], $0x80  }
0x68: {  	[sflag:s29] =	ssyncset.done $0x0  }
0x69: {  	s17 =	simm.s32 $0x1C00;
	[sflag:s29] =	ssyncadd.s32 $0xFFFFFF80  }
0x6a: {  	[spmem:s2] =	stream.indirect.scatter.add.f32 [tilespmem:s0], [sflag:$0x1], $0x1, s17, s31, $0xb8;
	[tilespmem:$0x6F00] =	vst v63  }
0x6b: {  	_ =	swait.ge [sflag:s29], $0x80  }
0x6c: {  	[sflag:s29] =	ssyncset.done $0x0  }
0x6d: {  	[sflag:s29] =	ssyncadd.s32 $0xFFFFFF80  }
0x6e: {  	[spmem:s3] =	stream.indirect.scatter.add.f32 [tilespmem:s1], [sflag:$0x1], $0x1, s17, s31, $0xb8;
	[tilespmem:$0x6F00] =	vst v63  }
0x6f: {  	_ =	swait.ge [sflag:s29], $0x80  }
0x70: {  	s14 =	simm.s32 $0x400;
	s12 =	simm.s32 $0x200;
	[sflag:s29] =	ssyncset.done $0x0  }
.LBB2_5:
0x71: {  	s16 =	sshra.s32 s12, $0x2  }
0x72: {  	[sflag:s29] =	ssyncadd.s32 $0xFFFFFF80;
	s12 =	smov.u32 s14;
	s17 =	sadd.s32 $0x200, s14  }
0x73: {  	[tilespmem:s0], [sflag:$0x1] =	stream.indirect.gather [hbm4b:s6+s31], $0x1, s16, s31, $0xb8;
	[tilespmem:$0x6F00] =	vst v63  }
0x74: {  	p0 =	sne.s32 s14, $0x6E00;
	_ =	swait.ge [sflag:s29], $0x80  }
0x75: {  	[sflag:s29] =	ssyncset.done $0x0  }
0x76: {  	[sflag:s29] =	ssyncadd.s32 $0xFFFFFF80  }
0x77: {  	[tilespmem:s1], [sflag:$0x1] =	stream.indirect.gather [hbm4b:s7+s31], $0x1, s16, s31, $0xb8;
	[tilespmem:$0x6F00] =	vst v63  }
0x78: {  	_ =	swait.ge [sflag:s29], $0x80  }
0x79: {  	[sflag:s29] =	ssyncset.done $0x0  }
0x7a: {  	s14 =	sadd.s32 $0x1C00, s16;
	[sflag:s29] =	ssyncadd.s32 $0xFFFFFF80  }
0x7b: {  	[spmem:s2] =	stream.indirect.scatter.add.f32 [tilespmem:s0], [sflag:$0x1], $0x1, s14, s31, $0xb8;
	[tilespmem:$0x6F00] =	vst v63  }
0x7c: {  	_ =	swait.ge [sflag:s29], $0x80  }
.Ltmp1:
0x7d: {  	[sflag:s29] =	ssyncset.done $0x0;
	(pc) =	sbr.rel @p0 .LBB2_5-.Ltmp1, $4  }
0x7e: {  	[sflag:s29] =	ssyncadd.s32 $0xFFFFFF80  }
0x7f: {  	[spmem:s3] =	stream.indirect.scatter.add.f32 [tilespmem:s1], [sflag:$0x1], $0x1, s14, s31, $0xb8;
	[tilespmem:$0x6F00] =	vst v63  }
0x80: {  	_ =	swait.ge [sflag:s29], $0x80  }
0x81: {  	s14 =	smov.u32 s17;
	[sflag:s29] =	ssyncset.done $0x0  }
0x82: {  	s12 =	sshra.s32 s12, $0x2;
	[sflag:s29] =	ssyncadd.s32 $0xFFFFFF80  }
0x83: {  	[tilespmem:s0], [sflag:$0x1] =	stream.indirect.gather [hbm4b:s6+s31], $0x1, s12, s31, $0xb8;
	[tilespmem:$0x6F00] =	vst v63  }
0x84: {  	_ =	swait.ge [sflag:s29], $0x80  }
0x85: {  	[sflag:s29] =	ssyncset.done $0x0  }
0x86: {  	[sflag:s29] =	ssyncadd.s32 $0xFFFFFF80  }
0x87: {  	[tilespmem:s1], [sflag:$0x1] =	stream.indirect.gather [hbm4b:s7+s31], $0x1, s12, s31, $0xb8;
	[tilespmem:$0x6F00] =	vst v63  }
0x88: {  	_ =	swait.ge [sflag:s29], $0x80  }
0x89: {  	[sflag:s29] =	ssyncset.done $0x0  }
0x8a: {  	s12 =	sadd.s32 $0x1C00, s12;
	[sflag:s29] =	ssyncadd.s32 $0xFFFFFF80  }
0x8b: {  	[spmem:s2] =	stream.indirect.scatter.add.f32 [tilespmem:s0], [sflag:$0x1], $0x1, s12, s31, $0xb8;
	[tilespmem:$0x6F00] =	vst v63  }
0x8c: {  	s9 =	sadd.s32 $0x1, s9;
	_ =	swait.ge [sflag:s29], $0x80  }
0x8d: {  	p0 =	sne.s32 s9, $0x7;
	[sflag:s29] =	ssyncset.done $0x0  }
.Ltmp2:
0x8e: {  	[sflag:s29] =	ssyncadd.s32 $0xFFFFFF80;
	(pc) =	sbr.rel @p0 .LBB2_4-.Ltmp2, $4  }
0x8f: {  	[spmem:s3] =	stream.indirect.scatter.add.f32 [tilespmem:s1], [sflag:$0x1], $0x1, s12, s31, $0xb8;
	[tilespmem:$0x6F00] =	vst v63  }
0x90: {  	_ =	swait.ge [sflag:s29], $0x80  }
0x91: {  	[sflag:s29] =	ssyncset.done $0x0  }
0x92: {  	[sflag:s29] =	ssyncadd.s32 $0xFFFFFF80  }
0x93: {  	s8 =	stileid.u32  }
0x94: {  	[bflag:$0x0] =	sbarrier.arrive $0xFFFF;
	s8 =	sshll.u32 s8, $0x6  }
0x95: {  	s9 =	sshrl.u32 s13, $0x3;
	s12 =	rddreg [dreg:$0x6];
	s8 =	sor.u32 $0x1C01, s8  }
0x96: {  	[hbm:s12], [sflag:s8] =	dma.local [spmem:s9], $0x320  }
0x97: {  	_ =	swait.ge [sflag:s29], $0x320  }
0x98: {  	[sflag:s29] =	ssyncset.done $0x0  }
0x99: {  	s14 =	sshrl.u32 s15, $0x3;
	s16 =	rddreg [dreg:$0x7];
	[sflag:s29] =	ssyncadd.s32 $0xFFFFFCE0  }
0x9a: {  	[hbm:s16], [sflag:s8] =	dma.local [spmem:s14], $0x320  }
0x9b: {  	_ =	swait.ge [sflag:s29], $0x320  }
0x9c: {  	s4 =	sadd.s32 $0x1, s4;
	s17 =	rddreg [dreg:$0x8]  }
0x9d: {  	p0 =	sne.s32 s4, s17  }
.Ltmp3:
0x9e: {  	_ = 	snop;
	(pc) =	sbr.rel @p0 .LBB2_1-.Ltmp3, $3  }
0x9f: {  	_ =	sdelay $0x1  }
0xa0: {  	[sflag:s29] =	ssyncset.done $0x0  }
0xa1: {  	[sflag:s29] =	ssyncadd.s32 $0xFFFFFCE0  }
0xa2: {  	_ =	sfence.sel $0x180000  }
0xa3: {  	[bflag:$0x0] =	sbarrier.arrive $0xFFFF  }
0xa4: {  	_ =	strace $0x9000004A  }
0xa5: {  	s0 =	stileid.u32;
	[bflag:$0x2] =	sbarrier.arrive $0xFFFF  }
0xa6: {  	p0 =	sne.s32 s0, $0x0;
	s0 =	rddreg [dreg:$0x3]  }
0xa7: {  	s0 =	sadd.s32 @!p0 $0x100000, s0  }
0xa8: {  	[sflag:s0] =	ssyncadd.tile.s32 @!p0 $0x1;
	_ =	shalt  }
.Lfunc_end2:
_tile_overlayer_lowered:
.L_overlay_start_2:
0xa9: {  	(tag) =	ssettag $0x2  }
0xaa: {  	s0 =	rddreg [dreg:$0x0];
	s2 =	stileid.u32  }
0xab: {  	s1 =	rddreg [dreg:$0x1];
	p0 =	sne.s32 s2, $0x0  }
0xac: {  	s3 =	rddreg [dreg:$0x2];
	[bflag:$0x3] =	sbarrier.arrive $0xFFFF;
	s2 =	simm.s32 @!p0 $0x1C01  }
0xad: {  	[timem:s3], [sflag:s2] =	dma.local @!p0 [hbm:s0], s1  }
0xae: {  	s0 =	simm.s32 @!p0 $0x1  }
0xaf: {  	_ =	swait.ge @!p0 [sflag:s0], s1  }
0xb0: {  	s1 =	ssub.s32 @!p0 $0x0, s1;
	[sflag:s0] =	ssyncset.done @!p0 $0x0  }
0xb1: {  	[sflag:s0] =	ssyncadd.s32 @!p0 s1  }
0xb2: {  	[bflag:$0x3] =	sbarrier.arrive $0xFFFF  }
0xb3: {  	_ =	shalt  }

// kernel: kernel.14.cloned.1.call-start
scs
__scs_entry_jumppad:
0x0: {  	(pc) =	sbr.rel $0x88, $3  }
0x1: {  	(tag) =	ssettag $0x0;
	lr =	simm.s32 $0x1  }
0x2: {  	[smem:$0x3F98] =	sst lr;
	_ =	strace $0xD0000000  }
0x3: {  	_ = 	snop  }
0x4: {  	_ = 	snop  }
0x5: {  	_ = 	snop  }
0x6: {  	_ = 	snop  }
0x7: {  	_ = 	snop  }
__scs_overlays_trampoline_lowered:
0x8: {  	[smem:$0x3FA7] =	sst s0  }
0x9: {  	[smem:$0x3FA8] =	sst s1  }
0xa: {  	[smem:$0x3FA9] =	sst s2  }
0xb: {  	[smem:$0x3FAA] =	sst s3  }
0xc: {  	[smem:$0x3FAB] =	sst s4  }
0xd: {  	[smem:$0x3FAC] =	sst s5  }
0xe: {  	[smem:$0x3FAD] =	sst s6  }
0xf: {  	[smem:$0x3FAE] =	sst s7  }
0x10: {  	[smem:$0x3FAF] =	sst s8  }
0x11: {  	[smem:$0x3FB0] =	sst s9;
	s0 =	simm.s32 @!p0 $0x0  }
0x12: {  	s1 =	sld [smem:$0x3F96];
	s0 =	simm.s32 @p0 $0x1  }
0x13: {  	[smem:$0x3FB1] =	sst s0;
	s0 =	simm.s32 @!p1 $0x0  }
0x14: {  	s2 =	sld [smem:$0x3F95];
	s0 =	simm.s32 @p1 $0x1  }
0x15: {  	[smem:$0x3FB2] =	sst s0;
	s0 =	simm.s32 @!p2 $0x0  }
0x16: {  	s3 =	sld [smem:$0x3FDB];
	s0 =	simm.s32 @p2 $0x1  }
0x17: {  	s4 =	simm.s32 $0x1BF5;
	[smem:$0x3FB4] =	sst s0  }
0x18: {  	s0 =	sld [smem:$0x3F97];
	_ =	swait.ge [sflag:s4], $0x0  }
0x19: {  	s7 =	sld [smem:$0x3F98]  }
0x1a: {  	s8 =	sadd.s32 $0xFFFFE003, lr  }
0x1b: {  	s9 =	sadd.s32 $0xFFFFFEF7, lr;
	s5 =	simm.s32 $0xFFFFFFFF;
	p2 =	slt.u32 s8, $0xFFFFF086  }
0x1c: {  	p1 =	slt.u32 s9, $0xF7A;
	s5 =	simm.s32 @!p2 $0x0  }
0x1d: {  	s5 =	simm.s32 @p1 $0x1;
	p0 =	seq.s32 s7, s2  }
0x1e: {  	s7 =	smul.u32 @!p0 $0xF7A, s2;
	p2 =	seq.s32 @!p0 s5, $0x0  }
0x1f: {  	s9 =	smul.u32 $0xF7A, s1;
	s8 =	simm.s32 @!p0 $0x1BF5;
	p2 =	por !p2, p0  }
0x20: {  	[sflag:s8] =	ssyncset.s32 @!p0 $0xFFFFF086;
	s6 =	sadd.s32 @!p0 s3, s7;
	s7 =	simm.s32 @!p0 $0x108  }
0x21: {  	s3 =	sadd.s32 s3, s9;
	s6 =	sadd.s32 @!p0 $0x88, s6;
	s7 =	simm.s32 @p2 $0x1082  }
0x22: {  	[simem:s7], [sflag:s8] =	dma.local @!p0 [hbm:s6], $0xF7A  }
0x23: {  	s9 =	sor.u32 $0xD0000000, s2;
	s6 =	simm.s32 $0x108;
	_ =	swait.ge @!p0 [sflag:s8], $0x0  }
0x24: {  	s3 =	sadd.s32 $0x88, s3;
	s6 =	simm.s32 @!p1 $0x1082;
	[sflag:s4] =	ssyncset.s32 $0xFFFFF086  }
0x25: {  	[simem:s6], [sflag:s4] =	dma.local [hbm:s3], $0xF7A  }
0x26: {  	[smem:$0x3F98] =	sst s1;
	(tag) =	ssettag s2;
	_ =	strace s9  }
0x27: {  	s1 =	sld [smem:$0x3FA8]  }
0x28: {  	s2 =	sld [smem:$0x3FA9]  }
0x29: {  	s4 =	sld [smem:$0x3FAB]  }
0x2a: {  	p0 =	seq.s32 s5, $0x0;
	s5 =	sld [smem:$0x3FAC]  }
0x2b: {  	s6 =	sld [smem:$0x3FAD]  }
0x2c: {  	s7 =	sld [smem:$0x3FAE]  }
0x2d: {  	s3 =	simm.s32 $0x108;
	s8 =	sld [smem:$0x3FAF]  }
0x2e: {  	s3 =	simm.s32 @!p0 $0x1082;
	s9 =	sld [smem:$0x3FB0]  }
0x2f: {  	lr =	sadd.s32 s0, s3;
	s0 =	sld [smem:$0x3FA7]  }
0x30: {  	s3 =	sld [smem:$0x3FAA]  }
0x31: {  	[smem:$0x3FB3] =	sst s10  }
0x32: {  	s10 =	sld [smem:$0x3FB1];
	_ =	sdelay $0x3  }
0x33: {  	p0 =	seq.s32 s10, $0x1;
	s10 =	sld [smem:$0x3FB3];
	_ =	sdelay $0x3  }
0x34: {  	[smem:$0x3FB3] =	sst s10  }
0x35: {  	s10 =	sld [smem:$0x3FB2];
	_ =	sdelay $0x3  }
0x36: {  	p1 =	seq.s32 s10, $0x1;
	s10 =	sld [smem:$0x3FB3];
	_ =	sdelay $0x3  }
0x37: {  	[smem:$0x3FB3] =	sst s10  }
0x38: {  	s10 =	sld [smem:$0x3FB4]  }
0x39: {  	_ = 	snop;
	(pc) =	sbr.ind lr, $3  }
0x3a: {  	_ = 	snop  }
0x3b: {  	_ = 	snop  }
0x3c: {  	p2 =	seq.s32 s10, $0x1;
	s10 =	sld [smem:$0x3FB3]  }
0x3d: {  	_ =	shalt  }
0x3e: {  	_ =	shalt  }
0x3f: {  	_ =	shalt  }
0x40: {  	_ =	shalt  }
0x41: {  	_ =	shalt  }
0x42: {  	_ =	shalt  }
0x43: {  	_ =	shalt  }
0x44: {  	_ =	shalt  }
0x45: {  	_ =	shalt  }
0x46: {  	_ =	shalt  }
0x47: {  	_ =	shalt  }
0x48: {  	_ =	shalt  }
0x49: {  	_ =	shalt  }
0x4a: {  	_ =	shalt  }
0x4b: {  	_ =	shalt  }
0x4c: {  	_ =	shalt  }
0x4d: {  	_ =	shalt  }
0x4e: {  	_ =	shalt  }
0x4f: {  	_ =	shalt  }
0x50: {  	_ =	shalt  }
0x51: {  	_ =	shalt  }
0x52: {  	_ =	shalt  }
0x53: {  	_ =	shalt  }
0x54: {  	_ =	shalt  }
0x55: {  	_ =	shalt  }
0x56: {  	_ =	shalt  }
0x57: {  	_ =	shalt  }
0x58: {  	_ =	shalt  }
0x59: {  	_ =	shalt  }
0x5a: {  	_ =	shalt  }
0x5b: {  	_ =	shalt  }
0x5c: {  	_ =	shalt  }
0x5d: {  	_ =	shalt  }
0x5e: {  	_ =	shalt  }
0x5f: {  	_ =	shalt  }
0x60: {  	_ =	shalt  }
0x61: {  	_ =	shalt  }
0x62: {  	_ =	shalt  }
0x63: {  	_ =	shalt  }
0x64: {  	_ =	shalt  }
0x65: {  	_ =	shalt  }
0x66: {  	_ =	shalt  }
0x67: {  	_ =	shalt  }
0x68: {  	_ =	shalt  }
0x69: {  	_ =	shalt  }
0x6a: {  	_ =	shalt  }
0x6b: {  	_ =	shalt  }
0x6c: {  	_ =	shalt  }
0x6d: {  	_ =	shalt  }
0x6e: {  	_ =	shalt  }
0x6f: {  	_ =	shalt  }
0x70: {  	_ =	shalt  }
0x71: {  	_ =	shalt  }
0x72: {  	_ =	shalt  }
0x73: {  	_ =	shalt  }
0x74: {  	_ =	shalt  }
0x75: {  	_ =	shalt  }
0x76: {  	_ =	shalt  }
0x77: {  	_ =	shalt  }
0x78: {  	_ =	shalt  }
0x79: {  	_ =	shalt  }
0x7a: {  	_ =	shalt  }
0x7b: {  	_ =	shalt  }
0x7c: {  	_ =	shalt  }
0x7d: {  	_ =	shalt  }
0x7e: {  	_ =	shalt  }
0x7f: {  	_ =	shalt  }
0x80: {  	_ =	shalt  }
0x81: {  	_ =	shalt  }
0x82: {  	_ =	shalt  }
0x83: {  	_ =	shalt  }
0x84: {  	_ =	shalt  }
0x85: {  	_ =	shalt  }
0x86: {  	_ =	shalt  }
0x87: {  	_ =	shalt  }
.Lfunc_end0:
.L_simem_size_0:
called_computation.2_lowered:
.L_overlay_start_0:
0x88: {  	s2 =	sld [smem:$0x3FD9]  }
0x89: {  	s3 =	sld [smem:$0x3FFE];
	_ =	sdelay $0x1  }
0x8a: {  	s1 =	srdreg.scid  }
0x8b: {  	s0 =	sand.u32 $0x1, s1  }
0x8c: {  	s16 =	sshll.u32 s0, $0xA;
	s2 =	sadd.s32 s3, s2  }
0x8d: {  	s2 =	sadd.s32 s2, s16  }
0x8e: {  	[smem:$0x3FBF] =	sst s2  }
0x8f: {  	_ = 	snop  }
0x90: {  	(tm) =	ssettm $0x1  }
0x91: {  	s17 =	sld [smem:$0x3FFB];
	_ =	sdelay $0x3  }
0x92: {  	_ =	strace s17  }
0x93: {  	s2 =	sld [smem:$0x3FFC];
	_ =	sdelay $0x3  }
0x94: {  	_ =	strace s2  }
0x95: {  	s2 =	sld [smem:$0x3FFD];
	_ =	sdelay $0x3  }
0x96: {  	_ =	strace s2  }
0x97: {  	_ =	strace $0x8FFFFFFF  }
0x98: {  	s18 =	sld [smem:$0x3FDB];
	_ =	sdelay $0x1  }
0x99: {  	s19 =	simm.s32 $_scs_section_size  }
0x9a: {  	s4 =	simm.s32 $_size__tile_overlayer_lowered;
	s5 =	simm.s32 $_tile_overlayer_lowered  }
0x9b: {  	s22 =	simm.s32 $0x1BFF;
	s21 =	sshll.u32 s5, $0x1;
	s2 =	sadd.s32 s19, s18  }
0x9c: {  	s6 =	simm.s32 $0x0;
	s20 =	sshll.u32 s4, $0x1;
	s4 =	sadd.s32 s21, s2  }
0x9d: {  	[timem:s6], [sflag:s22] =	dma.local [hbm:s4], s20  }
0x9e: {  	_ =	swait.ge [sflag:s22], s20  }
0x9f: {  	s3 =	ssub.s32 $0x0, s20;
	[sflag:s22] =	ssyncset.done $0x0  }
0xa0: {  	[sflag:s22] =	ssyncadd.s32 s3;
	_ =	sdelay $0x1  }
0xa1: {  	s23 =	simm.s32 $0x1B8B  }
0xa2: {  	_ =	swait.ge [sflag:s23], $0x1  }
0xa3: {  	[sflag:s23] =	ssyncset.done $0x0  }
0xa4: {  	s25 =	simm.s32 $0x1B8E;
	s24 =	sld [smem:$0x3FFE];
	[sflag:s23] =	ssyncadd.s32 $0xFFFFFFFF  }
0xa5: {  	s26 =	simm.s32 $execute0_lowered;
	[smem:$0x3FD2] =	sst s25  }
0xa6: {  	s4 =	sshll.u32 s26, $0x1;
	_ =	strace $0x8000004C;
	[dreg:$0x1] =	wrdreg $0xFFFFFFFF  }
0xa7: {  	s28 =	simm.s32 $_size_execute0_lowered;
	s2 =	sadd.s32 s2, s4;
	[dreg:$0x0] =	wrdreg $0x0  }
0xa8: {  	s4 =	sshll.u32 s28, $0x1;
	[dreg:$0x2] =	wrdreg s2  }
0xa9: {  	[dreg:$0x3] =	wrdreg s4  }
0xaa: {  	[dreg:$0x4] =	wrdreg $0xC0  }
0xab: {  	_ =	task [dreg:s6], $0x5FFFF  }
0xac: {  	[dreg:$0x1] =	wrdreg $0xFFFFFFFF  }
0xad: {  	[dreg:$0x0] =	wrdreg $0x60  }
0xae: {  	[dreg:$0x2] =	wrdreg s24  }
0xaf: {  	[dreg:$0x3] =	wrdreg $0x7C000  }
0xb0: {  	[dreg:$0x4] =	wrdreg $0x9  }
0xb1: {  	_ =	task.clear_ibuf [dreg:s6], $0x5FFFF;
	_ =	strace $0x9000004C  }
0xb2: {  	s29 =	simm.s32 $0x9;
	_ =	strace $0x8000004E  }
0xb3: {  	_ =	swait.ge [sflag:s29], $0x1  }
0xb4: {  	[sflag:s29] =	ssyncadd.s32 $0xFFFFFFFF  }
0xb5: {  	_ =	strace $0x9000004E  }
0xb6: {  	_ =	sfence  }
0xb7: {  	s30 =	sld [smem:$0x0];
	_ =	sdelay $0x2  }
0xb8: {  	s31 =	sshll.u32 s1, $0xD;
	s1 =	sshrl.u32 s1, $0x2  }
0xb9: {  	s3 =	sand.u32 $0x4000, s31;
	s1 =	sadd.s32 s1, s30  }
0xba: {  	s0 =	sor.u32 s3, s0;
	s1 =	sshll.u32 s1, $0x11  }
0xbb: {  	s0 =	sor.u32 s1, s0  }
0xbc: {  	s0 =	sadd.s32 $0x8F2B, s0  }
0xbd: {  	[sflag:s0] =	ssyncadd.remote.s32 $0x1  }
0xbe: {  	_ =	sfence.sel $0xFFFF  }
0xbf: {  	[dreg:$0x0] =	wrdreg $0xFFFFFFFF;
	(pc) =	sbr.abs _section_cstart, $3  }
0xc0: {  	[dreg:$0x1] =	wrdreg $0xFFFFFFFF  }
0xc1: {  	_ =	task.clear_ibuf [dreg:s6], $0x2FFFF;
	_ =	strace $0x9FFFFFFF  }
0xc2: {  	(tm) =	ssettm $0x7FFFFFFF  }
0xc3: {  	_ =	shalt  }
tec
execute0_lowered:
.L_overlay_start_1:
0x0: {  	(tag) =	ssettag $0x1  }
0x1: {  	s0 =	rddreg [dreg:$0x0]  }
0x2: {  	s1 =	rddreg [dreg:$0x1];
	s9 =	simm.s32 $0x0;
	s2 =	srdreg.scid  }
0x3: {  	s6 =	stileid.u32;
	s18 =	simm.s32 $0x3800;
	s19 =	simm.s32 $0x1  }
0x4: {  	s20 =	simm.s32 $0x80;
	s21 =	simm.s32 $0x100;
	s22 =	simm.s32 $0x1C00  }
0x5: {  	s23 =	simm.s32 $0x7800;
	s28 =	simm.s32 $0x7B80;
	s3 =	smul.u32 $0x51000, s6  }
0x6: {  	s31 =	simm.s32 $0x0;
	[smem:$0x7FF] =	sst s9;
	s11 =	smul.u32 $0x50000, s6  }
0x7: {  	s4 =	sadd.s32 $0x1800, s0;
	s2 =	sand.u32 $0x1, s2;
	s10 =	smul.u32 $0x310, s6  }
0x8: {  	s5 =	sadd.s32 $0x1F3800, s0;
	s7 =	sadd.s32 $0x63800, s0;
	s12 =	smul.u32 $0x280, s6  }
0x9: {  	_ =	strace $0x8000004D;
	[dreg:$0x4] =	wrdreg s7;
	s24 =	ssub.s32 $0x2, s2  }
0xa: {  	s2 =	smul.u32 $0x5, s2;
	s8 =	sshrl.u32 s24, $0x1;
	s3 =	sshrl.u32 s3, $0x2  }
0xb: {  	s26 =	sshrl.u32 s11, $0x2;
	s11 =	sadd.s32 $0x1810, s0;
	s13 =	ssub.s32 s24, s8  }
.Ltmp0:
0xc: {  	[dreg:$0x5] =	wrdreg s2;
	s8 =	sadd.s32 s3, s1;
	(pc) =	sbr.rel .LBB2_1-.Ltmp0, $4  }
0xd: {  	s29 =	sadd.s32 s26, s1;
	s24 =	simm.s32 $0x7980;
	s26 =	simm.s32 $0x7B00  }
0xe: {  	s25 =	sadd.s32 $0x14000, s8;
	s30 =	smax.u32 s13, $0x1;
	s14 =	sadd.s32 $0x4000, s8  }
0xf: {  	v0 =	vimm.f32 $0.0e+00;
	v3 =	vlaneseq.u32;
	s15 =	sadd.s32 $0x8000, s8;
	s16 =	sadd.s32 $0xC000, s8;
	[dreg:$0x6] =	wrdreg s25  }
0x10: {  	v1 =	vimm.s32 $0x0;
	v2 =	vmul.u32 $0x8, v3;
	v3 =	vadd.s32 $0x280C, v3;
	s17 =	sadd.s32 $0x10000, s8;
	[dreg:$0x7] =	wrdreg s30;
	s25 =	sshrl.u32 s29, $0x3  }
.LBB2_12:
0x11: {  	s9 =	rddreg [dreg:$0x3]  }
0x12: {  	s0 =	rddreg [dreg:$0x7];
	s9 =	sadd.s32 $0x1, s9  }
0x13: {  	p0 =	sne.s32 s9, s0  }
.Ltmp1:
0x14: {  	_ = 	snop;
	(pc) =	sbr.rel @!p0 .LBB2_13-.Ltmp1, $1  }
0x15: {  	_ =	sdelay $0x3  }
.LBB2_1:
.Ltmp2:
0x16: {  	(pc) =	sbr.rel .LBB2_2-.Ltmp2, $2  }
0x17: {  	_ =	sdelay $0x2  }
0x18: {  	[dreg:$0x3] =	wrdreg s9;
	s29 =	simm.s32 $0x0  }
.LBB2_11:
0x19: {  	[tilespmem:s2+$0x7980] =	vst v3  }
0x1a: {  	[tilespmem:s2+$0x7990] =	vst v3  }
0x1b: {  	[tilespmem:s2+$0x79A0] =	vst v3  }
0x1c: {  	[tilespmem:s2+$0x79B0] =	vst v3  }
0x1d: {  	[tilespmem:s2+$0x79C0] =	vst v3  }
0x1e: {  	[tilespmem:s2+$0x79D0] =	vst v3  }
0x1f: {  	[tilespmem:s2+$0x79E0] =	vst v3  }
0x20: {  	[tilespmem:s2+$0x79F0] =	vst v3  }
0x21: {  	[tilespmem:s2+$0x7800] =	vst v2  }
0x22: {  	[tilespmem:s2+$0x7810] =	vst v2  }
0x23: {  	[tilespmem:s2+$0x7820] =	vst v2  }
0x24: {  	[tilespmem:s2+$0x7830] =	vst v2  }
0x25: {  	[tilespmem:s2+$0x7840] =	vst v2  }
0x26: {  	[tilespmem:s2+$0x7850] =	vst v2  }
0x27: {  	[tilespmem:s2+$0x7860] =	vst v2  }
0x28: {  	[tilespmem:s2+$0x7870] =	vst v2  }
0x29: {  	v4 =	vld [tilespmem:$0x7800]  }
0x2a: {  	v5 =	vld [tilespmem:$0x7980]  }
0x2b: {  	v6 =	vld [tilespmem:$0x7810]  }
0x2c: {  	v7 =	vld [tilespmem:$0x7990]  }
0x2d: {  	v8 =	vld [tilespmem:$0x7820]  }
0x2e: {  	[tilespmem:$0x7B00] =	vst v4;
	v4 =	vld [tilespmem:$0x79A0]  }
0x2f: {  	v58 =	vld [tilespmem:$0x79B0];
	[tilespmem:$0x7B80] =	vst v5  }
0x30: {  	v59 =	vld [tilespmem:$0x7840];
	[tilespmem:$0x7B10] =	vst v6  }
0x31: {  	v60 =	vld [tilespmem:$0x79C0];
	[tilespmem:$0x7B90] =	vst v7  }
0x32: {  	v5 =	vld [tilespmem:$0x7830];
	[tilespmem:$0x7B20] =	vst v8  }
0x33: {  	[tilespmem:$0x7BA0] =	vst v4;
	v4 =	vld [tilespmem:$0x7850]  }
0x34: {  	v61 =	vld [tilespmem:$0x7860];
	[tilespmem:$0x7BB0] =	vst v58  }
0x35: {  	v62 =	vld [tilespmem:$0x79E0];
	[tilespmem:$0x7B40] =	vst v59  }
0x36: {  	v63 =	vld [tilespmem:$0x7870];
	[tilespmem:$0x7BC0] =	vst v60  }
0x37: {  	[tilespmem:$0x7B30] =	vst v5;
	v5 =	vld [tilespmem:$0x79D0]  }
0x38: {  	[tilespmem:$0x7B50] =	vst v4;
	v4 =	vld [tilespmem:$0x79F0]  }
0x39: {  	[tilespmem:$0x7B60] =	vst v61  }
0x3a: {  	[tilespmem:$0x7BE0] =	vst v62  }
0x3b: {  	[tilespmem:$0x7B70] =	vst v63  }
0x3c: {  	[tilespmem:$0x7BD0] =	vst v5  }
0x3d: {  	[tilespmem:$0x7BF0] =	vst v4  }
0x3e: {  	[tilespmem:s18], [sflag:$0x1] =	stream.indirect.gather [hbm4b:s5+s20], $0x80, s26, s20, $0xb8;
	[tilespmem:$0x1C000] =	vst v63  }
0x3f: {  	_ =	swait.ge [sflag:s19], $0x4000  }
0x40: {  	[sflag:s19] =	ssyncset.done $0x0  }
0x41: {  	[sflag:s19] =	ssyncadd.s32 $0xFFFFC000  }
0x42: {  	[spmem:s1] =	stream.indirect.scatter.add.f32 [tilespmem:s18], [sflag:$0x1], $0x80, s28, s20, $0xb8;
	[tilespmem:$0x1C000] =	vst v63  }
0x43: {  	_ =	swait.ge [sflag:s19], $0x4000  }
0x44: {  	[sflag:s19] =	ssyncset.done $0x0  }
0x45: {  	s0 =	sadd.s32 s12, s30;
	[sflag:s19] =	ssyncadd.s32 $0xFFFFC000  }
0x46: {  	s30 =	stileid.u32;
	s29 =	sadd.s32 $0x1, s29;
	[bflag:$0x0] =	sbarrier.arrive $0xFFFF  }
0x47: {  	s0 =	sshll.u32 s0, $0x4;
	s2 =	sshll.u32 s30, $0x6;
	s3 =	rddreg [dreg:$0x4]  }
0x48: {  	p0 =	seq.s32 s29, $0x5;
	s2 =	sor.u32 $0x1C01, s2;
	s0 =	sadd.s32 s3, s0  }
0x49: {  	[hbm:s0], [sflag:s2] =	dma.local [spmem:s25], $0x2800  }
.Ltmp3:
0x4a: {  	_ =	swait.ge [sflag:s19], $0x2800;
	(pc) =	sbr.rel @p0 .LBB2_12-.Ltmp3, $3  }
0x4b: {  	[sflag:s19] =	ssyncset.done $0x0  }
0x4c: {  	[sflag:s19] =	ssyncadd.s32 $0xFFFFD800  }
0x4d: {  	[bflag:$0x0] =	sbarrier.arrive $0xFFFF;
	_ =	sdelay $0x1  }
.LBB2_2:
0x4e: {  	s0 =	simm.s32 $0x0  }
0x4f: {  	s2 =	sand.u32 $0xFE00, s0  }
0x50: {  	s3 =	sand.u32 $0x70, s0;
	s13 =	sshrl.u32 s2, $0x2  }
0x51: {  	s2 =	simm.s32 $0x40;
	s3 =	sor.u32 s3, s13  }
.LBB2_3:
0x52: {  	p0 =	sne.s32 s2, $0xFFC0  }
0x53: {  	[tilespmem:s3+$0x3800] =	vst v0;
	s0 =	sadd.s32 $0x10, s0;
	s3 =	smov.u32 s2;
	s2 =	sadd.s32 $0x40, s2  }
.Ltmp4:
0x54: {  	(pc) =	sbr.rel @p0 .LBB2_3-.Ltmp4, $4  }
0x55: {  	_ = 	snop  }
0x56: {  	s3 =	sand.u32 $0xFE00, s3  }
0x57: {  	s13 =	sand.u32 $0x70, s0;
	s3 =	sshrl.u32 s3, $0x2  }
0x58: {  	s3 =	sor.u32 s13, s3  }
0x59: {  	[tilespmem:s3+$0x3800] =	vst v0  }
0x5a: {  	[spmem:s8] =	stream.linear.scatter [tilespmem:s18], [sflag:$0x1], $0x4000, $0x38;
	[tilespmem:$0x1C000] =	vst v63  }
0x5b: {  	_ =	swait.ge [sflag:s19], $0x4000  }
0x5c: {  	[sflag:s19] =	ssyncset.done $0x0  }
0x5d: {  	[sflag:s19] =	ssyncadd.s32 $0xFFFFC000  }
0x5e: {  	[spmem:s14] =	stream.linear.scatter [tilespmem:s18], [sflag:$0x1], $0x4000, $0x38;
	[tilespmem:$0x1C000] =	vst v63  }
0x5f: {  	_ =	swait.ge [sflag:s19], $0x4000  }
0x60: {  	[sflag:s19] =	ssyncset.done $0x0  }
0x61: {  	[sflag:s19] =	ssyncadd.s32 $0xFFFFC000  }
0x62: {  	[spmem:s15] =	stream.linear.scatter [tilespmem:s18], [sflag:$0x1], $0x4000, $0x38;
	[tilespmem:$0x1C000] =	vst v63  }
0x63: {  	_ =	swait.ge [sflag:s19], $0x4000  }
0x64: {  	[sflag:s19] =	ssyncset.done $0x0  }
0x65: {  	[sflag:s19] =	ssyncadd.s32 $0xFFFFC000  }
0x66: {  	[spmem:s16] =	stream.linear.scatter [tilespmem:s18], [sflag:$0x1], $0x4000, $0x38;
	[tilespmem:$0x1C000] =	vst v63  }
0x67: {  	_ =	swait.ge [sflag:s19], $0x4000  }
0x68: {  	[sflag:s19] =	ssyncset.done $0x0  }
0x69: {  	[sflag:s19] =	ssyncadd.s32 $0xFFFFC000  }
0x6a: {  	[spmem:s17] =	stream.linear.scatter [tilespmem:s18], [sflag:$0x1], $0x4000, $0x38;
	[tilespmem:$0x1C000] =	vst v63  }
0x6b: {  	_ =	swait.ge [sflag:s19], $0x4000  }
0x6c: {  	[sflag:s19] =	ssyncset.done $0x0;
	s0 =	rddreg [dreg:$0x6]  }
0x6d: {  	s13 =	rddreg [dreg:$0x5];
	[sflag:s19] =	ssyncadd.s32 $0xFFFFC000  }
0x6e: {  	[spmem:s0] =	stream.linear.scatter [tilespmem:s18], [sflag:$0x1], $0x400, $0x38;
	[tilespmem:$0x1C000] =	vst v63  }
.Ltmp5:
0x6f: {  	s0 =	sadd.s32 s13, s29;
	_ =	swait.ge [sflag:s19], $0x400;
	(pc) =	sbr.rel .LBB2_5-.Ltmp5, $4  }
0x70: {  	s30 =	smul.u32 $0x2800, s0;
	[sflag:s19] =	ssyncset.done $0x0  }
0x71: {  	[sflag:s19] =	ssyncadd.s32 $0xFFFFFC00  }
0x72: {  	s0 =	sadd.s32 $0x2800, s30;
	[bflag:$0x0] =	sbarrier.arrive $0xFFFF  }
0x73: {  	s2 =	simm.s32 $0x0;
	v4 =	vmov s30;
	v5 =	vmov s0;
	s0 =	simm.s32 $0x0  }
.LBB2_10:
0x74: {  	s0 =	sadd.s32 $0x1, s0  }
0x75: {  	p0 =	seq.s32 s0, $0xE  }
.Ltmp6:
0x76: {  	_ = 	snop;
	(pc) =	sbr.rel @p0 .LBB2_11-.Ltmp6, $1  }
0x77: {  	_ =	sdelay $0x3  }
.LBB2_5:
0x78: {  	s3 =	smul.u32 $0x38, s0;
	_ =	sdelay $0x1  }
0x79: {  	s3 =	sadd.s32 s10, s3  }
0x7a: {  	s3 =	sshll.u32 s3, $0x5  }
0x7b: {  	s13 =	sadd.s32 s4, s3  }
0x7c: {  	[tilespmem:s31], [sflag:$0x1] =	stream.strided.gather [hbm4b:s13+s20], $0x1C00, s21, s20, $0x38;
	[tilespmem:$0x1C000] =	vst v63  }
0x7d: {  	_ =	swait.ge [sflag:s19], $0x1C00  }
0x7e: {  	[sflag:s19] =	ssyncset.done $0x0  }
.Ltmp7:
0x7f: {  	s3 =	sadd.s32 s3, s11;
	[sflag:s19] =	ssyncadd.s32 $0xFFFFE400;
	(pc) =	sbr.rel .LBB2_6-.Ltmp7, $4  }
0x80: {  	[tilespmem:s22], [sflag:$0x1] =	stream.strided.gather [hbm4b:s3+s20], $0x1C00, s21, s20, $0x38;
	[tilespmem:$0x1C000] =	vst v63  }
0x81: {  	_ =	swait.ge [sflag:s19], $0x1C00  }
0x82: {  	[sflag:s19] =	ssyncset.done $0x0  }
0x83: {  	s13 =	simm.s32 $0x0;
	[sflag:s19] =	ssyncadd.s32 $0xFFFFE400  }
.LBB2_8:
0x84: {  	v6 =	vld [tilespmem:$0x7800]  }
0x85: {  	v7 =	vld [tilespmem:$0x7980]  }
0x86: {  	v8 =	vld [tilespmem:$0x7810]  }
0x87: {  	v9 =	vld [tilespmem:$0x7990]  }
0x88: {  	v10 =	vld [tilespmem:$0x7820]  }
0x89: {  	[tilespmem:$0x7B00] =	vst v6;
	v6 =	vld [tilespmem:$0x79A0]  }
0x8a: {  	v46 =	vld [tilespmem:$0x79B0];
	[tilespmem:$0x7B80] =	vst v7  }
0x8b: {  	v47 =	vld [tilespmem:$0x7840];
	[tilespmem:$0x7B10] =	vst v8  }
0x8c: {  	v48 =	vld [tilespmem:$0x79C0];
	[tilespmem:$0x7B90] =	vst v9  }
0x8d: {  	v7 =	vld [tilespmem:$0x7830];
	[tilespmem:$0x7B20] =	vst v10  }
0x8e: {  	[tilespmem:$0x7BA0] =	vst v6;
	v6 =	vld [tilespmem:$0x7850]  }
0x8f: {  	v49 =	vld [tilespmem:$0x7860];
	[tilespmem:$0x7BB0] =	vst v46  }
0x90: {  	v50 =	vld [tilespmem:$0x79E0];
	[tilespmem:$0x7B40] =	vst v47  }
0x91: {  	v51 =	vld [tilespmem:$0x7870];
	[tilespmem:$0x7BC0] =	vst v48  }
0x92: {  	[tilespmem:$0x7B30] =	vst v7;
	v7 =	vld [tilespmem:$0x79D0]  }
0x93: {  	[tilespmem:$0x7B50] =	vst v6;
	v6 =	vld [tilespmem:$0x79F0]  }
0x94: {  	[tilespmem:$0x7B60] =	vst v49  }
0x95: {  	[tilespmem:$0x7BE0] =	vst v50  }
0x96: {  	[tilespmem:$0x7B70] =	vst v51  }
0x97: {  	[tilespmem:$0x7BD0] =	vst v7  }
0x98: {  	[tilespmem:$0x7BF0] =	vst v6  }
0x99: {  	[tilespmem:s18], [sflag:$0x1] =	stream.indirect.gather [hbm4b:s5+s20], $0x80, s26, s20, $0xb8;
	[tilespmem:$0x1C000] =	vst v63  }
0x9a: {  	_ =	swait.ge [sflag:s19], $0x4000  }
0x9b: {  	[sflag:s19] =	ssyncset.done $0x0  }
0x9c: {  	[sflag:s19] =	ssyncadd.s32 $0xFFFFC000  }
0x9d: {  	[spmem:s1] =	stream.indirect.scatter.add.f32 [tilespmem:s18], [sflag:$0x1], $0x80, s28, s20, $0xb8;
	[tilespmem:$0x1C000] =	vst v63  }
0x9e: {  	_ =	swait.ge [sflag:s19], $0x4000  }
0x9f: {  	[sflag:s19] =	ssyncset.done $0x0  }
0xa0: {  	[sflag:s19] =	ssyncadd.s32 $0xFFFFC000  }
0xa1: {  	v6 =	vld [tilespmem:$0x7880]  }
0xa2: {  	v7 =	vld [tilespmem:$0x7A00]  }
0xa3: {  	v52 =	vld [tilespmem:$0x7890]  }
0xa4: {  	v53 =	vld [tilespmem:$0x7A10]  }
0xa5: {  	v54 =	vld [tilespmem:$0x78A0]  }
0xa6: {  	v55 =	vld [tilespmem:$0x7A30];
	[tilespmem:$0x7800] =	vst v6  }
0xa7: {  	v56 =	vld [tilespmem:$0x78C0];
	[tilespmem:$0x7980] =	vst v7  }
0xa8: {  	v57 =	vld [tilespmem:$0x7A40];
	[tilespmem:$0x7810] =	vst v52  }
0xa9: {  	v6 =	vld [tilespmem:$0x7A20];
	[tilespmem:$0x7990] =	vst v53  }
0xaa: {  	v7 =	vld [tilespmem:$0x78B0];
	[tilespmem:$0x7820] =	vst v54  }
0xab: {  	v58 =	vld [tilespmem:$0x78E0];
	[tilespmem:$0x79B0] =	vst v55  }
0xac: {  	v59 =	vld [tilespmem:$0x7A60];
	[tilespmem:$0x7840] =	vst v56  }
0xad: {  	v60 =	vld [tilespmem:$0x78F0];
	[tilespmem:$0x79C0] =	vst v57  }
0xae: {  	[tilespmem:$0x79A0] =	vst v6;
	v6 =	vld [tilespmem:$0x78D0]  }
0xaf: {  	[tilespmem:$0x7830] =	vst v7;
	v7 =	vld [tilespmem:$0x7A50]  }
0xb0: {  	v61 =	vld [tilespmem:$0x7A80];
	[tilespmem:$0x7860] =	vst v58  }
0xb1: {  	v62 =	vld [tilespmem:$0x7910];
	[tilespmem:$0x79E0] =	vst v59  }
0xb2: {  	v63 =	vld [tilespmem:$0x7A90];
	[tilespmem:$0x7870] =	vst v60  }
0xb3: {  	[tilespmem:$0x7850] =	vst v6;
	v6 =	vld [tilespmem:$0x7A70]  }
0xb4: {  	[tilespmem:$0x79D0] =	vst v7;
	v7 =	vld [tilespmem:$0x7900]  }
0xb5: {  	[tilespmem:$0x7A00] =	vst v61  }
0xb6: {  	[tilespmem:$0x7890] =	vst v62  }
0xb7: {  	[tilespmem:$0x7A10] =	vst v63  }
0xb8: {  	s2 =	sadd.s32 $0xFFFFFF00, s3;
	[tilespmem:$0x79F0] =	vst v6  }
0xb9: {  	[smem:$0x0] =	sst s2;
	[tilespmem:$0x7880] =	vst v7  }
.LBB2_9:
0xba: {  	s13 =	sadd.s32 $0x200, s13  }
0xbb: {  	p0 =	sne.s32 s13, $0x7000  }
.Ltmp8:
0xbc: {  	_ = 	snop;
	(pc) =	sbr.rel @!p0 .LBB2_10-.Ltmp8, $1  }
0xbd: {  	_ =	sdelay $0x3  }
.LBB2_6:
0xbe: {  	s3 =	sshra.s32 s13, $0x2  }
0xbf: {  	v6 =	vld [tilespmem:s3+$0x1C00];
	_ =	sdelay $0x4  }
0xc0: {  	vm0 =	vge.s32 v6, v4;
	vm1 =	vlt.s32 v6, v5  }
0xc1: {  	vm0 =	vmand vm0, vm1  }
0xc2: {  	v7 =	vsel vm0, $0x1, v1  }
0xc3: {  	(xrf0) =	vadd.scan.msk.s32 $0xffff, v7;
	_ =	sdelay $0x4  }
0xc4: {  	v7 =	vsel vm0, $0xFFFFFFFF, v1  }
0xc5: {  	v7 =	vadd.s32 s2, v7;
	v8, _, _ =	vpop (xrf0)  }
0xc6: {  	v9 =	vld [tilespmem:s3+$0x0];
	v7 =	vadd.s32 v8, v7;
	_ =	sdelay $0x3  }
0xc7: {  	(v2sf) =	vpush v8, $0xF  }
0xc8: {  	v6 =	vsub.s32 v6, v4;
	[tilespmem:v7+s23+$0x0] =	vst.idx.msk vm0, v9  }
0xc9: {  	[tilespmem:v7+s24+$0x0] =	vst.idx.msk vm0, v6  }
0xca: {  	v6 =	vld [tilespmem:s3+$0x1C10];
	_ =	sdelay $0x4  }
0xcb: {  	vm14 =	vge.s32 v6, v4;
	vm15 =	vlt.s32 v6, v5  }
0xcc: {  	vm0 =	vmand vm14, vm15  }
0xcd: {  	v7 =	vsel vm0, $0x1, v1  }
0xce: {  	(xrf0) =	vadd.scan.msk.s32 $0xffff, v7;
	_ =	sdelay $0x3  }
0xcf: {  	s6 =	spop (v2sf)  }
0xd0: {  	v7 =	vsel vm0, $0xFFFFFFFF, v1;
	s7 =	sadd.s32 s2, s6  }
0xd1: {  	v7 =	vadd.s32 s7, v7;
	v57, _, _ =	vpop (xrf0)  }
0xd2: {  	v9 =	vld [tilespmem:s3+$0x10];
	v7 =	vadd.s32 v57, v7;
	_ =	sdelay $0x3  }
0xd3: {  	(v2sf) =	vpush v57, $0xF  }
0xd4: {  	v6 =	vsub.s32 v6, v4;
	[tilespmem:v7+s23+$0x0] =	vst.idx.msk vm0, v9  }
0xd5: {  	[tilespmem:v7+s24+$0x0] =	vst.idx.msk vm0, v6  }
0xd6: {  	v6 =	vld [tilespmem:s3+$0x1C20];
	_ =	sdelay $0x4  }
0xd7: {  	vm4 =	vge.s32 v6, v4;
	vm5 =	vlt.s32 v6, v5  }
0xd8: {  	vm0 =	vmand vm4, vm5  }
0xd9: {  	v7 =	vsel vm0, $0x1, v1  }
0xda: {  	(xrf0) =	vadd.scan.msk.s32 $0xffff, v7;
	_ =	sdelay $0x3  }
0xdb: {  	s9 =	spop (v2sf)  }
0xdc: {  	v7 =	vsel vm0, $0xFFFFFFFF, v1;
	s2 =	sadd.s32 s7, s9  }
0xdd: {  	v7 =	vadd.s32 s2, v7;
	v58, _, _ =	vpop (xrf0)  }
0xde: {  	v9 =	vld [tilespmem:s3+$0x20];
	v7 =	vadd.s32 v58, v7;
	_ =	sdelay $0x3  }
0xdf: {  	(v2sf) =	vpush v58, $0xF  }
0xe0: {  	v6 =	vsub.s32 v6, v4;
	[tilespmem:v7+s23+$0x0] =	vst.idx.msk vm0, v9  }
0xe1: {  	[tilespmem:v7+s24+$0x0] =	vst.idx.msk vm0, v6  }
0xe2: {  	v6 =	vld [tilespmem:s3+$0x1C30];
	_ =	sdelay $0x4  }
0xe3: {  	vm6 =	vge.s32 v6, v4;
	vm7 =	vlt.s32 v6, v5  }
0xe4: {  	vm0 =	vmand vm6, vm7  }
0xe5: {  	v7 =	vsel vm0, $0x1, v1  }
0xe6: {  	(xrf0) =	vadd.scan.msk.s32 $0xffff, v7;
	_ =	sdelay $0x3  }
0xe7: {  	s7 =	spop (v2sf)  }
0xe8: {  	v7 =	vsel vm0, $0xFFFFFFFF, v1;
	s2 =	sadd.s32 s2, s7  }
0xe9: {  	v7 =	vadd.s32 s2, v7;
	v59, _, _ =	vpop (xrf0)  }
0xea: {  	v9 =	vld [tilespmem:s3+$0x30];
	v7 =	vadd.s32 v59, v7;
	_ =	sdelay $0x3  }
0xeb: {  	(v2sf) =	vpush v59, $0xF  }
0xec: {  	v6 =	vsub.s32 v6, v4;
	[tilespmem:v7+s23+$0x0] =	vst.idx.msk vm0, v9  }
0xed: {  	[tilespmem:v7+s24+$0x0] =	vst.idx.msk vm0, v6  }
0xee: {  	v6 =	vld [tilespmem:s3+$0x1C40];
	_ =	sdelay $0x4  }
0xef: {  	vm8 =	vge.s32 v6, v4;
	vm9 =	vlt.s32 v6, v5  }
0xf0: {  	vm0 =	vmand vm8, vm9  }
0xf1: {  	v7 =	vsel vm0, $0x1, v1  }
0xf2: {  	(xrf0) =	vadd.scan.msk.s32 $0xffff, v7;
	_ =	sdelay $0x3  }
0xf3: {  	s9 =	spop (v2sf)  }
0xf4: {  	v7 =	vsel vm0, $0xFFFFFFFF, v1;
	s2 =	sadd.s32 s2, s9  }
0xf5: {  	v7 =	vadd.s32 s2, v7;
	v60, _, _ =	vpop (xrf0)  }
0xf6: {  	v9 =	vld [tilespmem:s3+$0x40];
	v7 =	vadd.s32 v60, v7;
	_ =	sdelay $0x3  }
0xf7: {  	(v2sf) =	vpush v60, $0xF  }
0xf8: {  	v6 =	vsub.s32 v6, v4;
	[tilespmem:v7+s23+$0x0] =	vst.idx.msk vm0, v9  }
0xf9: {  	[tilespmem:v7+s24+$0x0] =	vst.idx.msk vm0, v6  }
0xfa: {  	v6 =	vld [tilespmem:s3+$0x1C50];
	_ =	sdelay $0x4  }
0xfb: {  	vm10 =	vge.s32 v6, v4;
	vm11 =	vlt.s32 v6, v5  }
0xfc: {  	vm0 =	vmand vm10, vm11  }
0xfd: {  	v7 =	vsel vm0, $0x1, v1  }
0xfe: {  	(xrf0) =	vadd.scan.msk.s32 $0xffff, v7;
	_ =	sdelay $0x3  }
0xff: {  	s7 =	spop (v2sf)  }
0x100: {  	v7 =	vsel vm0, $0xFFFFFFFF, v1;
	s2 =	sadd.s32 s2, s7  }
0x101: {  	v7 =	vadd.s32 s2, v7;
	v61, _, _ =	vpop (xrf0)  }
0x102: {  	v9 =	vld [tilespmem:s3+$0x50];
	v7 =	vadd.s32 v61, v7;
	_ =	sdelay $0x3  }
0x103: {  	(v2sf) =	vpush v61, $0xF  }
0x104: {  	v6 =	vsub.s32 v6, v4;
	[tilespmem:v7+s23+$0x0] =	vst.idx.msk vm0, v9  }
0x105: {  	[tilespmem:v7+s24+$0x0] =	vst.idx.msk vm0, v6  }
0x106: {  	v6 =	vld [tilespmem:s3+$0x1C60];
	_ =	sdelay $0x4  }
0x107: {  	vm12 =	vge.s32 v6, v4;
	vm13 =	vlt.s32 v6, v5  }
0x108: {  	vm0 =	vmand vm12, vm13  }
0x109: {  	v7 =	vsel vm0, $0x1, v1  }
0x10a: {  	(xrf0) =	vadd.scan.msk.s32 $0xffff, v7;
	_ =	sdelay $0x3  }
0x10b: {  	s9 =	spop (v2sf)  }
0x10c: {  	v7 =	vsel vm0, $0xFFFFFFFF, v1;
	s2 =	sadd.s32 s2, s9  }
0x10d: {  	v7 =	vadd.s32 s2, v7;
	v62, _, _ =	vpop (xrf0)  }
0x10e: {  	v9 =	vld [tilespmem:s3+$0x60];
	v7 =	vadd.s32 v62, v7;
	_ =	sdelay $0x4  }
0x10f: {  	v6 =	vsub.s32 v6, v4;
	[tilespmem:v7+s23+$0x0] =	vst.idx.msk vm0, v9  }
0x110: {  	[tilespmem:v7+s24+$0x0] =	vst.idx.msk vm0, v6  }
0x111: {  	v6 =	vld [tilespmem:s3+$0x1C70];
	_ =	sdelay $0x4  }
0x112: {  	vm14 =	vge.s32 v6, v4;
	vm15 =	vlt.s32 v6, v5  }
0x113: {  	vm0 =	vmand vm14, vm15  }
0x114: {  	v7 =	vsel vm0, $0x1, v1  }
0x115: {  	(v2sf) =	vpush v62, $0xF;
	(xrf0) =	vadd.scan.msk.s32 $0xffff, v7;
	_ =	sdelay $0x5  }
0x116: {  	v7, _, _ =	vpop (xrf0)  }
0x117: {  	(v2sf) =	vpush v7, $0xF;
	_ =	sdelay $0x7  }
0x118: {  	s7 =	spop (v2sf)  }
0x119: {  	v63 =	vsel vm0, $0xFFFFFFFF, v1;
	s2 =	sadd.s32 s2, s7  }
0x11a: {  	v8 =	vadd.s32 s2, v63  }
0x11b: {  	v9 =	vld [tilespmem:s3+$0x70];
	v7 =	vadd.s32 v7, v8;
	_ =	sdelay $0x3  }
0x11c: {  	s9 =	spop (v2sf)  }
0x11d: {  	v6 =	vsub.s32 v6, v4;
	[tilespmem:v7+s23+$0x0] =	vst.idx.msk vm0, v9;
	s3 =	sadd.s32 s2, s9  }
0x11e: {  	[tilespmem:v7+s24+$0x0] =	vst.idx.msk vm0, v6;
	p0 =	slt.s32 s3, $0x80  }
0x11f: {  	v6 =	vld @!p0 [tilespmem:$0x7800]  }
0x120: {  	v7 =	vld @!p0 [tilespmem:$0x7980]  }
0x121: {  	v8 =	vld @!p0 [tilespmem:$0x7810]  }
0x122: {  	v9 =	vld @!p0 [tilespmem:$0x7990]  }
0x123: {  	v10 =	vld @!p0 [tilespmem:$0x7820]  }
0x124: {  	[tilespmem:$0x7B00] =	vst @!p0 v6;
	v6 =	vld @!p0 [tilespmem:$0x79A0]  }
0x125: {  	[tilespmem:$0x7B80] =	vst @!p0 v7;
	v7 =	vld @!p0 [tilespmem:$0x7830]  }
0x126: {  	[tilespmem:$0x7B10] =	vst @!p0 v8;
	v8 =	vld @!p0 [tilespmem:$0x79B0]  }
0x127: {  	[tilespmem:$0x7B90] =	vst @!p0 v9;
	v9 =	vld @!p0 [tilespmem:$0x7840]  }
0x128: {  	[tilespmem:$0x7B20] =	vst @!p0 v10;
	v10 =	vld @!p0 [tilespmem:$0x79C0]  }
0x129: {  	[tilespmem:$0x7BA0] =	vst @!p0 v6;
	v6 =	vld @!p0 [tilespmem:$0x7850]  }
0x12a: {  	[tilespmem:$0x7B30] =	vst @!p0 v7;
	v7 =	vld @!p0 [tilespmem:$0x79D0]  }
0x12b: {  	[tilespmem:$0x7BB0] =	vst @!p0 v8;
	v8 =	vld @!p0 [tilespmem:$0x7860]  }
0x12c: {  	[tilespmem:$0x7B40] =	vst @!p0 v9;
	v9 =	vld @!p0 [tilespmem:$0x79E0]  }
0x12d: {  	[tilespmem:$0x7BC0] =	vst @!p0 v10;
	v10 =	vld @!p0 [tilespmem:$0x7870]  }
0x12e: {  	[tilespmem:$0x7B50] =	vst @!p0 v6;
	v6 =	vld @!p0 [tilespmem:$0x79F0]  }
0x12f: {  	[tilespmem:$0x7BD0] =	vst @!p0 v7  }
0x130: {  	[tilespmem:$0x7B60] =	vst @!p0 v8  }
0x131: {  	[tilespmem:$0x7BE0] =	vst @!p0 v9  }
0x132: {  	[tilespmem:$0x7B70] =	vst @!p0 v10  }
0x133: {  	s2 =	simm.s32 @!p0 $0x80;
	s6 =	simm.s32 @!p0 $0x7B00;
	s7 =	simm.s32 @!p0 $0x3800;
	[tilespmem:$0x7BF0] =	vst @!p0 v6  }
0x134: {  	[tilespmem:s7], [sflag:$0x1] =	stream.indirect.gather @!p0 [hbm4b:s5+s2], $0x80, s6, s2, $0xb8;
	[tilespmem:$0x1C000] =	vst v63  }
0x135: {  	[smem:$0x0] =	sst s3;
	s6 =	simm.s32 @!p0 $0x1  }
0x136: {  	_ =	swait.ge @!p0 [sflag:s6], $0x4000  }
0x137: {  	[sflag:s6] =	ssyncset.done @!p0 $0x0  }
0x138: {  	s9 =	simm.s32 @!p0 $0x7B80;
	[sflag:s6] =	ssyncadd.s32 @!p0 $0xFFFFC000  }
0x139: {  	[spmem:s1] =	stream.indirect.scatter.add.f32 @!p0 [tilespmem:s7], [sflag:$0x1], $0x80, s9, s2, $0xb8;
	[tilespmem:$0x1C000] =	vst v63  }
0x13a: {  	_ =	swait.ge @!p0 [sflag:s6], $0x4000  }
0x13b: {  	[sflag:s6] =	ssyncset.done @!p0 $0x0  }
0x13c: {  	[sflag:s6] =	ssyncadd.s32 @!p0 $0xFFFFC000  }
0x13d: {  	v6 =	vld @!p0 [tilespmem:$0x7880]  }
0x13e: {  	v7 =	vld @!p0 [tilespmem:$0x7A00]  }
0x13f: {  	v8 =	vld @!p0 [tilespmem:$0x7890]  }
0x140: {  	v9 =	vld @!p0 [tilespmem:$0x7A10]  }
0x141: {  	v10 =	vld @!p0 [tilespmem:$0x78A0]  }
0x142: {  	[tilespmem:$0x7800] =	vst @!p0 v6;
	v6 =	vld @!p0 [tilespmem:$0x7A20]  }
0x143: {  	[tilespmem:$0x7980] =	vst @!p0 v7;
	v7 =	vld @!p0 [tilespmem:$0x78B0]  }
0x144: {  	[tilespmem:$0x7810] =	vst @!p0 v8;
	v8 =	vld @!p0 [tilespmem:$0x7A30]  }
0x145: {  	[tilespmem:$0x7990] =	vst @!p0 v9;
	v9 =	vld @!p0 [tilespmem:$0x78C0]  }
0x146: {  	[tilespmem:$0x7820] =	vst @!p0 v10;
	v10 =	vld @!p0 [tilespmem:$0x7A40]  }
0x147: {  	[tilespmem:$0x79A0] =	vst @!p0 v6;
	v6 =	vld @!p0 [tilespmem:$0x78D0]  }
0x148: {  	[tilespmem:$0x7830] =	vst @!p0 v7;
	v7 =	vld @!p0 [tilespmem:$0x7A50]  }
0x149: {  	[tilespmem:$0x79B0] =	vst @!p0 v8;
	v8 =	vld @!p0 [tilespmem:$0x78E0]  }
0x14a: {  	[tilespmem:$0x7840] =	vst @!p0 v9;
	v9 =	vld @!p0 [tilespmem:$0x7A60]  }
0x14b: {  	[tilespmem:$0x79C0] =	vst @!p0 v10;
	v10 =	vld @!p0 [tilespmem:$0x78F0]  }
0x14c: {  	[tilespmem:$0x7850] =	vst @!p0 v6;
	v6 =	vld @!p0 [tilespmem:$0x7A70]  }
0x14d: {  	[tilespmem:$0x79D0] =	vst @!p0 v7;
	v7 =	vld @!p0 [tilespmem:$0x7900]  }
0x14e: {  	[tilespmem:$0x7860] =	vst @!p0 v8;
	v8 =	vld @!p0 [tilespmem:$0x7A80]  }
0x14f: {  	p1 =	slt.u32 @!p0 s3, $0x100;
	[tilespmem:$0x79E0] =	vst @!p0 v9;
	v9 =	vld @!p0 [tilespmem:$0x7910]  }
0x150: {  	p1 =	por p0, p1;
	[tilespmem:$0x7870] =	vst @!p0 v10;
	v10 =	vld @!p0 [tilespmem:$0x7A90]  }
.Ltmp9:
0x151: {  	[tilespmem:$0x79F0] =	vst @!p0 v6;
	(pc) =	sbr.rel @!p1 .LBB2_8-.Ltmp9, $4  }
0x152: {  	[tilespmem:$0x7880] =	vst @!p0 v7  }
0x153: {  	[tilespmem:$0x7A00] =	vst @!p0 v8  }
0x154: {  	s2 =	sadd.s32 @!p0 $0xFFFFFF80, s3;
	[tilespmem:$0x7890] =	vst @!p0 v9  }
0x155: {  	[smem:$0x0] =	sst @!p0 s2;
	[tilespmem:$0x7A10] =	vst @!p0 v10  }
.Ltmp10:
0x156: {  	(pc) =	sbr.rel .LBB2_9-.Ltmp10, $2  }
0x157: {  	_ =	sdelay $0x2  }
0x158: {  	s2 =	smov.u32 @p0 s3  }
.LBB2_13:
0x159: {  	_ =	sfence.sel $0x180000  }
0x15a: {  	[bflag:$0x0] =	sbarrier.arrive $0xFFFF  }
0x15b: {  	_ =	strace $0x9000004D  }
0x15c: {  	s0 =	stileid.u32;
	[bflag:$0x2] =	sbarrier.arrive $0xFFFF  }
0x15d: {  	p0 =	sne.s32 s0, $0x0;
	s0 =	rddreg [dreg:$0x2]  }
0x15e: {  	s0 =	sadd.s32 @!p0 $0x100000, s0  }
0x15f: {  	[sflag:s0] =	ssyncadd.tile.s32 @!p0 $0x1;
	_ =	shalt  }
.Lfunc_end2:
_tile_overlayer_lowered:
.L_overlay_start_2:
0x160: {  	(tag) =	ssettag $0x2  }
0x161: {  	s0 =	rddreg [dreg:$0x0];
	s2 =	stileid.u32  }
0x162: {  	s1 =	rddreg [dreg:$0x1];
	p0 =	sne.s32 s2, $0x0  }
0x163: {  	s3 =	rddreg [dreg:$0x2];
	[bflag:$0x3] =	sbarrier.arrive $0xFFFF;
	s2 =	simm.s32 @!p0 $0x1C01  }
0x164: {  	[timem:s3], [sflag:s2] =	dma.local @!p0 [hbm:s0], s1  }
0x165: {  	s0 =	simm.s32 @!p0 $0x1  }
0x166: {  	_ =	swait.ge @!p0 [sflag:s0], s1  }
0x167: {  	s1 =	ssub.s32 @!p0 $0x0, s1;
	[sflag:s0] =	ssyncset.done @!p0 $0x0  }
0x168: {  	[sflag:s0] =	ssyncadd.s32 @!p0 s1  }
0x169: {  	[bflag:$0x3] =	sbarrier.arrive $0xFFFF  }
0x16a: {  	_ =	shalt  }

// kernel: kernel.8.cloned.1.call-start
scs
__scs_entry_jumppad:
0x0: {  	(pc) =	sbr.rel $0x88, $3  }
0x1: {  	(tag) =	ssettag $0x0;
	lr =	simm.s32 $0x1  }
0x2: {  	[smem:$0x3F98] =	sst lr;
	_ =	strace $0xD0000000  }
0x3: {  	_ = 	snop  }
0x4: {  	_ = 	snop  }
0x5: {  	_ = 	snop  }
0x6: {  	_ = 	snop  }
0x7: {  	_ = 	snop  }
__scs_overlays_trampoline_lowered:
0x8: {  	[smem:$0x3FA7] =	sst s0  }
0x9: {  	[smem:$0x3FA8] =	sst s1  }
0xa: {  	[smem:$0x3FA9] =	sst s2  }
0xb: {  	[smem:$0x3FAA] =	sst s3  }
0xc: {  	[smem:$0x3FAB] =	sst s4  }
0xd: {  	[smem:$0x3FAC] =	sst s5  }
0xe: {  	[smem:$0x3FAD] =	sst s6  }
0xf: {  	[smem:$0x3FAE] =	sst s7  }
0x10: {  	[smem:$0x3FAF] =	sst s8  }
0x11: {  	[smem:$0x3FB0] =	sst s9;
	s0 =	simm.s32 @!p0 $0x0  }
0x12: {  	s1 =	sld [smem:$0x3F96];
	s0 =	simm.s32 @p0 $0x1  }
0x13: {  	[smem:$0x3FB1] =	sst s0;
	s0 =	simm.s32 @!p1 $0x0  }
0x14: {  	s2 =	sld [smem:$0x3F95];
	s0 =	simm.s32 @p1 $0x1  }
0x15: {  	[smem:$0x3FB2] =	sst s0;
	s0 =	simm.s32 @!p2 $0x0  }
0x16: {  	s3 =	sld [smem:$0x3FDB];
	s0 =	simm.s32 @p2 $0x1  }
0x17: {  	s4 =	simm.s32 $0x1BF5;
	[smem:$0x3FB4] =	sst s0  }
0x18: {  	s0 =	sld [smem:$0x3F97];
	_ =	swait.ge [sflag:s4], $0x0  }
0x19: {  	s7 =	sld [smem:$0x3F98]  }
0x1a: {  	s8 =	sadd.s32 $0xFFFFE003, lr  }
0x1b: {  	s9 =	sadd.s32 $0xFFFFFEF7, lr;
	s5 =	simm.s32 $0xFFFFFFFF;
	p2 =	slt.u32 s8, $0xFFFFF086  }
0x1c: {  	p1 =	slt.u32 s9, $0xF7A;
	s5 =	simm.s32 @!p2 $0x0  }
0x1d: {  	s5 =	simm.s32 @p1 $0x1;
	p0 =	seq.s32 s7, s2  }
0x1e: {  	s7 =	smul.u32 @!p0 $0xF7A, s2;
	p2 =	seq.s32 @!p0 s5, $0x0  }
0x1f: {  	s9 =	smul.u32 $0xF7A, s1;
	s8 =	simm.s32 @!p0 $0x1BF5;
	p2 =	por !p2, p0  }
0x20: {  	[sflag:s8] =	ssyncset.s32 @!p0 $0xFFFFF086;
	s6 =	sadd.s32 @!p0 s3, s7;
	s7 =	simm.s32 @!p0 $0x108  }
0x21: {  	s3 =	sadd.s32 s3, s9;
	s6 =	sadd.s32 @!p0 $0x88, s6;
	s7 =	simm.s32 @p2 $0x1082  }
0x22: {  	[simem:s7], [sflag:s8] =	dma.local @!p0 [hbm:s6], $0xF7A  }
0x23: {  	s9 =	sor.u32 $0xD0000000, s2;
	s6 =	simm.s32 $0x108;
	_ =	swait.ge @!p0 [sflag:s8], $0x0  }
0x24: {  	s3 =	sadd.s32 $0x88, s3;
	s6 =	simm.s32 @!p1 $0x1082;
	[sflag:s4] =	ssyncset.s32 $0xFFFFF086  }
0x25: {  	[simem:s6], [sflag:s4] =	dma.local [hbm:s3], $0xF7A  }
0x26: {  	[smem:$0x3F98] =	sst s1;
	(tag) =	ssettag s2;
	_ =	strace s9  }
0x27: {  	s1 =	sld [smem:$0x3FA8]  }
0x28: {  	s2 =	sld [smem:$0x3FA9]  }
0x29: {  	s4 =	sld [smem:$0x3FAB]  }
0x2a: {  	p0 =	seq.s32 s5, $0x0;
	s5 =	sld [smem:$0x3FAC]  }
0x2b: {  	s6 =	sld [smem:$0x3FAD]  }
0x2c: {  	s7 =	sld [smem:$0x3FAE]  }
0x2d: {  	s3 =	simm.s32 $0x108;
	s8 =	sld [smem:$0x3FAF]  }
0x2e: {  	s3 =	simm.s32 @!p0 $0x1082;
	s9 =	sld [smem:$0x3FB0]  }
0x2f: {  	lr =	sadd.s32 s0, s3;
	s0 =	sld [smem:$0x3FA7]  }
0x30: {  	s3 =	sld [smem:$0x3FAA]  }
0x31: {  	[smem:$0x3FB3] =	sst s10  }
0x32: {  	s10 =	sld [smem:$0x3FB1];
	_ =	sdelay $0x3  }
0x33: {  	p0 =	seq.s32 s10, $0x1;
	s10 =	sld [smem:$0x3FB3];
	_ =	sdelay $0x3  }
0x34: {  	[smem:$0x3FB3] =	sst s10  }
0x35: {  	s10 =	sld [smem:$0x3FB2];
	_ =	sdelay $0x3  }
0x36: {  	p1 =	seq.s32 s10, $0x1;
	s10 =	sld [smem:$0x3FB3];
	_ =	sdelay $0x3  }
0x37: {  	[smem:$0x3FB3] =	sst s10  }
0x38: {  	s10 =	sld [smem:$0x3FB4]  }
0x39: {  	_ = 	snop;
	(pc) =	sbr.ind lr, $3  }
0x3a: {  	_ = 	snop  }
0x3b: {  	_ = 	snop  }
0x3c: {  	p2 =	seq.s32 s10, $0x1;
	s10 =	sld [smem:$0x3FB3]  }
0x3d: {  	_ =	shalt  }
0x3e: {  	_ =	shalt  }
0x3f: {  	_ =	shalt  }
0x40: {  	_ =	shalt  }
0x41: {  	_ =	shalt  }
0x42: {  	_ =	shalt  }
0x43: {  	_ =	shalt  }
0x44: {  	_ =	shalt  }
0x45: {  	_ =	shalt  }
0x46: {  	_ =	shalt  }
0x47: {  	_ =	shalt  }
0x48: {  	_ =	shalt  }
0x49: {  	_ =	shalt  }
0x4a: {  	_ =	shalt  }
0x4b: {  	_ =	shalt  }
0x4c: {  	_ =	shalt  }
0x4d: {  	_ =	shalt  }
0x4e: {  	_ =	shalt  }
0x4f: {  	_ =	shalt  }
0x50: {  	_ =	shalt  }
0x51: {  	_ =	shalt  }
0x52: {  	_ =	shalt  }
0x53: {  	_ =	shalt  }
0x54: {  	_ =	shalt  }
0x55: {  	_ =	shalt  }
0x56: {  	_ =	shalt  }
0x57: {  	_ =	shalt  }
0x58: {  	_ =	shalt  }
0x59: {  	_ =	shalt  }
0x5a: {  	_ =	shalt  }
0x5b: {  	_ =	shalt  }
0x5c: {  	_ =	shalt  }
0x5d: {  	_ =	shalt  }
0x5e: {  	_ =	shalt  }
0x5f: {  	_ =	shalt  }
0x60: {  	_ =	shalt  }
0x61: {  	_ =	shalt  }
0x62: {  	_ =	shalt  }
0x63: {  	_ =	shalt  }
0x64: {  	_ =	shalt  }
0x65: {  	_ =	shalt  }
0x66: {  	_ =	shalt  }
0x67: {  	_ =	shalt  }
0x68: {  	_ =	shalt  }
0x69: {  	_ =	shalt  }
0x6a: {  	_ =	shalt  }
0x6b: {  	_ =	shalt  }
0x6c: {  	_ =	shalt  }
0x6d: {  	_ =	shalt  }
0x6e: {  	_ =	shalt  }
0x6f: {  	_ =	shalt  }
0x70: {  	_ =	shalt  }
0x71: {  	_ =	shalt  }
0x72: {  	_ =	shalt  }
0x73: {  	_ =	shalt  }
0x74: {  	_ =	shalt  }
0x75: {  	_ =	shalt  }
0x76: {  	_ =	shalt  }
0x77: {  	_ =	shalt  }
0x78: {  	_ =	shalt  }
0x79: {  	_ =	shalt  }
0x7a: {  	_ =	shalt  }
0x7b: {  	_ =	shalt  }
0x7c: {  	_ =	shalt  }
0x7d: {  	_ =	shalt  }
0x7e: {  	_ =	shalt  }
0x7f: {  	_ =	shalt  }
0x80: {  	_ =	shalt  }
0x81: {  	_ =	shalt  }
0x82: {  	_ =	shalt  }
0x83: {  	_ =	shalt  }
0x84: {  	_ =	shalt  }
0x85: {  	_ =	shalt  }
0x86: {  	_ =	shalt  }
0x87: {  	_ =	shalt  }
.Lfunc_end0:
.L_simem_size_0:
called_computation_lowered:
.L_overlay_start_0:
0x88: {  	s2 =	sld [smem:$0x3FD9]  }
0x89: {  	s3 =	sld [smem:$0x3FFE];
	_ =	sdelay $0x1  }
0x8a: {  	s1 =	srdreg.scid  }
0x8b: {  	s0 =	sand.u32 $0x1, s1  }
0x8c: {  	s16 =	sshll.u32 s0, $0xA;
	s2 =	sadd.s32 s3, s2  }
0x8d: {  	s2 =	sadd.s32 s2, s16  }
0x8e: {  	[smem:$0x3FBF] =	sst s2  }
0x8f: {  	_ = 	snop  }
0x90: {  	(tm) =	ssettm $0x1  }
0x91: {  	s17 =	sld [smem:$0x3FFB];
	_ =	sdelay $0x3  }
0x92: {  	_ =	strace s17  }
0x93: {  	s2 =	sld [smem:$0x3FFC];
	_ =	sdelay $0x3  }
0x94: {  	_ =	strace s2  }
0x95: {  	s2 =	sld [smem:$0x3FFD];
	_ =	sdelay $0x3  }
0x96: {  	_ =	strace s2  }
0x97: {  	_ =	strace $0x8FFFFFFF  }
0x98: {  	s18 =	sld [smem:$0x3FDB];
	_ =	sdelay $0x1  }
0x99: {  	s19 =	simm.s32 $_scs_section_size  }
0x9a: {  	s4 =	simm.s32 $_size__tile_overlayer_lowered;
	s5 =	simm.s32 $_tile_overlayer_lowered  }
0x9b: {  	s22 =	simm.s32 $0x1BFF;
	s21 =	sshll.u32 s5, $0x1;
	s2 =	sadd.s32 s19, s18  }
0x9c: {  	s6 =	simm.s32 $0x0;
	s20 =	sshll.u32 s4, $0x1;
	s4 =	sadd.s32 s21, s2  }
0x9d: {  	[timem:s6], [sflag:s22] =	dma.local [hbm:s4], s20  }
0x9e: {  	_ =	swait.ge [sflag:s22], s20  }
0x9f: {  	s3 =	ssub.s32 $0x0, s20;
	[sflag:s22] =	ssyncset.done $0x0  }
0xa0: {  	[sflag:s22] =	ssyncadd.s32 s3;
	_ =	sdelay $0x1  }
0xa1: {  	s23 =	simm.s32 $0x1B8B  }
0xa2: {  	_ =	swait.ge [sflag:s23], $0x1  }
0xa3: {  	[sflag:s23] =	ssyncset.done $0x0  }
0xa4: {  	s25 =	simm.s32 $0x1B8E;
	s24 =	sld [smem:$0x3FFE];
	[sflag:s23] =	ssyncadd.s32 $0xFFFFFFFF  }
0xa5: {  	s26 =	simm.s32 $execute0_lowered;
	[smem:$0x3FD2] =	sst s25  }
0xa6: {  	s4 =	sshll.u32 s26, $0x1;
	_ =	strace $0x80000046;
	[dreg:$0x1] =	wrdreg $0xFFFFFFFF  }
0xa7: {  	s28 =	simm.s32 $_size_execute0_lowered;
	s2 =	sadd.s32 s2, s4;
	[dreg:$0x0] =	wrdreg $0x0  }
0xa8: {  	s4 =	sshll.u32 s28, $0x1;
	[dreg:$0x2] =	wrdreg s2  }
0xa9: {  	[dreg:$0x3] =	wrdreg s4  }
0xaa: {  	[dreg:$0x4] =	wrdreg $0xC0  }
0xab: {  	_ =	task [dreg:s6], $0x5FFFF  }
0xac: {  	[dreg:$0x1] =	wrdreg $0xFFFFFFFF  }
0xad: {  	[dreg:$0x0] =	wrdreg $0x60  }
0xae: {  	[dreg:$0x2] =	wrdreg s24  }
0xaf: {  	[dreg:$0x3] =	wrdreg $0x20800  }
0xb0: {  	[dreg:$0x4] =	wrdreg $0x9  }
0xb1: {  	_ =	task.clear_ibuf [dreg:s6], $0x5FFFF;
	_ =	strace $0x90000046  }
0xb2: {  	s29 =	simm.s32 $0x9;
	_ =	strace $0x80000048  }
0xb3: {  	_ =	swait.ge [sflag:s29], $0x1  }
0xb4: {  	[sflag:s29] =	ssyncadd.s32 $0xFFFFFFFF  }
0xb5: {  	_ =	strace $0x90000048  }
0xb6: {  	_ =	sfence  }
0xb7: {  	s30 =	sld [smem:$0x0];
	_ =	sdelay $0x2  }
0xb8: {  	s31 =	sshll.u32 s1, $0xD;
	s1 =	sshrl.u32 s1, $0x2  }
0xb9: {  	s3 =	sand.u32 $0x4000, s31;
	s1 =	sadd.s32 s1, s30  }
0xba: {  	s0 =	sor.u32 s3, s0;
	s1 =	sshll.u32 s1, $0x11  }
0xbb: {  	s0 =	sor.u32 s1, s0  }
0xbc: {  	s0 =	sadd.s32 $0x8F2B, s0  }
0xbd: {  	[sflag:s0] =	ssyncadd.remote.s32 $0x1  }
0xbe: {  	_ =	sfence.sel $0xFFFF  }
0xbf: {  	[dreg:$0x0] =	wrdreg $0xFFFFFFFF;
	(pc) =	sbr.abs _section_cstart, $3  }
0xc0: {  	[dreg:$0x1] =	wrdreg $0xFFFFFFFF  }
0xc1: {  	_ =	task.clear_ibuf [dreg:s6], $0x2FFFF;
	_ =	strace $0x9FFFFFFF  }
0xc2: {  	(tm) =	ssettm $0x7FFFFFFF  }
0xc3: {  	_ =	shalt  }
tec
execute0_lowered:
.L_overlay_start_1:
0x0: {  	(tag) =	ssettag $0x1  }
0x1: {  	s0 =	srdreg.scid;
	s5 =	rddreg [dreg:$0x0]  }
0x2: {  	s2 =	rddreg [dreg:$0x1];
	s3 =	simm.s32 $0x0;
	s20 =	simm.s32 $0x1C00  }
0x3: {  	s21 =	simm.s32 $0x1;
	s22 =	simm.s32 $0x80;
	s23 =	simm.s32 $0x2000  }
0x4: {  	s4 =	sand.u32 $0x1, s0;
	s0 =	stileid.u32;
	[smem:$0x7FF] =	sst s3  }
0x5: {  	s1 =	sshll.u32 s4, $0x4;
	s7 =	smul.u32 $0x1900, s0;
	s30 =	ssub.s32 $0x2, s4  }
0x6: {  	s8 =	smul.u32 $0x19000, s4;
	s1 =	sor.u32 s0, s1;
	s9 =	sshrl.u32 s30, $0x1  }
0x7: {  	s6 =	smul.u32 $0x1880, s1;
	s1 =	rddreg [dreg:$0x2];
	_ =	strace $0x80000047  }
0x8: {  	s29 =	sadd.s32 s7, s8;
	s4 =	sadd.s32 s7, s2;
	s31 =	ssub.s32 s30, s9  }
0x9: {  	s7 =	smax.u32 s31, $0x1;
	s8 =	sadd.s32 $0x400, s4;
	s9 =	sadd.s32 $0x800, s4  }
0xa: {  	s10 =	sadd.s32 $0xC00, s4;
	s19 =	sadd.s32 s6, s5;
	s6 =	sshrl.u32 s29, $0x3  }
0xb: {  	s11 =	sadd.s32 $0x1000, s4;
	s12 =	sadd.s32 $0x1400, s4;
	s6 =	sadd.s32 s6, s5  }
0xc: {  	s5 =	sadd.s32 $0x1800, s4;
	s13 =	sadd.s32 $0x94800, s19;
	s14 =	sadd.s32 $0x94B80, s19  }
0xd: {  	s15 =	sadd.s32 $0x94F00, s19;
	s16 =	sadd.s32 $0x95280, s19;
	s17 =	sadd.s32 $0x95600, s19  }
0xe: {  	v0 =	vimm.f32 $0.0e+00;
	v1 =	vimm.f32 $1.000000000e+00;
	s18 =	sadd.s32 $0x95980, s19;
	s19 =	sadd.s32 $0x95D00, s19;
	s6 =	sadd.s32 $0xC5800, s6  }
.LBB2_1:
0xf: {  	s24 =	simm.s32 $0x40;
	s25 =	simm.s32 $0x0  }
.LBB2_2:
0x10: {  	p0 =	sne.s32 s24, $0xFC0;
	[tilespmem:s25+$0x1C00] =	vst v0;
	s25 =	smov.u32 s24;
	s24 =	sadd.s32 $0x40, s24  }
.Ltmp0:
0x11: {  	(pc) =	sbr.rel @p0 .LBB2_2-.Ltmp0, $2  }
0x12: {  	_ =	sdelay $0x2  }
0x13: {  	s25 =	sshra.s32 s25, $0x2  }
0x14: {  	[tilespmem:s25+$0x1C00] =	vst v0  }
0x15: {  	[tilespmem:$0x2000] =	vst v1  }
0x16: {  	[tilespmem:$0x2010] =	vst v1  }
0x17: {  	[tilespmem:$0x2020] =	vst v1  }
0x18: {  	[tilespmem:$0x2030] =	vst v1  }
0x19: {  	[tilespmem:$0x2040] =	vst v1  }
0x1a: {  	[tilespmem:$0x2050] =	vst v1  }
0x1b: {  	[tilespmem:$0x2060] =	vst v1  }
0x1c: {  	[tilespmem:$0x2070] =	vst v1  }
0x1d: {  	[spmem:s4] =	stream.linear.scatter [tilespmem:s20], [sflag:$0x1], $0x400, $0x38;
	[tilespmem:$0x3980] =	vst v63  }
0x1e: {  	_ =	swait.ge [sflag:s21], $0x400  }
0x1f: {  	[sflag:s21] =	ssyncset.done $0x0  }
0x20: {  	[sflag:s21] =	ssyncadd.s32 $0xFFFFFC00  }
0x21: {  	[spmem:s8] =	stream.linear.scatter [tilespmem:s20], [sflag:$0x1], $0x400, $0x38;
	[tilespmem:$0x3980] =	vst v63  }
0x22: {  	_ =	swait.ge [sflag:s21], $0x400  }
0x23: {  	[sflag:s21] =	ssyncset.done $0x0  }
0x24: {  	[sflag:s21] =	ssyncadd.s32 $0xFFFFFC00  }
0x25: {  	[spmem:s9] =	stream.linear.scatter [tilespmem:s20], [sflag:$0x1], $0x400, $0x38;
	[tilespmem:$0x3980] =	vst v63  }
0x26: {  	_ =	swait.ge [sflag:s21], $0x400  }
0x27: {  	[sflag:s21] =	ssyncset.done $0x0  }
0x28: {  	[sflag:s21] =	ssyncadd.s32 $0xFFFFFC00  }
0x29: {  	[spmem:s10] =	stream.linear.scatter [tilespmem:s20], [sflag:$0x1], $0x400, $0x38;
	[tilespmem:$0x3980] =	vst v63  }
0x2a: {  	_ =	swait.ge [sflag:s21], $0x400  }
0x2b: {  	[sflag:s21] =	ssyncset.done $0x0  }
0x2c: {  	[sflag:s21] =	ssyncadd.s32 $0xFFFFFC00  }
0x2d: {  	[spmem:s11] =	stream.linear.scatter [tilespmem:s20], [sflag:$0x1], $0x400, $0x38;
	[tilespmem:$0x3980] =	vst v63  }
0x2e: {  	_ =	swait.ge [sflag:s21], $0x400  }
0x2f: {  	[sflag:s21] =	ssyncset.done $0x0  }
0x30: {  	[sflag:s21] =	ssyncadd.s32 $0xFFFFFC00  }
0x31: {  	[spmem:s12] =	stream.linear.scatter [tilespmem:s20], [sflag:$0x1], $0x400, $0x38;
	[tilespmem:$0x3980] =	vst v63  }
0x32: {  	_ =	swait.ge [sflag:s21], $0x400  }
0x33: {  	[sflag:s21] =	ssyncset.done $0x0  }
0x34: {  	[sflag:s21] =	ssyncadd.s32 $0xFFFFFC00  }
0x35: {  	[spmem:s5] =	stream.linear.scatter [tilespmem:s20], [sflag:$0x1], $0x100, $0x38;
	[tilespmem:$0x3980] =	vst v63  }
0x36: {  	_ =	swait.ge [sflag:s21], $0x100  }
0x37: {  	[sflag:s21] =	ssyncset.done $0x0  }
0x38: {  	[sflag:s21] =	ssyncadd.s32 $0xFFFFFF00  }
0x39: {  	s24 =	simm.s32 $0x0;
	[bflag:$0x0] =	sbarrier.arrive $0xFFFF  }
0x3a: {  	[tilespmem:s24], [sflag:$0x1] =	stream.linear.gather [hbm4b:s13+s24], $0x1C00, $0x38;
	[tilespmem:$0x3980] =	vst v63  }
0x3b: {  	_ =	swait.ge [sflag:s21], $0x1C00  }
0x3c: {  	[sflag:s21] =	ssyncset.done $0x0  }
0x3d: {  	s31 =	simm.s32 $0x0;
	[sflag:s21] =	ssyncadd.s32 $0xFFFFE400  }
0x3e: {  	[spmem:s2] =	stream.indirect.scatter.add.f32 [tilespmem:s23], [sflag:$0x1], $0x1, s31, s22, $0xb8;
	[tilespmem:$0x3980] =	vst v63  }
0x3f: {  	_ =	swait.ge [sflag:s21], $0x80  }
0x40: {  	s24 =	simm.s32 $0x200;
	[sflag:s21] =	ssyncset.done $0x0  }
.LBB2_4:
0x41: {  	s25 =	sshra.s32 s24, $0x2;
	[sflag:s21] =	ssyncadd.s32 $0xFFFFFF80;
	p0 =	sne.s32 s24, $0x6E00  }
0x42: {  	[spmem:s2] =	stream.indirect.scatter.add.f32 [tilespmem:s23], [sflag:$0x1], $0x1, s25, s22, $0xb8;
	[tilespmem:$0x3980] =	vst v63  }
.Ltmp1:
0x43: {  	_ = 	snop;
	(pc) =	sbr.rel @p0 .LBB2_4-.Ltmp1, $4  }
0x44: {  	_ = 	snop  }
0x45: {  	s24 =	sadd.s32 $0x200, s24  }
0x46: {  	_ =	swait.ge [sflag:s21], $0x80  }
0x47: {  	[sflag:s21] =	ssyncset.done $0x0  }
0x48: {  	[sflag:s21] =	ssyncadd.s32 $0xFFFFFF80;
	s24 =	simm.s32 $0x0  }
0x49: {  	[tilespmem:s24], [sflag:$0x1] =	stream.linear.gather [hbm4b:s14+s24], $0x1C00, $0x38;
	[tilespmem:$0x3980] =	vst v63  }
0x4a: {  	_ =	swait.ge [sflag:s21], $0x1C00  }
0x4b: {  	[sflag:s21] =	ssyncset.done $0x0  }
0x4c: {  	s31 =	simm.s32 $0x0;
	[sflag:s21] =	ssyncadd.s32 $0xFFFFE400  }
0x4d: {  	[spmem:s2] =	stream.indirect.scatter.add.f32 [tilespmem:s23], [sflag:$0x1], $0x1, s31, s22, $0xb8;
	[tilespmem:$0x3980] =	vst v63  }
0x4e: {  	_ =	swait.ge [sflag:s21], $0x80  }
0x4f: {  	s24 =	simm.s32 $0x200;
	[sflag:s21] =	ssyncset.done $0x0  }
.LBB2_6:
0x50: {  	s25 =	sshra.s32 s24, $0x2;
	[sflag:s21] =	ssyncadd.s32 $0xFFFFFF80;
	p0 =	sne.s32 s24, $0x6E00  }
0x51: {  	[spmem:s2] =	stream.indirect.scatter.add.f32 [tilespmem:s23], [sflag:$0x1], $0x1, s25, s22, $0xb8;
	[tilespmem:$0x3980] =	vst v63  }
.Ltmp2:
0x52: {  	_ = 	snop;
	(pc) =	sbr.rel @p0 .LBB2_6-.Ltmp2, $4  }
0x53: {  	_ = 	snop  }
0x54: {  	s24 =	sadd.s32 $0x200, s24  }
0x55: {  	_ =	swait.ge [sflag:s21], $0x80  }
0x56: {  	[sflag:s21] =	ssyncset.done $0x0  }
0x57: {  	[sflag:s21] =	ssyncadd.s32 $0xFFFFFF80;
	s24 =	simm.s32 $0x0  }
0x58: {  	[tilespmem:s24], [sflag:$0x1] =	stream.linear.gather [hbm4b:s15+s24], $0x1C00, $0x38;
	[tilespmem:$0x3980] =	vst v63  }
0x59: {  	_ =	swait.ge [sflag:s21], $0x1C00  }
0x5a: {  	[sflag:s21] =	ssyncset.done $0x0  }
0x5b: {  	s31 =	simm.s32 $0x0;
	[sflag:s21] =	ssyncadd.s32 $0xFFFFE400  }
0x5c: {  	[spmem:s2] =	stream.indirect.scatter.add.f32 [tilespmem:s23], [sflag:$0x1], $0x1, s31, s22, $0xb8;
	[tilespmem:$0x3980] =	vst v63  }
0x5d: {  	_ =	swait.ge [sflag:s21], $0x80  }
0x5e: {  	s24 =	simm.s32 $0x200;
	[sflag:s21] =	ssyncset.done $0x0  }
.LBB2_8:
0x5f: {  	s25 =	sshra.s32 s24, $0x2;
	[sflag:s21] =	ssyncadd.s32 $0xFFFFFF80;
	p0 =	sne.s32 s24, $0x6E00  }
0x60: {  	[spmem:s2] =	stream.indirect.scatter.add.f32 [tilespmem:s23], [sflag:$0x1], $0x1, s25, s22, $0xb8;
	[tilespmem:$0x3980] =	vst v63  }
.Ltmp3:
0x61: {  	_ = 	snop;
	(pc) =	sbr.rel @p0 .LBB2_8-.Ltmp3, $4  }
0x62: {  	_ = 	snop  }
0x63: {  	s24 =	sadd.s32 $0x200, s24  }
0x64: {  	_ =	swait.ge [sflag:s21], $0x80  }
0x65: {  	[sflag:s21] =	ssyncset.done $0x0  }
0x66: {  	[sflag:s21] =	ssyncadd.s32 $0xFFFFFF80;
	s24 =	simm.s32 $0x0  }
0x67: {  	[tilespmem:s24], [sflag:$0x1] =	stream.linear.gather [hbm4b:s16+s24], $0x1C00, $0x38;
	[tilespmem:$0x3980] =	vst v63  }
0x68: {  	_ =	swait.ge [sflag:s21], $0x1C00  }
0x69: {  	[sflag:s21] =	ssyncset.done $0x0  }
0x6a: {  	s31 =	simm.s32 $0x0;
	[sflag:s21] =	ssyncadd.s32 $0xFFFFE400  }
0x6b: {  	[spmem:s2] =	stream.indirect.scatter.add.f32 [tilespmem:s23], [sflag:$0x1], $0x1, s31, s22, $0xb8;
	[tilespmem:$0x3980] =	vst v63  }
0x6c: {  	_ =	swait.ge [sflag:s21], $0x80  }
0x6d: {  	s24 =	simm.s32 $0x200;
	[sflag:s21] =	ssyncset.done $0x0  }
.LBB2_10:
0x6e: {  	s25 =	sshra.s32 s24, $0x2;
	[sflag:s21] =	ssyncadd.s32 $0xFFFFFF80;
	p0 =	sne.s32 s24, $0x6E00  }
0x6f: {  	[spmem:s2] =	stream.indirect.scatter.add.f32 [tilespmem:s23], [sflag:$0x1], $0x1, s25, s22, $0xb8;
	[tilespmem:$0x3980] =	vst v63  }
.Ltmp4:
0x70: {  	_ = 	snop;
	(pc) =	sbr.rel @p0 .LBB2_10-.Ltmp4, $4  }
0x71: {  	_ = 	snop  }
0x72: {  	s24 =	sadd.s32 $0x200, s24  }
0x73: {  	_ =	swait.ge [sflag:s21], $0x80  }
0x74: {  	[sflag:s21] =	ssyncset.done $0x0  }
0x75: {  	[sflag:s21] =	ssyncadd.s32 $0xFFFFFF80;
	s24 =	simm.s32 $0x0  }
0x76: {  	[tilespmem:s24], [sflag:$0x1] =	stream.linear.gather [hbm4b:s17+s24], $0x1C00, $0x38;
	[tilespmem:$0x3980] =	vst v63  }
0x77: {  	_ =	swait.ge [sflag:s21], $0x1C00  }
0x78: {  	[sflag:s21] =	ssyncset.done $0x0  }
0x79: {  	s31 =	simm.s32 $0x0;
	[sflag:s21] =	ssyncadd.s32 $0xFFFFE400  }
0x7a: {  	[spmem:s2] =	stream.indirect.scatter.add.f32 [tilespmem:s23], [sflag:$0x1], $0x1, s31, s22, $0xb8;
	[tilespmem:$0x3980] =	vst v63  }
0x7b: {  	_ =	swait.ge [sflag:s21], $0x80  }
0x7c: {  	s24 =	simm.s32 $0x200;
	[sflag:s21] =	ssyncset.done $0x0  }
.LBB2_12:
0x7d: {  	s25 =	sshra.s32 s24, $0x2;
	[sflag:s21] =	ssyncadd.s32 $0xFFFFFF80;
	p0 =	sne.s32 s24, $0x6E00  }
0x7e: {  	[spmem:s2] =	stream.indirect.scatter.add.f32 [tilespmem:s23], [sflag:$0x1], $0x1, s25, s22, $0xb8;
	[tilespmem:$0x3980] =	vst v63  }
.Ltmp5:
0x7f: {  	_ = 	snop;
	(pc) =	sbr.rel @p0 .LBB2_12-.Ltmp5, $4  }
0x80: {  	_ = 	snop  }
0x81: {  	s24 =	sadd.s32 $0x200, s24  }
0x82: {  	_ =	swait.ge [sflag:s21], $0x80  }
0x83: {  	[sflag:s21] =	ssyncset.done $0x0  }
0x84: {  	[sflag:s21] =	ssyncadd.s32 $0xFFFFFF80;
	s24 =	simm.s32 $0x0  }
0x85: {  	[tilespmem:s24], [sflag:$0x1] =	stream.linear.gather [hbm4b:s18+s24], $0x1C00, $0x38;
	[tilespmem:$0x3980] =	vst v63  }
0x86: {  	_ =	swait.ge [sflag:s21], $0x1C00  }
0x87: {  	[sflag:s21] =	ssyncset.done $0x0  }
0x88: {  	s31 =	simm.s32 $0x0;
	[sflag:s21] =	ssyncadd.s32 $0xFFFFE400  }
0x89: {  	[spmem:s2] =	stream.indirect.scatter.add.f32 [tilespmem:s23], [sflag:$0x1], $0x1, s31, s22, $0xb8;
	[tilespmem:$0x3980] =	vst v63  }
0x8a: {  	_ =	swait.ge [sflag:s21], $0x80  }
0x8b: {  	s24 =	simm.s32 $0x200;
	[sflag:s21] =	ssyncset.done $0x0  }
.LBB2_14:
0x8c: {  	s25 =	sshra.s32 s24, $0x2;
	[sflag:s21] =	ssyncadd.s32 $0xFFFFFF80;
	p0 =	sne.s32 s24, $0x6E00  }
0x8d: {  	[spmem:s2] =	stream.indirect.scatter.add.f32 [tilespmem:s23], [sflag:$0x1], $0x1, s25, s22, $0xb8;
	[tilespmem:$0x3980] =	vst v63  }
.Ltmp6:
0x8e: {  	_ = 	snop;
	(pc) =	sbr.rel @p0 .LBB2_14-.Ltmp6, $4  }
0x8f: {  	_ = 	snop  }
0x90: {  	s24 =	sadd.s32 $0x200, s24  }
0x91: {  	_ =	swait.ge [sflag:s21], $0x80  }
0x92: {  	[sflag:s21] =	ssyncset.done $0x0  }
0x93: {  	[sflag:s21] =	ssyncadd.s32 $0xFFFFFF80;
	s24 =	simm.s32 $0x0  }
0x94: {  	[tilespmem:s24], [sflag:$0x1] =	stream.linear.gather [hbm4b:s19+s24], $0x1C00, $0x38;
	[tilespmem:$0x3980] =	vst v63  }
0x95: {  	_ =	swait.ge [sflag:s21], $0x1C00  }
0x96: {  	[sflag:s21] =	ssyncset.done $0x0  }
0x97: {  	s31 =	simm.s32 $0x0;
	[sflag:s21] =	ssyncadd.s32 $0xFFFFE400  }
0x98: {  	[spmem:s2] =	stream.indirect.scatter.add.f32 [tilespmem:s23], [sflag:$0x1], $0x1, s31, s22, $0xb8;
	[tilespmem:$0x3980] =	vst v63  }
0x99: {  	_ =	swait.ge [sflag:s21], $0x80  }
0x9a: {  	s24 =	simm.s32 $0x200;
	[sflag:s21] =	ssyncset.done $0x0  }
.LBB2_16:
0x9b: {  	s25 =	sshra.s32 s24, $0x2;
	[sflag:s21] =	ssyncadd.s32 $0xFFFFFF80;
	p0 =	sne.s32 s24, $0x6E00  }
0x9c: {  	[spmem:s2] =	stream.indirect.scatter.add.f32 [tilespmem:s23], [sflag:$0x1], $0x1, s25, s22, $0xb8;
	[tilespmem:$0x3980] =	vst v63  }
.Ltmp7:
0x9d: {  	_ = 	snop;
	(pc) =	sbr.rel @p0 .LBB2_16-.Ltmp7, $4  }
0x9e: {  	_ = 	snop  }
0x9f: {  	s24 =	sadd.s32 $0x200, s24  }
0xa0: {  	_ =	swait.ge [sflag:s21], $0x80  }
0xa1: {  	[sflag:s21] =	ssyncset.done $0x0  }
0xa2: {  	[sflag:s21] =	ssyncadd.s32 $0xFFFFFF80;
	s3 =	sadd.s32 $0x1, s3  }
0xa3: {  	s24 =	sshll.u32 s0, $0x6;
	s25 =	sshrl.u32 s4, $0x3;
	p0 =	sne.s32 s3, s7  }
.Ltmp8:
0xa4: {  	[bflag:$0x0] =	sbarrier.arrive $0xFFFF;
	s24 =	sor.u32 $0x1C01, s24;
	(pc) =	sbr.rel @p0 .LBB2_1-.Ltmp8, $4  }
0xa5: {  	[hbm:s6], [sflag:s24] =	dma.local [spmem:s25], $0x320  }
0xa6: {  	_ =	swait.ge [sflag:s21], $0x320  }
0xa7: {  	[sflag:s21] =	ssyncset.done $0x0  }
0xa8: {  	[sflag:s21] =	ssyncadd.s32 $0xFFFFFCE0  }
0xa9: {  	_ =	sfence.sel $0x180000  }
0xaa: {  	[bflag:$0x0] =	sbarrier.arrive $0xFFFF  }
0xab: {  	p0 =	sne.s32 s0, $0x0;
	_ =	strace $0x90000047  }
0xac: {  	s0 =	sadd.s32 @!p0 $0x100000, s1;
	[bflag:$0x2] =	sbarrier.arrive $0xFFFF  }
0xad: {  	[sflag:s0] =	ssyncadd.tile.s32 @!p0 $0x1;
	_ =	shalt  }
.Lfunc_end2:
_tile_overlayer_lowered:
.L_overlay_start_2:
0xae: {  	(tag) =	ssettag $0x2  }
0xaf: {  	s0 =	rddreg [dreg:$0x0];
	s2 =	stileid.u32  }
0xb0: {  	s1 =	rddreg [dreg:$0x1];
	p0 =	sne.s32 s2, $0x0  }
0xb1: {  	s3 =	rddreg [dreg:$0x2];
	[bflag:$0x3] =	sbarrier.arrive $0xFFFF;
	s2 =	simm.s32 @!p0 $0x1C01  }
0xb2: {  	[timem:s3], [sflag:s2] =	dma.local @!p0 [hbm:s0], s1  }
0xb3: {  	s0 =	simm.s32 @!p0 $0x1  }
0xb4: {  	_ =	swait.ge @!p0 [sflag:s0], s1  }
0xb5: {  	s1 =	ssub.s32 @!p0 $0x0, s1;
	[sflag:s0] =	ssyncset.done @!p0 $0x0  }
0xb6: {  	[sflag:s0] =	ssyncadd.s32 @!p0 s1  }
0xb7: {  	[bflag:$0x3] =	sbarrier.arrive $0xFFFF  }
0xb8: {  	_ =	shalt  }

</sc_bundles>
